<compile_context>
chip_gen: v7x
topology: tpu7x:2x2x1
jax: 0.10.2.dev20260603
libtpu: 0.0.44.dev20260713+nightly
codegen_flags: <defaults>
</compile_context>

<pallas_src>
import functools

import jax
import jax.numpy as jnp
from jax import lax
from jax.experimental import pallas as pl
from jax.experimental.pallas import tpu as pltpu
from jax.experimental.pallas import tpu_sc as plsc

N = 10000
E = 640000
D_IN = 32
H = 128
OUT = 4

NC = 2
NS = 16
NW = NC * NS
CH = 128
NBUF = 8
NCH = 160
NG = NCH // NBUF
EPW = NCH * CH
E_PAD = NW * EPW
NP = 10240
ZR = NP // NS

B1 = 1280
G1 = NP // B1


def _tc1_body(f, w_in, b_in, wl1, wr1, wl2, wr2, wo, o_ref):
    x = jnp.dot(f[...], w_in[...], preferred_element_type=jnp.float32) + b_in[...]
    x0 = jnp.where(x >= 0, x, 0.01 * x)
    a = jnp.dot(wl2[...], wo[...], preferred_element_type=jnp.float32)
    b = jnp.dot(wr2[...], wo[...], preferred_element_type=jnp.float32)
    m1 = jnp.dot(wl1[...], a, preferred_element_type=jnp.float32)
    mq = (jnp.dot(wl1[...], b, preferred_element_type=jnp.float32)
          + jnp.dot(wr1[...], a, preferred_element_type=jnp.float32))
    m3 = jnp.dot(wr1[...], b, preferred_element_type=jnp.float32)
    p = jnp.dot(x0, m1, preferred_element_type=jnp.float32)
    q = jnp.dot(x0, mq, preferred_element_type=jnp.float32)
    r = jnp.dot(x0, m3, preferred_element_type=jnp.float32)
    ones = jnp.ones((B1, 1), jnp.float32)
    zeros3 = jnp.zeros((B1, 3), jnp.float32)
    o_ref[...] = jnp.concatenate([p, q, ones, r, zeros3], axis=1)


def _tc1(fpad, w_in, b_in2, wl1, wr1, wl2, wr2, wo):
    full = lambda s: pl.BlockSpec(s, lambda i: (0, 0))
    return pl.pallas_call(
        _tc1_body,
        grid=(G1,),
        in_specs=[
            pl.BlockSpec((B1, D_IN), lambda i: (i, 0)),
            full((D_IN, H)), full((1, H)), full((H, H)), full((H, H)),
            full((H, H)), full((H, H)), full((H, OUT)),
        ],
        out_specs=pl.BlockSpec((B1, 16), lambda i: (i, 0)),
        out_shape=jax.ShapeDtypeStruct((NP, 16), jnp.float32),
    )(fpad, w_in, b_in2, wl1, wr1, wl2, wr2, wo)


def _edge_body(vals_hbm, src_hbm, dst_hbm, zrows_hbm, out_hbm,
               shared_acc, srcv, dstv, rows, sem, ssem):
    c = lax.axis_index("c")
    s = lax.axis_index("s")
    wid = s * NC + c
    pltpu.sync_copy(zrows_hbm, shared_acc.at[pl.ds(s * ZR, ZR)])
    plsc.subcore_barrier()
    pltpu.sync_copy(src_hbm.at[wid], srcv)
    pltpu.sync_copy(dst_hbm.at[wid], dstv)

    def group(g, carry):
        j0 = g * NBUF
        gathers = [
            pltpu.async_copy(vals_hbm.at[srcv.at[j0 + b]], rows.at[b], sem)
            for b in range(NBUF)
        ]
        for d in gathers:
            d.wait()
        scatters = [
            pltpu.async_copy(rows.at[b], shared_acc.at[dstv.at[j0 + b]],
                             ssem, add=True)
            for b in range(NBUF)
        ]
        for d in scatters:
            d.wait()
        return carry

    lax.fori_loop(0, NG, group, 0)
    plsc.subcore_barrier()
    pltpu.sync_copy(shared_acc.at[pl.ds(s * ZR, ZR)],
                    out_hbm.at[c].at[pl.ds(s * ZR, ZR)])


def _edge_pass(vals16, src3, dst3, zrows):
    mesh = plsc.VectorSubcoreMesh(core_axis_name="c", subcore_axis_name="s")
    fn = pl.kernel(
        _edge_body,
        out_type=jax.ShapeDtypeStruct((NC, NP, 16), jnp.float32),
        mesh=mesh,
        scratch_types=[
            pltpu.VMEM_SHARED((NP, 16), jnp.float32),
            pltpu.VMEM((NCH, CH), jnp.int32),
            pltpu.VMEM((NCH, CH), jnp.int32),
            pltpu.VMEM((NBUF, CH, 16), jnp.float32),
            pltpu.SemaphoreType.DMA,
            pltpu.SemaphoreType.DMA,
        ],
        compiler_params=pltpu.CompilerParams(use_tc_tiling_on_sc=False),
    )
    return fn(vals16, src3, dst3, zrows)


def _comb_body(acc, pq, wl2, wr2, wo, bl1, bl2, bo, u_ref, s_ref):
    av = acc[...]
    sm = av[0] + av[1]
    cnt = sm[:, 8:9]
    dinv = 1.0 / jnp.maximum(cnt, 1.0)
    row = sm * dinv
    ones = jnp.ones((B1, 1), jnp.float32)
    u_ref[...] = jnp.concatenate(
        [row[:, 0:4], jnp.zeros((B1, 4), jnp.float32), ones,
         jnp.zeros((B1, 7), jnp.float32)], axis=1)
    a = jnp.dot(wl2[...], wo[...], preferred_element_type=jnp.float32)
    b = jnp.dot(wr2[...], wo[...], preferred_element_type=jnp.float32)
    c1 = jnp.dot(bl1[...], a, preferred_element_type=jnp.float32)
    c0 = (jnp.dot(bl1[...], b, preferred_element_type=jnp.float32)
          + jnp.dot(bl2[...], wo[...], preferred_element_type=jnp.float32)
          + bo[...])
    m = row[:, 8:9]
    s_ref[...] = row[:, 4:8] + m * c1 + pq[:, 9:13] + c0


def _combine(acc, pq16, wl2, wr2, wo, bl1_2, bl2_2, bo2):
    full = lambda s: pl.BlockSpec(s, lambda i: (0, 0))
    return pl.pallas_call(
        _comb_body,
        grid=(G1,),
        in_specs=[
            pl.BlockSpec((NC, B1, 16), lambda i: (0, i, 0)),
            pl.BlockSpec((B1, 16), lambda i: (i, 0)),
            full((H, H)), full((H, H)), full((H, OUT)),
            full((1, H)), full((1, H)), full((1, OUT)),
        ],
        out_specs=[
            pl.BlockSpec((B1, 16), lambda i: (i, 0)),
            pl.BlockSpec((B1, OUT), lambda i: (i, 0)),
        ],
        out_shape=[
            jax.ShapeDtypeStruct((NP, 16), jnp.float32),
            jax.ShapeDtypeStruct((NP, OUT), jnp.float32),
        ],
    )(acc, pq16, wl2, wr2, wo, bl1_2, bl2_2, bo2)


def _fin_body(acc, s4, o_ref):
    av = acc[...]
    sm = av[0] + av[1]
    cnt = sm[:, 8:9]
    dinv = 1.0 / jnp.maximum(cnt, 1.0)
    o_ref[...] = sm[:, 0:4] * dinv + s4[...]


def _final(acc2, s4):
    return pl.pallas_call(
        _fin_body,
        grid=(G1,),
        in_specs=[
            pl.BlockSpec((NC, B1, 16), lambda i: (0, i, 0)),
            pl.BlockSpec((B1, OUT), lambda i: (i, 0)),
        ],
        out_specs=pl.BlockSpec((B1, OUT), lambda i: (i, 0)),
        out_shape=jax.ShapeDtypeStruct((NP, OUT), jnp.float32),
    )(acc2, s4)


def kernel(feature, edge_index, edge_type, W_in, b_in, Wl1, bl1, Wr1,
           Wl2, bl2, Wr2, Wo, bo):
    del edge_type
    f32 = jnp.float32
    fpad = jnp.zeros((NP, D_IN), f32).at[:N].set(feature.astype(f32))
    src = edge_index[0]
    dst = edge_index[1]
    pad = jnp.full((E_PAD - E,), NP - 1, jnp.int32)
    src3 = jnp.concatenate([src, pad]).reshape(NW, NCH, CH)
    dst3 = jnp.concatenate([dst, pad]).reshape(NW, NCH, CH)
    zrows = jnp.zeros((ZR, 16), f32)

    b_in2 = b_in.reshape(1, H)
    bl1_2 = bl1.reshape(1, H)
    bl2_2 = bl2.reshape(1, H)
    bo2 = bo.reshape(1, OUT)

    pq16 = _tc1(fpad, W_in, b_in2, Wl1, Wr1, Wl2, Wr2, Wo)
    acc1 = _edge_pass(pq16, src3, dst3, zrows)
    u16, s4 = _combine(acc1, pq16, Wl2, Wr2, Wo, bl1_2, bl2_2, bo2)
    acc2 = _edge_pass(u16, src3, dst3, zrows)
    outp = _final(acc2, s4)
    return outp[:N]

# --- scband reference (transcript-rebuilt; emitter-appended) ---
"""Pipeline reference for scband-sage-83502754168881 (READ-ONLY COPY).

The authoritative reference and input builder live on the scoring server;
editing this copy changes nothing except your own understanding.
"""

import jax, jax.numpy as jnp
import numpy as np

N = 10000
E = 640000
D_IN = 32
H = 128
OUT = 4


def setup_inputs(seed: int = 0) -> dict:
    key = jax.random.key(seed)
    ks = jax.random.split(key, 16)
    feature = jax.random.normal(ks[0], (N, D_IN), dtype=jnp.float32)
    edge_index = jax.random.randint(ks[1], (2, E), 0, N, dtype=jnp.int32)
    edge_type = jax.random.randint(ks[2], (E,), 0, 2, dtype=jnp.int32)

    def lin(k, fan_in, shape):
        return (jax.random.uniform(k, shape, dtype=jnp.float32) * 2.0 - 1.0) / np.sqrt(fan_in)

    W_in = lin(ks[3], D_IN, (D_IN, H))
    b_in = lin(ks[4], D_IN, (H,))
    Wl1 = lin(ks[5], H, (H, H))
    bl1 = lin(ks[6], H, (H,))
    Wr1 = lin(ks[7], H, (H, H))
    Wl2 = lin(ks[8], H, (H, H))
    bl2 = lin(ks[9], H, (H,))
    Wr2 = lin(ks[10], H, (H, H))
    Wo = lin(ks[11], H, (H, OUT))
    bo = lin(ks[12], H, (OUT,))
    return {"feature": feature, "edge_index": edge_index, "edge_type": edge_type,
            "W_in": W_in, "b_in": b_in, "Wl1": Wl1, "bl1": bl1, "Wr1": Wr1,
            "Wl2": Wl2, "bl2": bl2, "Wr2": Wr2, "Wo": Wo, "bo": bo}


def _sage_conv(x, src, dst, Wl, bl, Wr):
    # PyG SAGEConv (aggr='mean', root_weight=True): out = lin_l(mean_j x_j) + lin_r(x_i)
    msg = jnp.take(x, src, axis=0)
    s = jax.ops.segment_sum(msg, dst, num_segments=N)
    cnt = jax.ops.segment_sum(jnp.ones((E,), dtype=x.dtype), dst, num_segments=N)
    agg = s / jnp.maximum(cnt, 1.0)[:, None]
    return agg @ Wl + bl + x @ Wr


def reference(feature, edge_index, edge_type, W_in, b_in, Wl1, bl1, Wr1, Wl2, bl2, Wr2, Wo, bo):
    src = edge_index[0]
    dst = edge_index[1]
    x = feature.astype(jnp.float32) @ W_in + b_in
    x = jnp.where(x >= 0, x, 0.01 * x)  # LeakyReLU
    x = _sage_conv(x, src, dst, Wl1, bl1, Wr1)
    # dropout inactive in eval mode
    x = _sage_conv(x, src, dst, Wl2, bl2, Wr2)
    out = x @ Wo + bo
    return out

if __name__ == "__main__":
    import jax
    _d = setup_inputs()
    print(jax.jit(kernel)(*tuple(_d.values())))

</pallas_src>

<mosaic_0001>
#map = affine_map<(d0, d1) -> (0, 0)>
#map1 = affine_map<(d0, d1) -> (0, 0, 0)>
module attributes {stable_mosaic.version = 14 : i64} {
  func.func @_edge_body(%arg0: i32, %arg1: i32, %arg2: memref<10240x16xf32, #tpu.memory_space<hbm>>, %arg3: memref<32x160x128xi32, #tpu.memory_space<hbm>>, %arg4: memref<32x160x128xi32, #tpu.memory_space<hbm>>, %arg5: memref<640x16xf32, #tpu.memory_space<hbm>>, %arg6: memref<2x10240x16xf32, #tpu.memory_space<hbm>>, %arg7: memref<10240x16xf32, #tpu.memory_space<vmem_shared>>, %arg8: memref<160x128xi32, #tpu.memory_space<vmem>>, %arg9: memref<160x128xi32, #tpu.memory_space<vmem>>, %arg10: memref<8x128x16xf32, #tpu.memory_space<vmem>>, %arg11: memref<!tpu.dma_semaphore, #tpu.memory_space<semaphore_mem>>, %arg12: memref<!tpu.dma_semaphore, #tpu.memory_space<semaphore_mem>>) attributes {dimension_semantics = [#tpu.dimension_semantics<core_parallel>, #tpu.dimension_semantics<subcore_parallel>], iteration_bounds = array<i64: 2, 16>, scalar_prefetch = 0 : i64, scratch_operands = 6 : i64, tpu.core_type = #tpu.core_type<sc_vector_subcore>, window_params = [{transform_indices = #map}, {transform_indices = #map1}, {transform_indices = #map1}, {transform_indices = #map}, {transform_indices = #map1}]} {
    %mul3A = arith.constant 2 : i32
    %mul3A_0 = arith.muli %arg1, %mul3A : i32
    %add3A = arith.addi %mul3A_0, %arg0 : i32
    %mul3A_1 = arith.constant 640 : i32
    %mul3A_2 = arith.muli %arg1, %mul3A_1 : i32
    "tpu.region"() ({
      %run_scoped3A = tpu.sem_alloc : memref<!tpu.dma_semaphore, #tpu.memory_space<semaphore_mem>>
      %dma_start3A = arith.constant 0 : i32
      %dma_start3A_13 = tpu.memref_slice %arg7[%mul3A_2, %dma_start3A] : memref<10240x16xf32, #tpu.memory_space<vmem_shared>> -> memref<640x16xf32, #tpu.memory_space<vmem_shared>>
      tpu.enqueue_dma source(%arg5 : memref<640x16xf32, #tpu.memory_space<hbm>>) target(%dma_start3A_13 : memref<640x16xf32, #tpu.memory_space<vmem_shared>>) target_semaphore(%run_scoped3A : memref<!tpu.dma_semaphore, #tpu.memory_space<semaphore_mem>>)
      %dma_wait3A = arith.constant 0 : i32
      %dma_wait3A_14 = tpu.memref_slice %arg7[%mul3A_2, %dma_wait3A] : memref<10240x16xf32, #tpu.memory_space<vmem_shared>> -> memref<640x16xf32, #tpu.memory_space<vmem_shared>>
      tpu.wait_dma2 semaphore(%run_scoped3A : memref<!tpu.dma_semaphore, #tpu.memory_space<semaphore_mem>>) src(%arg5 : memref<640x16xf32, #tpu.memory_space<hbm>>) dst(%dma_wait3A_14 : memref<640x16xf32, #tpu.memory_space<vmem_shared>>)
      tpu.yield
    }) : () -> ()
    %barrier3A = arith.constant 0 : index
    tpu.barrier barrier_id(%barrier3A)
    "tpu.region"() ({
      %run_scoped3A = tpu.sem_alloc : memref<!tpu.dma_semaphore, #tpu.memory_space<semaphore_mem>>
      %dma_start3A = arith.constant 0 : i32
      %dma_start3A_13 = arith.constant 0 : i32
      %dma_start3A_14 = tpu.memref_slice %arg3[%add3A, %dma_start3A, %dma_start3A_13] : memref<32x160x128xi32, #tpu.memory_space<hbm>> -> memref<1x160x128xi32, #tpu.memory_space<hbm>>
      %dma_start3A_15 = tpu.memref_squeeze %dma_start3A_14 : memref<1x160x128xi32, #tpu.memory_space<hbm>> -> memref<160x128xi32, #tpu.memory_space<hbm>>
      %dma_start3A_16 = arith.constant 0 : i32
      %dma_start3A_17 = arith.constant 0 : i32
      %dma_start3A_18 = tpu.memref_slice %arg3[%add3A, %dma_start3A_16, %dma_start3A_17] : memref<32x160x128xi32, #tpu.memory_space<hbm>> -> memref<1x160x128xi32, #tpu.memory_space<hbm>>
      %dma_start3A_19 = tpu.memref_squeeze %dma_start3A_18 : memref<1x160x128xi32, #tpu.memory_space<hbm>> -> memref<160x128xi32, #tpu.memory_space<hbm>>
      tpu.enqueue_dma source(%dma_start3A_19 : memref<160x128xi32, #tpu.memory_space<hbm>>) target(%arg8 : memref<160x128xi32, #tpu.memory_space<vmem>>) target_semaphore(%run_scoped3A : memref<!tpu.dma_semaphore, #tpu.memory_space<semaphore_mem>>)
      %dma_wait3A = arith.constant 0 : i32
      %dma_wait3A_20 = arith.constant 0 : i32
      %dma_wait3A_21 = tpu.memref_slice %arg3[%add3A, %dma_wait3A, %dma_wait3A_20] : memref<32x160x128xi32, #tpu.memory_space<hbm>> -> memref<1x160x128xi32, #tpu.memory_space<hbm>>
      %dma_wait3A_22 = tpu.memref_squeeze %dma_wait3A_21 : memref<1x160x128xi32, #tpu.memory_space<hbm>> -> memref<160x128xi32, #tpu.memory_space<hbm>>
      %dma_wait3A_23 = arith.constant 0 : i32
      %dma_wait3A_24 = arith.constant 0 : i32
      %dma_wait3A_25 = tpu.memref_slice %arg3[%add3A, %dma_wait3A_23, %dma_wait3A_24] : memref<32x160x128xi32, #tpu.memory_space<hbm>> -> memref<1x160x128xi32, #tpu.memory_space<hbm>>
      %dma_wait3A_26 = tpu.memref_squeeze %dma_wait3A_25 : memref<1x160x128xi32, #tpu.memory_space<hbm>> -> memref<160x128xi32, #tpu.memory_space<hbm>>
      tpu.wait_dma2 semaphore(%run_scoped3A : memref<!tpu.dma_semaphore, #tpu.memory_space<semaphore_mem>>) src(%dma_wait3A_26 : memref<160x128xi32, #tpu.memory_space<hbm>>) dst(%arg8 : memref<160x128xi32, #tpu.memory_space<vmem>>)
      tpu.yield
    }) : () -> ()
    "tpu.region"() ({
      %run_scoped3A = tpu.sem_alloc : memref<!tpu.dma_semaphore, #tpu.memory_space<semaphore_mem>>
      %dma_start3A = arith.constant 0 : i32
      %dma_start3A_13 = arith.constant 0 : i32
      %dma_start3A_14 = tpu.memref_slice %arg4[%add3A, %dma_start3A, %dma_start3A_13] : memref<32x160x128xi32, #tpu.memory_space<hbm>> -> memref<1x160x128xi32, #tpu.memory_space<hbm>>
      %dma_start3A_15 = tpu.memref_squeeze %dma_start3A_14 : memref<1x160x128xi32, #tpu.memory_space<hbm>> -> memref<160x128xi32, #tpu.memory_space<hbm>>
      %dma_start3A_16 = arith.constant 0 : i32
      %dma_start3A_17 = arith.constant 0 : i32
      %dma_start3A_18 = tpu.memref_slice %arg4[%add3A, %dma_start3A_16, %dma_start3A_17] : memref<32x160x128xi32, #tpu.memory_space<hbm>> -> memref<1x160x128xi32, #tpu.memory_space<hbm>>
      %dma_start3A_19 = tpu.memref_squeeze %dma_start3A_18 : memref<1x160x128xi32, #tpu.memory_space<hbm>> -> memref<160x128xi32, #tpu.memory_space<hbm>>
      tpu.enqueue_dma source(%dma_start3A_19 : memref<160x128xi32, #tpu.memory_space<hbm>>) target(%arg9 : memref<160x128xi32, #tpu.memory_space<vmem>>) target_semaphore(%run_scoped3A : memref<!tpu.dma_semaphore, #tpu.memory_space<semaphore_mem>>)
      %dma_wait3A = arith.constant 0 : i32
      %dma_wait3A_20 = arith.constant 0 : i32
      %dma_wait3A_21 = tpu.memref_slice %arg4[%add3A, %dma_wait3A, %dma_wait3A_20] : memref<32x160x128xi32, #tpu.memory_space<hbm>> -> memref<1x160x128xi32, #tpu.memory_space<hbm>>
      %dma_wait3A_22 = tpu.memref_squeeze %dma_wait3A_21 : memref<1x160x128xi32, #tpu.memory_space<hbm>> -> memref<160x128xi32, #tpu.memory_space<hbm>>
      %dma_wait3A_23 = arith.constant 0 : i32
      %dma_wait3A_24 = arith.constant 0 : i32
      %dma_wait3A_25 = tpu.memref_slice %arg4[%add3A, %dma_wait3A_23, %dma_wait3A_24] : memref<32x160x128xi32, #tpu.memory_space<hbm>> -> memref<1x160x128xi32, #tpu.memory_space<hbm>>
      %dma_wait3A_26 = tpu.memref_squeeze %dma_wait3A_25 : memref<1x160x128xi32, #tpu.memory_space<hbm>> -> memref<160x128xi32, #tpu.memory_space<hbm>>
      tpu.wait_dma2 semaphore(%run_scoped3A : memref<!tpu.dma_semaphore, #tpu.memory_space<semaphore_mem>>) src(%dma_wait3A_26 : memref<160x128xi32, #tpu.memory_space<hbm>>) dst(%arg9 : memref<160x128xi32, #tpu.memory_space<vmem>>)
      tpu.yield
    }) : () -> ()
    %scan3A = arith.constant 0 : i32
    %scan3A_3 = arith.constant 0 : i32
    %scan3A_4 = arith.constant 20 : i32
    %scan3A_5 = arith.addi %scan3A_3, %scan3A_4 : i32
    %scan3A_6 = arith.constant 1 : i32
    scf.for %scan3A_13 = %scan3A_3 to %scan3A_5 step %scan3A_6  : i32 {
      %mul3A_14 = arith.constant 8 : i32
      %mul3A_15 = arith.muli %scan3A_13, %mul3A_14 : i32
      %add3A_16 = arith.constant 0 : i32
      %add3A_17 = arith.addi %mul3A_15, %add3A_16 : i32
      %dma_start3A = arith.constant 0 : i32
      %dma_start3A_18 = arith.constant 0 : i32
      %dma_start3A_19 = arith.constant 0 : i32
      %dma_start3A_20 = tpu.memref_slice %arg10[%dma_start3A, %dma_start3A_18, %dma_start3A_19] : memref<8x128x16xf32, #tpu.memory_space<vmem>> -> memref<1x128x16xf32, #tpu.memory_space<vmem>>
      %dma_start3A_21 = tpu.memref_squeeze %dma_start3A_20 : memref<1x128x16xf32, #tpu.memory_space<vmem>> -> memref<128x16xf32, #tpu.memory_space<vmem>>
      %dma_start3A_22 = arith.constant 0 : i32
      %dma_start3A_23 = tpu.memref_slice %arg8[%add3A_17, %dma_start3A_22] : memref<160x128xi32, #tpu.memory_space<vmem>> -> memref<1x128xi32, #tpu.memory_space<vmem>>
      %dma_start3A_24 = tpu.memref_squeeze %dma_start3A_23 : memref<1x128xi32, #tpu.memory_space<vmem>> -> memref<128xi32, #tpu.memory_space<vmem>>
      %dma_start3A_25 = arith.constant 0 : i32
      %dma_start3A_26 = arith.constant 0 : i32
      %dma_start3A_27 = tpu.memref_slice %arg2[%dma_start3A_25, %dma_start3A_26] : memref<10240x16xf32, #tpu.memory_space<hbm>> -> memref<10240x16xf32, #tpu.memory_space<hbm>>
      tpu.enqueue_indirect_dma source(%dma_start3A_27 : memref<10240x16xf32, #tpu.memory_space<hbm>>) target(%dma_start3A_21 : memref<128x16xf32, #tpu.memory_space<vmem>>) offsets(%dma_start3A_24 : memref<128xi32, #tpu.memory_space<vmem>>) semaphore(%arg11 : memref<!tpu.dma_semaphore, #tpu.memory_space<semaphore_mem>>)
      %add3A_28 = arith.constant 1 : i32
      %add3A_29 = arith.addi %mul3A_15, %add3A_28 : i32
      %dma_start3A_30 = arith.constant 1 : i32
      %dma_start3A_31 = arith.constant 0 : i32
      %dma_start3A_32 = arith.constant 0 : i32
      %dma_start3A_33 = tpu.memref_slice %arg10[%dma_start3A_30, %dma_start3A_31, %dma_start3A_32] : memref<8x128x16xf32, #tpu.memory_space<vmem>> -> memref<1x128x16xf32, #tpu.memory_space<vmem>>
      %dma_start3A_34 = tpu.memref_squeeze %dma_start3A_33 : memref<1x128x16xf32, #tpu.memory_space<vmem>> -> memref<128x16xf32, #tpu.memory_space<vmem>>
      %dma_start3A_35 = arith.constant 0 : i32
      %dma_start3A_36 = tpu.memref_slice %arg8[%add3A_29, %dma_start3A_35] : memref<160x128xi32, #tpu.memory_space<vmem>> -> memref<1x128xi32, #tpu.memory_space<vmem>>
      %dma_start3A_37 = tpu.memref_squeeze %dma_start3A_36 : memref<1x128xi32, #tpu.memory_space<vmem>> -> memref<128xi32, #tpu.memory_space<vmem>>
      %dma_start3A_38 = arith.constant 0 : i32
      %dma_start3A_39 = arith.constant 0 : i32
      %dma_start3A_40 = tpu.memref_slice %arg2[%dma_start3A_38, %dma_start3A_39] : memref<10240x16xf32, #tpu.memory_space<hbm>> -> memref<10240x16xf32, #tpu.memory_space<hbm>>
      tpu.enqueue_indirect_dma source(%dma_start3A_40 : memref<10240x16xf32, #tpu.memory_space<hbm>>) target(%dma_start3A_34 : memref<128x16xf32, #tpu.memory_space<vmem>>) offsets(%dma_start3A_37 : memref<128xi32, #tpu.memory_space<vmem>>) semaphore(%arg11 : memref<!tpu.dma_semaphore, #tpu.memory_space<semaphore_mem>>)
      %add3A_41 = arith.constant 2 : i32
      %add3A_42 = arith.addi %mul3A_15, %add3A_41 : i32
      %dma_start3A_43 = arith.constant 2 : i32
      %dma_start3A_44 = arith.constant 0 : i32
      %dma_start3A_45 = arith.constant 0 : i32
      %dma_start3A_46 = tpu.memref_slice %arg10[%dma_start3A_43, %dma_start3A_44, %dma_start3A_45] : memref<8x128x16xf32, #tpu.memory_space<vmem>> -> memref<1x128x16xf32, #tpu.memory_space<vmem>>
      %dma_start3A_47 = tpu.memref_squeeze %dma_start3A_46 : memref<1x128x16xf32, #tpu.memory_space<vmem>> -> memref<128x16xf32, #tpu.memory_space<vmem>>
      %dma_start3A_48 = arith.constant 0 : i32
      %dma_start3A_49 = tpu.memref_slice %arg8[%add3A_42, %dma_start3A_48] : memref<160x128xi32, #tpu.memory_space<vmem>> -> memref<1x128xi32, #tpu.memory_space<vmem>>
      %dma_start3A_50 = tpu.memref_squeeze %dma_start3A_49 : memref<1x128xi32, #tpu.memory_space<vmem>> -> memref<128xi32, #tpu.memory_space<vmem>>
      %dma_start3A_51 = arith.constant 0 : i32
      %dma_start3A_52 = arith.constant 0 : i32
      %dma_start3A_53 = tpu.memref_slice %arg2[%dma_start3A_51, %dma_start3A_52] : memref<10240x16xf32, #tpu.memory_space<hbm>> -> memref<10240x16xf32, #tpu.memory_space<hbm>>
      tpu.enqueue_indirect_dma source(%dma_start3A_53 : memref<10240x16xf32, #tpu.memory_space<hbm>>) target(%dma_start3A_47 : memref<128x16xf32, #tpu.memory_space<vmem>>) offsets(%dma_start3A_50 : memref<128xi32, #tpu.memory_space<vmem>>) semaphore(%arg11 : memref<!tpu.dma_semaphore, #tpu.memory_space<semaphore_mem>>)
      %add3A_54 = arith.constant 3 : i32
      %add3A_55 = arith.addi %mul3A_15, %add3A_54 : i32
      %dma_start3A_56 = arith.constant 3 : i32
      %dma_start3A_57 = arith.constant 0 : i32
      %dma_start3A_58 = arith.constant 0 : i32
      %dma_start3A_59 = tpu.memref_slice %arg10[%dma_start3A_56, %dma_start3A_57, %dma_start3A_58] : memref<8x128x16xf32, #tpu.memory_space<vmem>> -> memref<1x128x16xf32, #tpu.memory_space<vmem>>
      %dma_start3A_60 = tpu.memref_squeeze %dma_start3A_59 : memref<1x128x16xf32, #tpu.memory_space<vmem>> -> memref<128x16xf32, #tpu.memory_space<vmem>>
      %dma_start3A_61 = arith.constant 0 : i32
      %dma_start3A_62 = tpu.memref_slice %arg8[%add3A_55, %dma_start3A_61] : memref<160x128xi32, #tpu.memory_space<vmem>> -> memref<1x128xi32, #tpu.memory_space<vmem>>
      %dma_start3A_63 = tpu.memref_squeeze %dma_start3A_62 : memref<1x128xi32, #tpu.memory_space<vmem>> -> memref<128xi32, #tpu.memory_space<vmem>>
      %dma_start3A_64 = arith.constant 0 : i32
      %dma_start3A_65 = arith.constant 0 : i32
      %dma_start3A_66 = tpu.memref_slice %arg2[%dma_start3A_64, %dma_start3A_65] : memref<10240x16xf32, #tpu.memory_space<hbm>> -> memref<10240x16xf32, #tpu.memory_space<hbm>>
      tpu.enqueue_indirect_dma source(%dma_start3A_66 : memref<10240x16xf32, #tpu.memory_space<hbm>>) target(%dma_start3A_60 : memref<128x16xf32, #tpu.memory_space<vmem>>) offsets(%dma_start3A_63 : memref<128xi32, #tpu.memory_space<vmem>>) semaphore(%arg11 : memref<!tpu.dma_semaphore, #tpu.memory_space<semaphore_mem>>)
      %add3A_67 = arith.constant 4 : i32
      %add3A_68 = arith.addi %mul3A_15, %add3A_67 : i32
      %dma_start3A_69 = arith.constant 4 : i32
      %dma_start3A_70 = arith.constant 0 : i32
      %dma_start3A_71 = arith.constant 0 : i32
      %dma_start3A_72 = tpu.memref_slice %arg10[%dma_start3A_69, %dma_start3A_70, %dma_start3A_71] : memref<8x128x16xf32, #tpu.memory_space<vmem>> -> memref<1x128x16xf32, #tpu.memory_space<vmem>>
      %dma_start3A_73 = tpu.memref_squeeze %dma_start3A_72 : memref<1x128x16xf32, #tpu.memory_space<vmem>> -> memref<128x16xf32, #tpu.memory_space<vmem>>
      %dma_start3A_74 = arith.constant 0 : i32
      %dma_start3A_75 = tpu.memref_slice %arg8[%add3A_68, %dma_start3A_74] : memref<160x128xi32, #tpu.memory_space<vmem>> -> memref<1x128xi32, #tpu.memory_space<vmem>>
      %dma_start3A_76 = tpu.memref_squeeze %dma_start3A_75 : memref<1x128xi32, #tpu.memory_space<vmem>> -> memref<128xi32, #tpu.memory_space<vmem>>
      %dma_start3A_77 = arith.constant 0 : i32
      %dma_start3A_78 = arith.constant 0 : i32
      %dma_start3A_79 = tpu.memref_slice %arg2[%dma_start3A_77, %dma_start3A_78] : memref<10240x16xf32, #tpu.memory_space<hbm>> -> memref<10240x16xf32, #tpu.memory_space<hbm>>
      tpu.enqueue_indirect_dma source(%dma_start3A_79 : memref<10240x16xf32, #tpu.memory_space<hbm>>) target(%dma_start3A_73 : memref<128x16xf32, #tpu.memory_space<vmem>>) offsets(%dma_start3A_76 : memref<128xi32, #tpu.memory_space<vmem>>) semaphore(%arg11 : memref<!tpu.dma_semaphore, #tpu.memory_space<semaphore_mem>>)
      %add3A_80 = arith.constant 5 : i32
      %add3A_81 = arith.addi %mul3A_15, %add3A_80 : i32
      %dma_start3A_82 = arith.constant 5 : i32
      %dma_start3A_83 = arith.constant 0 : i32
      %dma_start3A_84 = arith.constant 0 : i32
      %dma_start3A_85 = tpu.memref_slice %arg10[%dma_start3A_82, %dma_start3A_83, %dma_start3A_84] : memref<8x128x16xf32, #tpu.memory_space<vmem>> -> memref<1x128x16xf32, #tpu.memory_space<vmem>>
      %dma_start3A_86 = tpu.memref_squeeze %dma_start3A_85 : memref<1x128x16xf32, #tpu.memory_space<vmem>> -> memref<128x16xf32, #tpu.memory_space<vmem>>
      %dma_start3A_87 = arith.constant 0 : i32
      %dma_start3A_88 = tpu.memref_slice %arg8[%add3A_81, %dma_start3A_87] : memref<160x128xi32, #tpu.memory_space<vmem>> -> memref<1x128xi32, #tpu.memory_space<vmem>>
      %dma_start3A_89 = tpu.memref_squeeze %dma_start3A_88 : memref<1x128xi32, #tpu.memory_space<vmem>> -> memref<128xi32, #tpu.memory_space<vmem>>
      %dma_start3A_90 = arith.constant 0 : i32
      %dma_start3A_91 = arith.constant 0 : i32
      %dma_start3A_92 = tpu.memref_slice %arg2[%dma_start3A_90, %dma_start3A_91] : memref<10240x16xf32, #tpu.memory_space<hbm>> -> memref<10240x16xf32, #tpu.memory_space<hbm>>
      tpu.enqueue_indirect_dma source(%dma_start3A_92 : memref<10240x16xf32, #tpu.memory_space<hbm>>) target(%dma_start3A_86 : memref<128x16xf32, #tpu.memory_space<vmem>>) offsets(%dma_start3A_89 : memref<128xi32, #tpu.memory_space<vmem>>) semaphore(%arg11 : memref<!tpu.dma_semaphore, #tpu.memory_space<semaphore_mem>>)
      %add3A_93 = arith.constant 6 : i32
      %add3A_94 = arith.addi %mul3A_15, %add3A_93 : i32
      %dma_start3A_95 = arith.constant 6 : i32
      %dma_start3A_96 = arith.constant 0 : i32
      %dma_start3A_97 = arith.constant 0 : i32
      %dma_start3A_98 = tpu.memref_slice %arg10[%dma_start3A_95, %dma_start3A_96, %dma_start3A_97] : memref<8x128x16xf32, #tpu.memory_space<vmem>> -> memref<1x128x16xf32, #tpu.memory_space<vmem>>
      %dma_start3A_99 = tpu.memref_squeeze %dma_start3A_98 : memref<1x128x16xf32, #tpu.memory_space<vmem>> -> memref<128x16xf32, #tpu.memory_space<vmem>>
      %dma_start3A_100 = arith.constant 0 : i32
      %dma_start3A_101 = tpu.memref_slice %arg8[%add3A_94, %dma_start3A_100] : memref<160x128xi32, #tpu.memory_space<vmem>> -> memref<1x128xi32, #tpu.memory_space<vmem>>
      %dma_start3A_102 = tpu.memref_squeeze %dma_start3A_101 : memref<1x128xi32, #tpu.memory_space<vmem>> -> memref<128xi32, #tpu.memory_space<vmem>>
      %dma_start3A_103 = arith.constant 0 : i32
      %dma_start3A_104 = arith.constant 0 : i32
      %dma_start3A_105 = tpu.memref_slice %arg2[%dma_start3A_103, %dma_start3A_104] : memref<10240x16xf32, #tpu.memory_space<hbm>> -> memref<10240x16xf32, #tpu.memory_space<hbm>>
      tpu.enqueue_indirect_dma source(%dma_start3A_105 : memref<10240x16xf32, #tpu.memory_space<hbm>>) target(%dma_start3A_99 : memref<128x16xf32, #tpu.memory_space<vmem>>) offsets(%dma_start3A_102 : memref<128xi32, #tpu.memory_space<vmem>>) semaphore(%arg11 : memref<!tpu.dma_semaphore, #tpu.memory_space<semaphore_mem>>)
      %add3A_106 = arith.constant 7 : i32
      %add3A_107 = arith.addi %mul3A_15, %add3A_106 : i32
      %dma_start3A_108 = arith.constant 7 : i32
      %dma_start3A_109 = arith.constant 0 : i32
      %dma_start3A_110 = arith.constant 0 : i32
      %dma_start3A_111 = tpu.memref_slice %arg10[%dma_start3A_108, %dma_start3A_109, %dma_start3A_110] : memref<8x128x16xf32, #tpu.memory_space<vmem>> -> memref<1x128x16xf32, #tpu.memory_space<vmem>>
      %dma_start3A_112 = tpu.memref_squeeze %dma_start3A_111 : memref<1x128x16xf32, #tpu.memory_space<vmem>> -> memref<128x16xf32, #tpu.memory_space<vmem>>
      %dma_start3A_113 = arith.constant 0 : i32
      %dma_start3A_114 = tpu.memref_slice %arg8[%add3A_107, %dma_start3A_113] : memref<160x128xi32, #tpu.memory_space<vmem>> -> memref<1x128xi32, #tpu.memory_space<vmem>>
      %dma_start3A_115 = tpu.memref_squeeze %dma_start3A_114 : memref<1x128xi32, #tpu.memory_space<vmem>> -> memref<128xi32, #tpu.memory_space<vmem>>
      %dma_start3A_116 = arith.constant 0 : i32
      %dma_start3A_117 = arith.constant 0 : i32
      %dma_start3A_118 = tpu.memref_slice %arg2[%dma_start3A_116, %dma_start3A_117] : memref<10240x16xf32, #tpu.memory_space<hbm>> -> memref<10240x16xf32, #tpu.memory_space<hbm>>
      tpu.enqueue_indirect_dma source(%dma_start3A_118 : memref<10240x16xf32, #tpu.memory_space<hbm>>) target(%dma_start3A_112 : memref<128x16xf32, #tpu.memory_space<vmem>>) offsets(%dma_start3A_115 : memref<128xi32, #tpu.memory_space<vmem>>) semaphore(%arg11 : memref<!tpu.dma_semaphore, #tpu.memory_space<semaphore_mem>>)
      %dma_wait3A = arith.constant 0 : i32
      %dma_wait3A_119 = arith.constant 0 : i32
      %dma_wait3A_120 = arith.constant 0 : i32
      %dma_wait3A_121 = tpu.memref_slice %arg10[%dma_wait3A, %dma_wait3A_119, %dma_wait3A_120] : memref<8x128x16xf32, #tpu.memory_space<vmem>> -> memref<1x128x16xf32, #tpu.memory_space<vmem>>
      %dma_wait3A_122 = tpu.memref_squeeze %dma_wait3A_121 : memref<1x128x16xf32, #tpu.memory_space<vmem>> -> memref<128x16xf32, #tpu.memory_space<vmem>>
      %dma_wait3A_123 = arith.constant 0 : i32
      %dma_wait3A_124 = tpu.memref_slice %arg8[%add3A_17, %dma_wait3A_123] : memref<160x128xi32, #tpu.memory_space<vmem>> -> memref<1x128xi32, #tpu.memory_space<vmem>>
      %dma_wait3A_125 = tpu.memref_squeeze %dma_wait3A_124 : memref<1x128xi32, #tpu.memory_space<vmem>> -> memref<128xi32, #tpu.memory_space<vmem>>
      %dma_wait3A_126 = arith.constant 0 : i32
      %dma_wait3A_127 = arith.constant 0 : i32
      %dma_wait3A_128 = tpu.memref_slice %arg2[%dma_wait3A_126, %dma_wait3A_127] : memref<10240x16xf32, #tpu.memory_space<hbm>> -> memref<10240x16xf32, #tpu.memory_space<hbm>>
      tpu.wait_indirect_dma semaphore(%arg11 : memref<!tpu.dma_semaphore, #tpu.memory_space<semaphore_mem>>) src(%dma_wait3A_128 : memref<10240x16xf32, #tpu.memory_space<hbm>>) dst(%dma_wait3A_122 : memref<128x16xf32, #tpu.memory_space<vmem>>)
      %dma_wait3A_129 = arith.constant 1 : i32
      %dma_wait3A_130 = arith.constant 0 : i32
      %dma_wait3A_131 = arith.constant 0 : i32
      %dma_wait3A_132 = tpu.memref_slice %arg10[%dma_wait3A_129, %dma_wait3A_130, %dma_wait3A_131] : memref<8x128x16xf32, #tpu.memory_space<vmem>> -> memref<1x128x16xf32, #tpu.memory_space<vmem>>
      %dma_wait3A_133 = tpu.memref_squeeze %dma_wait3A_132 : memref<1x128x16xf32, #tpu.memory_space<vmem>> -> memref<128x16xf32, #tpu.memory_space<vmem>>
      %dma_wait3A_134 = arith.constant 0 : i32
      %dma_wait3A_135 = tpu.memref_slice %arg8[%add3A_29, %dma_wait3A_134] : memref<160x128xi32, #tpu.memory_space<vmem>> -> memref<1x128xi32, #tpu.memory_space<vmem>>
      %dma_wait3A_136 = tpu.memref_squeeze %dma_wait3A_135 : memref<1x128xi32, #tpu.memory_space<vmem>> -> memref<128xi32, #tpu.memory_space<vmem>>
      %dma_wait3A_137 = arith.constant 0 : i32
      %dma_wait3A_138 = arith.constant 0 : i32
      %dma_wait3A_139 = tpu.memref_slice %arg2[%dma_wait3A_137, %dma_wait3A_138] : memref<10240x16xf32, #tpu.memory_space<hbm>> -> memref<10240x16xf32, #tpu.memory_space<hbm>>
      tpu.wait_indirect_dma semaphore(%arg11 : memref<!tpu.dma_semaphore, #tpu.memory_space<semaphore_mem>>) src(%dma_wait3A_139 : memref<10240x16xf32, #tpu.memory_space<hbm>>) dst(%dma_wait3A_133 : memref<128x16xf32, #tpu.memory_space<vmem>>)
      %dma_wait3A_140 = arith.constant 2 : i32
      %dma_wait3A_141 = arith.constant 0 : i32
      %dma_wait3A_142 = arith.constant 0 : i32
      %dma_wait3A_143 = tpu.memref_slice %arg10[%dma_wait3A_140, %dma_wait3A_141, %dma_wait3A_142] : memref<8x128x16xf32, #tpu.memory_space<vmem>> -> memref<1x128x16xf32, #tpu.memory_space<vmem>>
      %dma_wait3A_144 = tpu.memref_squeeze %dma_wait3A_143 : memref<1x128x16xf32, #tpu.memory_space<vmem>> -> memref<128x16xf32, #tpu.memory_space<vmem>>
      %dma_wait3A_145 = arith.constant 0 : i32
      %dma_wait3A_146 = tpu.memref_slice %arg8[%add3A_42, %dma_wait3A_145] : memref<160x128xi32, #tpu.memory_space<vmem>> -> memref<1x128xi32, #tpu.memory_space<vmem>>
      %dma_wait3A_147 = tpu.memref_squeeze %dma_wait3A_146 : memref<1x128xi32, #tpu.memory_space<vmem>> -> memref<128xi32, #tpu.memory_space<vmem>>
      %dma_wait3A_148 = arith.constant 0 : i32
      %dma_wait3A_149 = arith.constant 0 : i32
      %dma_wait3A_150 = tpu.memref_slice %arg2[%dma_wait3A_148, %dma_wait3A_149] : memref<10240x16xf32, #tpu.memory_space<hbm>> -> memref<10240x16xf32, #tpu.memory_space<hbm>>
      tpu.wait_indirect_dma semaphore(%arg11 : memref<!tpu.dma_semaphore, #tpu.memory_space<semaphore_mem>>) src(%dma_wait3A_150 : memref<10240x16xf32, #tpu.memory_space<hbm>>) dst(%dma_wait3A_144 : memref<128x16xf32, #tpu.memory_space<vmem>>)
      %dma_wait3A_151 = arith.constant 3 : i32
      %dma_wait3A_152 = arith.constant 0 : i32
      %dma_wait3A_153 = arith.constant 0 : i32
      %dma_wait3A_154 = tpu.memref_slice %arg10[%dma_wait3A_151, %dma_wait3A_152, %dma_wait3A_153] : memref<8x128x16xf32, #tpu.memory_space<vmem>> -> memref<1x128x16xf32, #tpu.memory_space<vmem>>
      %dma_wait3A_155 = tpu.memref_squeeze %dma_wait3A_154 : memref<1x128x16xf32, #tpu.memory_space<vmem>> -> memref<128x16xf32, #tpu.memory_space<vmem>>
      %dma_wait3A_156 = arith.constant 0 : i32
      %dma_wait3A_157 = tpu.memref_slice %arg8[%add3A_55, %dma_wait3A_156] : memref<160x128xi32, #tpu.memory_space<vmem>> -> memref<1x128xi32, #tpu.memory_space<vmem>>
      %dma_wait3A_158 = tpu.memref_squeeze %dma_wait3A_157 : memref<1x128xi32, #tpu.memory_space<vmem>> -> memref<128xi32, #tpu.memory_space<vmem>>
      %dma_wait3A_159 = arith.constant 0 : i32
      %dma_wait3A_160 = arith.constant 0 : i32
      %dma_wait3A_161 = tpu.memref_slice %arg2[%dma_wait3A_159, %dma_wait3A_160] : memref<10240x16xf32, #tpu.memory_space<hbm>> -> memref<10240x16xf32, #tpu.memory_space<hbm>>
      tpu.wait_indirect_dma semaphore(%arg11 : memref<!tpu.dma_semaphore, #tpu.memory_space<semaphore_mem>>) src(%dma_wait3A_161 : memref<10240x16xf32, #tpu.memory_space<hbm>>) dst(%dma_wait3A_155 : memref<128x16xf32, #tpu.memory_space<vmem>>)
      %dma_wait3A_162 = arith.constant 4 : i32
      %dma_wait3A_163 = arith.constant 0 : i32
      %dma_wait3A_164 = arith.constant 0 : i32
      %dma_wait3A_165 = tpu.memref_slice %arg10[%dma_wait3A_162, %dma_wait3A_163, %dma_wait3A_164] : memref<8x128x16xf32, #tpu.memory_space<vmem>> -> memref<1x128x16xf32, #tpu.memory_space<vmem>>
      %dma_wait3A_166 = tpu.memref_squeeze %dma_wait3A_165 : memref<1x128x16xf32, #tpu.memory_space<vmem>> -> memref<128x16xf32, #tpu.memory_space<vmem>>
      %dma_wait3A_167 = arith.constant 0 : i32
      %dma_wait3A_168 = tpu.memref_slice %arg8[%add3A_68, %dma_wait3A_167] : memref<160x128xi32, #tpu.memory_space<vmem>> -> memref<1x128xi32, #tpu.memory_space<vmem>>
      %dma_wait3A_169 = tpu.memref_squeeze %dma_wait3A_168 : memref<1x128xi32, #tpu.memory_space<vmem>> -> memref<128xi32, #tpu.memory_space<vmem>>
      %dma_wait3A_170 = arith.constant 0 : i32
      %dma_wait3A_171 = arith.constant 0 : i32
      %dma_wait3A_172 = tpu.memref_slice %arg2[%dma_wait3A_170, %dma_wait3A_171] : memref<10240x16xf32, #tpu.memory_space<hbm>> -> memref<10240x16xf32, #tpu.memory_space<hbm>>
      tpu.wait_indirect_dma semaphore(%arg11 : memref<!tpu.dma_semaphore, #tpu.memory_space<semaphore_mem>>) src(%dma_wait3A_172 : memref<10240x16xf32, #tpu.memory_space<hbm>>) dst(%dma_wait3A_166 : memref<128x16xf32, #tpu.memory_space<vmem>>)
      %dma_wait3A_173 = arith.constant 5 : i32
      %dma_wait3A_174 = arith.constant 0 : i32
      %dma_wait3A_175 = arith.constant 0 : i32
      %dma_wait3A_176 = tpu.memref_slice %arg10[%dma_wait3A_173, %dma_wait3A_174, %dma_wait3A_175] : memref<8x128x16xf32, #tpu.memory_space<vmem>> -> memref<1x128x16xf32, #tpu.memory_space<vmem>>
      %dma_wait3A_177 = tpu.memref_squeeze %dma_wait3A_176 : memref<1x128x16xf32, #tpu.memory_space<vmem>> -> memref<128x16xf32, #tpu.memory_space<vmem>>
      %dma_wait3A_178 = arith.constant 0 : i32
      %dma_wait3A_179 = tpu.memref_slice %arg8[%add3A_81, %dma_wait3A_178] : memref<160x128xi32, #tpu.memory_space<vmem>> -> memref<1x128xi32, #tpu.memory_space<vmem>>
      %dma_wait3A_180 = tpu.memref_squeeze %dma_wait3A_179 : memref<1x128xi32, #tpu.memory_space<vmem>> -> memref<128xi32, #tpu.memory_space<vmem>>
      %dma_wait3A_181 = arith.constant 0 : i32
      %dma_wait3A_182 = arith.constant 0 : i32
      %dma_wait3A_183 = tpu.memref_slice %arg2[%dma_wait3A_181, %dma_wait3A_182] : memref<10240x16xf32, #tpu.memory_space<hbm>> -> memref<10240x16xf32, #tpu.memory_space<hbm>>
      tpu.wait_indirect_dma semaphore(%arg11 : memref<!tpu.dma_semaphore, #tpu.memory_space<semaphore_mem>>) src(%dma_wait3A_183 : memref<10240x16xf32, #tpu.memory_space<hbm>>) dst(%dma_wait3A_177 : memref<128x16xf32, #tpu.memory_space<vmem>>)
      %dma_wait3A_184 = arith.constant 6 : i32
      %dma_wait3A_185 = arith.constant 0 : i32
      %dma_wait3A_186 = arith.constant 0 : i32
      %dma_wait3A_187 = tpu.memref_slice %arg10[%dma_wait3A_184, %dma_wait3A_185, %dma_wait3A_186] : memref<8x128x16xf32, #tpu.memory_space<vmem>> -> memref<1x128x16xf32, #tpu.memory_space<vmem>>
      %dma_wait3A_188 = tpu.memref_squeeze %dma_wait3A_187 : memref<1x128x16xf32, #tpu.memory_space<vmem>> -> memref<128x16xf32, #tpu.memory_space<vmem>>
      %dma_wait3A_189 = arith.constant 0 : i32
      %dma_wait3A_190 = tpu.memref_slice %arg8[%add3A_94, %dma_wait3A_189] : memref<160x128xi32, #tpu.memory_space<vmem>> -> memref<1x128xi32, #tpu.memory_space<vmem>>
      %dma_wait3A_191 = tpu.memref_squeeze %dma_wait3A_190 : memref<1x128xi32, #tpu.memory_space<vmem>> -> memref<128xi32, #tpu.memory_space<vmem>>
      %dma_wait3A_192 = arith.constant 0 : i32
      %dma_wait3A_193 = arith.constant 0 : i32
      %dma_wait3A_194 = tpu.memref_slice %arg2[%dma_wait3A_192, %dma_wait3A_193] : memref<10240x16xf32, #tpu.memory_space<hbm>> -> memref<10240x16xf32, #tpu.memory_space<hbm>>
      tpu.wait_indirect_dma semaphore(%arg11 : memref<!tpu.dma_semaphore, #tpu.memory_space<semaphore_mem>>) src(%dma_wait3A_194 : memref<10240x16xf32, #tpu.memory_space<hbm>>) dst(%dma_wait3A_188 : memref<128x16xf32, #tpu.memory_space<vmem>>)
      %dma_wait3A_195 = arith.constant 7 : i32
      %dma_wait3A_196 = arith.constant 0 : i32
      %dma_wait3A_197 = arith.constant 0 : i32
      %dma_wait3A_198 = tpu.memref_slice %arg10[%dma_wait3A_195, %dma_wait3A_196, %dma_wait3A_197] : memref<8x128x16xf32, #tpu.memory_space<vmem>> -> memref<1x128x16xf32, #tpu.memory_space<vmem>>
      %dma_wait3A_199 = tpu.memref_squeeze %dma_wait3A_198 : memref<1x128x16xf32, #tpu.memory_space<vmem>> -> memref<128x16xf32, #tpu.memory_space<vmem>>
      %dma_wait3A_200 = arith.constant 0 : i32
      %dma_wait3A_201 = tpu.memref_slice %arg8[%add3A_107, %dma_wait3A_200] : memref<160x128xi32, #tpu.memory_space<vmem>> -> memref<1x128xi32, #tpu.memory_space<vmem>>
      %dma_wait3A_202 = tpu.memref_squeeze %dma_wait3A_201 : memref<1x128xi32, #tpu.memory_space<vmem>> -> memref<128xi32, #tpu.memory_space<vmem>>
      %dma_wait3A_203 = arith.constant 0 : i32
      %dma_wait3A_204 = arith.constant 0 : i32
      %dma_wait3A_205 = tpu.memref_slice %arg2[%dma_wait3A_203, %dma_wait3A_204] : memref<10240x16xf32, #tpu.memory_space<hbm>> -> memref<10240x16xf32, #tpu.memory_space<hbm>>
      tpu.wait_indirect_dma semaphore(%arg11 : memref<!tpu.dma_semaphore, #tpu.memory_space<semaphore_mem>>) src(%dma_wait3A_205 : memref<10240x16xf32, #tpu.memory_space<hbm>>) dst(%dma_wait3A_199 : memref<128x16xf32, #tpu.memory_space<vmem>>)
      %add3A_206 = arith.constant 0 : i32
      %add3A_207 = arith.addi %mul3A_15, %add3A_206 : i32
      %dma_start3A_208 = arith.constant 0 : i32
      %dma_start3A_209 = arith.constant 0 : i32
      %dma_start3A_210 = arith.constant 0 : i32
      %dma_start3A_211 = tpu.memref_slice %arg10[%dma_start3A_208, %dma_start3A_209, %dma_start3A_210] : memref<8x128x16xf32, #tpu.memory_space<vmem>> -> memref<1x128x16xf32, #tpu.memory_space<vmem>>
      %dma_start3A_212 = tpu.memref_squeeze %dma_start3A_211 : memref<1x128x16xf32, #tpu.memory_space<vmem>> -> memref<128x16xf32, #tpu.memory_space<vmem>>
      %dma_start3A_213 = arith.constant 0 : i32
      %dma_start3A_214 = tpu.memref_slice %arg9[%add3A_207, %dma_start3A_213] : memref<160x128xi32, #tpu.memory_space<vmem>> -> memref<1x128xi32, #tpu.memory_space<vmem>>
      %dma_start3A_215 = tpu.memref_squeeze %dma_start3A_214 : memref<1x128xi32, #tpu.memory_space<vmem>> -> memref<128xi32, #tpu.memory_space<vmem>>
      %dma_start3A_216 = arith.constant 0 : i32
      %dma_start3A_217 = arith.constant 0 : i32
      %dma_start3A_218 = tpu.memref_slice %arg7[%dma_start3A_216, %dma_start3A_217] : memref<10240x16xf32, #tpu.memory_space<vmem_shared>> -> memref<10240x16xf32, #tpu.memory_space<vmem_shared>>
      tpu.enqueue_indirect_dma source(%dma_start3A_212 : memref<128x16xf32, #tpu.memory_space<vmem>>) target(%dma_start3A_218 : memref<10240x16xf32, #tpu.memory_space<vmem_shared>>) offsets(%dma_start3A_215 : memref<128xi32, #tpu.memory_space<vmem>>) semaphore(%arg12 : memref<!tpu.dma_semaphore, #tpu.memory_space<semaphore_mem>>) {add = true}
      %add3A_219 = arith.constant 1 : i32
      %add3A_220 = arith.addi %mul3A_15, %add3A_219 : i32
      %dma_start3A_221 = arith.constant 1 : i32
      %dma_start3A_222 = arith.constant 0 : i32
      %dma_start3A_223 = arith.constant 0 : i32
      %dma_start3A_224 = tpu.memref_slice %arg10[%dma_start3A_221, %dma_start3A_222, %dma_start3A_223] : memref<8x128x16xf32, #tpu.memory_space<vmem>> -> memref<1x128x16xf32, #tpu.memory_space<vmem>>
      %dma_start3A_225 = tpu.memref_squeeze %dma_start3A_224 : memref<1x128x16xf32, #tpu.memory_space<vmem>> -> memref<128x16xf32, #tpu.memory_space<vmem>>
      %dma_start3A_226 = arith.constant 0 : i32
      %dma_start3A_227 = tpu.memref_slice %arg9[%add3A_220, %dma_start3A_226] : memref<160x128xi32, #tpu.memory_space<vmem>> -> memref<1x128xi32, #tpu.memory_space<vmem>>
      %dma_start3A_228 = tpu.memref_squeeze %dma_start3A_227 : memref<1x128xi32, #tpu.memory_space<vmem>> -> memref<128xi32, #tpu.memory_space<vmem>>
      %dma_start3A_229 = arith.constant 0 : i32
      %dma_start3A_230 = arith.constant 0 : i32
      %dma_start3A_231 = tpu.memref_slice %arg7[%dma_start3A_229, %dma_start3A_230] : memref<10240x16xf32, #tpu.memory_space<vmem_shared>> -> memref<10240x16xf32, #tpu.memory_space<vmem_shared>>
      tpu.enqueue_indirect_dma source(%dma_start3A_225 : memref<128x16xf32, #tpu.memory_space<vmem>>) target(%dma_start3A_231 : memref<10240x16xf32, #tpu.memory_space<vmem_shared>>) offsets(%dma_start3A_228 : memref<128xi32, #tpu.memory_space<vmem>>) semaphore(%arg12 : memref<!tpu.dma_semaphore, #tpu.memory_space<semaphore_mem>>) {add = true}
      %add3A_232 = arith.constant 2 : i32
      %add3A_233 = arith.addi %mul3A_15, %add3A_232 : i32
      %dma_start3A_234 = arith.constant 2 : i32
      %dma_start3A_235 = arith.constant 0 : i32
      %dma_start3A_236 = arith.constant 0 : i32
      %dma_start3A_237 = tpu.memref_slice %arg10[%dma_start3A_234, %dma_start3A_235, %dma_start3A_236] : memref<8x128x16xf32, #tpu.memory_space<vmem>> -> memref<1x128x16xf32, #tpu.memory_space<vmem>>
      %dma_start3A_238 = tpu.memref_squeeze %dma_start3A_237 : memref<1x128x16xf32, #tpu.memory_space<vmem>> -> memref<128x16xf32, #tpu.memory_space<vmem>>
      %dma_start3A_239 = arith.constant 0 : i32
      %dma_start3A_240 = tpu.memref_slice %arg9[%add3A_233, %dma_start3A_239] : memref<160x128xi32, #tpu.memory_space<vmem>> -> memref<1x128xi32, #tpu.memory_space<vmem>>
      %dma_start3A_241 = tpu.memref_squeeze %dma_start3A_240 : memref<1x128xi32, #tpu.memory_space<vmem>> -> memref<128xi32, #tpu.memory_space<vmem>>
      %dma_start3A_242 = arith.constant 0 : i32
      %dma_start3A_243 = arith.constant 0 : i32
      %dma_start3A_244 = tpu.memref_slice %arg7[%dma_start3A_242, %dma_start3A_243] : memref<10240x16xf32, #tpu.memory_space<vmem_shared>> -> memref<10240x16xf32, #tpu.memory_space<vmem_shared>>
      tpu.enqueue_indirect_dma source(%dma_start3A_238 : memref<128x16xf32, #tpu.memory_space<vmem>>) target(%dma_start3A_244 : memref<10240x16xf32, #tpu.memory_space<vmem_shared>>) offsets(%dma_start3A_241 : memref<128xi32, #tpu.memory_space<vmem>>) semaphore(%arg12 : memref<!tpu.dma_semaphore, #tpu.memory_space<semaphore_mem>>) {add = true}
      %add3A_245 = arith.constant 3 : i32
      %add3A_246 = arith.addi %mul3A_15, %add3A_245 : i32
      %dma_start3A_247 = arith.constant 3 : i32
      %dma_start3A_248 = arith.constant 0 : i32
      %dma_start3A_249 = arith.constant 0 : i32
      %dma_start3A_250 = tpu.memref_slice %arg10[%dma_start3A_247, %dma_start3A_248, %dma_start3A_249] : memref<8x128x16xf32, #tpu.memory_space<vmem>> -> memref<1x128x16xf32, #tpu.memory_space<vmem>>
      %dma_start3A_251 = tpu.memref_squeeze %dma_start3A_250 : memref<1x128x16xf32, #tpu.memory_space<vmem>> -> memref<128x16xf32, #tpu.memory_space<vmem>>
      %dma_start3A_252 = arith.constant 0 : i32
      %dma_start3A_253 = tpu.memref_slice %arg9[%add3A_246, %dma_start3A_252] : memref<160x128xi32, #tpu.memory_space<vmem>> -> memref<1x128xi32, #tpu.memory_space<vmem>>
      %dma_start3A_254 = tpu.memref_squeeze %dma_start3A_253 : memref<1x128xi32, #tpu.memory_space<vmem>> -> memref<128xi32, #tpu.memory_space<vmem>>
      %dma_start3A_255 = arith.constant 0 : i32
      %dma_start3A_256 = arith.constant 0 : i32
      %dma_start3A_257 = tpu.memref_slice %arg7[%dma_start3A_255, %dma_start3A_256] : memref<10240x16xf32, #tpu.memory_space<vmem_shared>> -> memref<10240x16xf32, #tpu.memory_space<vmem_shared>>
      tpu.enqueue_indirect_dma source(%dma_start3A_251 : memref<128x16xf32, #tpu.memory_space<vmem>>) target(%dma_start3A_257 : memref<10240x16xf32, #tpu.memory_space<vmem_shared>>) offsets(%dma_start3A_254 : memref<128xi32, #tpu.memory_space<vmem>>) semaphore(%arg12 : memref<!tpu.dma_semaphore, #tpu.memory_space<semaphore_mem>>) {add = true}
      %add3A_258 = arith.constant 4 : i32
      %add3A_259 = arith.addi %mul3A_15, %add3A_258 : i32
      %dma_start3A_260 = arith.constant 4 : i32
      %dma_start3A_261 = arith.constant 0 : i32
      %dma_start3A_262 = arith.constant 0 : i32
      %dma_start3A_263 = tpu.memref_slice %arg10[%dma_start3A_260, %dma_start3A_261, %dma_start3A_262] : memref<8x128x16xf32, #tpu.memory_space<vmem>> -> memref<1x128x16xf32, #tpu.memory_space<vmem>>
      %dma_start3A_264 = tpu.memref_squeeze %dma_start3A_263 : memref<1x128x16xf32, #tpu.memory_space<vmem>> -> memref<128x16xf32, #tpu.memory_space<vmem>>
      %dma_start3A_265 = arith.constant 0 : i32
      %dma_start3A_266 = tpu.memref_slice %arg9[%add3A_259, %dma_start3A_265] : memref<160x128xi32, #tpu.memory_space<vmem>> -> memref<1x128xi32, #tpu.memory_space<vmem>>
      %dma_start3A_267 = tpu.memref_squeeze %dma_start3A_266 : memref<1x128xi32, #tpu.memory_space<vmem>> -> memref<128xi32, #tpu.memory_space<vmem>>
      %dma_start3A_268 = arith.constant 0 : i32
      %dma_start3A_269 = arith.constant 0 : i32
      %dma_start3A_270 = tpu.memref_slice %arg7[%dma_start3A_268, %dma_start3A_269] : memref<10240x16xf32, #tpu.memory_space<vmem_shared>> -> memref<10240x16xf32, #tpu.memory_space<vmem_shared>>
      tpu.enqueue_indirect_dma source(%dma_start3A_264 : memref<128x16xf32, #tpu.memory_space<vmem>>) target(%dma_start3A_270 : memref<10240x16xf32, #tpu.memory_space<vmem_shared>>) offsets(%dma_start3A_267 : memref<128xi32, #tpu.memory_space<vmem>>) semaphore(%arg12 : memref<!tpu.dma_semaphore, #tpu.memory_space<semaphore_mem>>) {add = true}
      %add3A_271 = arith.constant 5 : i32
      %add3A_272 = arith.addi %mul3A_15, %add3A_271 : i32
      %dma_start3A_273 = arith.constant 5 : i32
      %dma_start3A_274 = arith.constant 0 : i32
      %dma_start3A_275 = arith.constant 0 : i32
      %dma_start3A_276 = tpu.memref_slice %arg10[%dma_start3A_273, %dma_start3A_274, %dma_start3A_275] : memref<8x128x16xf32, #tpu.memory_space<vmem>> -> memref<1x128x16xf32, #tpu.memory_space<vmem>>
      %dma_start3A_277 = tpu.memref_squeeze %dma_start3A_276 : memref<1x128x16xf32, #tpu.memory_space<vmem>> -> memref<128x16xf32, #tpu.memory_space<vmem>>
      %dma_start3A_278 = arith.constant 0 : i32
      %dma_start3A_279 = tpu.memref_slice %arg9[%add3A_272, %dma_start3A_278] : memref<160x128xi32, #tpu.memory_space<vmem>> -> memref<1x128xi32, #tpu.memory_space<vmem>>
      %dma_start3A_280 = tpu.memref_squeeze %dma_start3A_279 : memref<1x128xi32, #tpu.memory_space<vmem>> -> memref<128xi32, #tpu.memory_space<vmem>>
      %dma_start3A_281 = arith.constant 0 : i32
      %dma_start3A_282 = arith.constant 0 : i32
      %dma_start3A_283 = tpu.memref_slice %arg7[%dma_start3A_281, %dma_start3A_282] : memref<10240x16xf32, #tpu.memory_space<vmem_shared>> -> memref<10240x16xf32, #tpu.memory_space<vmem_shared>>
      tpu.enqueue_indirect_dma source(%dma_start3A_277 : memref<128x16xf32, #tpu.memory_space<vmem>>) target(%dma_start3A_283 : memref<10240x16xf32, #tpu.memory_space<vmem_shared>>) offsets(%dma_start3A_280 : memref<128xi32, #tpu.memory_space<vmem>>) semaphore(%arg12 : memref<!tpu.dma_semaphore, #tpu.memory_space<semaphore_mem>>) {add = true}
      %add3A_284 = arith.constant 6 : i32
      %add3A_285 = arith.addi %mul3A_15, %add3A_284 : i32
      %dma_start3A_286 = arith.constant 6 : i32
      %dma_start3A_287 = arith.constant 0 : i32
      %dma_start3A_288 = arith.constant 0 : i32
      %dma_start3A_289 = tpu.memref_slice %arg10[%dma_start3A_286, %dma_start3A_287, %dma_start3A_288] : memref<8x128x16xf32, #tpu.memory_space<vmem>> -> memref<1x128x16xf32, #tpu.memory_space<vmem>>
      %dma_start3A_290 = tpu.memref_squeeze %dma_start3A_289 : memref<1x128x16xf32, #tpu.memory_space<vmem>> -> memref<128x16xf32, #tpu.memory_space<vmem>>
      %dma_start3A_291 = arith.constant 0 : i32
      %dma_start3A_292 = tpu.memref_slice %arg9[%add3A_285, %dma_start3A_291] : memref<160x128xi32, #tpu.memory_space<vmem>> -> memref<1x128xi32, #tpu.memory_space<vmem>>
      %dma_start3A_293 = tpu.memref_squeeze %dma_start3A_292 : memref<1x128xi32, #tpu.memory_space<vmem>> -> memref<128xi32, #tpu.memory_space<vmem>>
      %dma_start3A_294 = arith.constant 0 : i32
      %dma_start3A_295 = arith.constant 0 : i32
      %dma_start3A_296 = tpu.memref_slice %arg7[%dma_start3A_294, %dma_start3A_295] : memref<10240x16xf32, #tpu.memory_space<vmem_shared>> -> memref<10240x16xf32, #tpu.memory_space<vmem_shared>>
      tpu.enqueue_indirect_dma source(%dma_start3A_290 : memref<128x16xf32, #tpu.memory_space<vmem>>) target(%dma_start3A_296 : memref<10240x16xf32, #tpu.memory_space<vmem_shared>>) offsets(%dma_start3A_293 : memref<128xi32, #tpu.memory_space<vmem>>) semaphore(%arg12 : memref<!tpu.dma_semaphore, #tpu.memory_space<semaphore_mem>>) {add = true}
      %add3A_297 = arith.constant 7 : i32
      %add3A_298 = arith.addi %mul3A_15, %add3A_297 : i32
      %dma_start3A_299 = arith.constant 7 : i32
      %dma_start3A_300 = arith.constant 0 : i32
      %dma_start3A_301 = arith.constant 0 : i32
      %dma_start3A_302 = tpu.memref_slice %arg10[%dma_start3A_299, %dma_start3A_300, %dma_start3A_301] : memref<8x128x16xf32, #tpu.memory_space<vmem>> -> memref<1x128x16xf32, #tpu.memory_space<vmem>>
      %dma_start3A_303 = tpu.memref_squeeze %dma_start3A_302 : memref<1x128x16xf32, #tpu.memory_space<vmem>> -> memref<128x16xf32, #tpu.memory_space<vmem>>
      %dma_start3A_304 = arith.constant 0 : i32
      %dma_start3A_305 = tpu.memref_slice %arg9[%add3A_298, %dma_start3A_304] : memref<160x128xi32, #tpu.memory_space<vmem>> -> memref<1x128xi32, #tpu.memory_space<vmem>>
      %dma_start3A_306 = tpu.memref_squeeze %dma_start3A_305 : memref<1x128xi32, #tpu.memory_space<vmem>> -> memref<128xi32, #tpu.memory_space<vmem>>
      %dma_start3A_307 = arith.constant 0 : i32
      %dma_start3A_308 = arith.constant 0 : i32
      %dma_start3A_309 = tpu.memref_slice %arg7[%dma_start3A_307, %dma_start3A_308] : memref<10240x16xf32, #tpu.memory_space<vmem_shared>> -> memref<10240x16xf32, #tpu.memory_space<vmem_shared>>
      tpu.enqueue_indirect_dma source(%dma_start3A_303 : memref<128x16xf32, #tpu.memory_space<vmem>>) target(%dma_start3A_309 : memref<10240x16xf32, #tpu.memory_space<vmem_shared>>) offsets(%dma_start3A_306 : memref<128xi32, #tpu.memory_space<vmem>>) semaphore(%arg12 : memref<!tpu.dma_semaphore, #tpu.memory_space<semaphore_mem>>) {add = true}
      %dma_wait3A_310 = arith.constant 0 : i32
      %dma_wait3A_311 = arith.constant 0 : i32
      %dma_wait3A_312 = arith.constant 0 : i32
      %dma_wait3A_313 = tpu.memref_slice %arg10[%dma_wait3A_310, %dma_wait3A_311, %dma_wait3A_312] : memref<8x128x16xf32, #tpu.memory_space<vmem>> -> memref<1x128x16xf32, #tpu.memory_space<vmem>>
      %dma_wait3A_314 = tpu.memref_squeeze %dma_wait3A_313 : memref<1x128x16xf32, #tpu.memory_space<vmem>> -> memref<128x16xf32, #tpu.memory_space<vmem>>
      %dma_wait3A_315 = arith.constant 0 : i32
      %dma_wait3A_316 = tpu.memref_slice %arg9[%add3A_207, %dma_wait3A_315] : memref<160x128xi32, #tpu.memory_space<vmem>> -> memref<1x128xi32, #tpu.memory_space<vmem>>
      %dma_wait3A_317 = tpu.memref_squeeze %dma_wait3A_316 : memref<1x128xi32, #tpu.memory_space<vmem>> -> memref<128xi32, #tpu.memory_space<vmem>>
      %dma_wait3A_318 = arith.constant 0 : i32
      %dma_wait3A_319 = arith.constant 0 : i32
      %dma_wait3A_320 = tpu.memref_slice %arg7[%dma_wait3A_318, %dma_wait3A_319] : memref<10240x16xf32, #tpu.memory_space<vmem_shared>> -> memref<10240x16xf32, #tpu.memory_space<vmem_shared>>
      tpu.wait_indirect_dma semaphore(%arg12 : memref<!tpu.dma_semaphore, #tpu.memory_space<semaphore_mem>>) src(%dma_wait3A_314 : memref<128x16xf32, #tpu.memory_space<vmem>>) dst(%dma_wait3A_320 : memref<10240x16xf32, #tpu.memory_space<vmem_shared>>)
      %dma_wait3A_321 = arith.constant 1 : i32
      %dma_wait3A_322 = arith.constant 0 : i32
      %dma_wait3A_323 = arith.constant 0 : i32
      %dma_wait3A_324 = tpu.memref_slice %arg10[%dma_wait3A_321, %dma_wait3A_322, %dma_wait3A_323] : memref<8x128x16xf32, #tpu.memory_space<vmem>> -> memref<1x128x16xf32, #tpu.memory_space<vmem>>
      %dma_wait3A_325 = tpu.memref_squeeze %dma_wait3A_324 : memref<1x128x16xf32, #tpu.memory_space<vmem>> -> memref<128x16xf32, #tpu.memory_space<vmem>>
      %dma_wait3A_326 = arith.constant 0 : i32
      %dma_wait3A_327 = tpu.memref_slice %arg9[%add3A_220, %dma_wait3A_326] : memref<160x128xi32, #tpu.memory_space<vmem>> -> memref<1x128xi32, #tpu.memory_space<vmem>>
      %dma_wait3A_328 = tpu.memref_squeeze %dma_wait3A_327 : memref<1x128xi32, #tpu.memory_space<vmem>> -> memref<128xi32, #tpu.memory_space<vmem>>
      %dma_wait3A_329 = arith.constant 0 : i32
      %dma_wait3A_330 = arith.constant 0 : i32
      %dma_wait3A_331 = tpu.memref_slice %arg7[%dma_wait3A_329, %dma_wait3A_330] : memref<10240x16xf32, #tpu.memory_space<vmem_shared>> -> memref<10240x16xf32, #tpu.memory_space<vmem_shared>>
      tpu.wait_indirect_dma semaphore(%arg12 : memref<!tpu.dma_semaphore, #tpu.memory_space<semaphore_mem>>) src(%dma_wait3A_325 : memref<128x16xf32, #tpu.memory_space<vmem>>) dst(%dma_wait3A_331 : memref<10240x16xf32, #tpu.memory_space<vmem_shared>>)
      %dma_wait3A_332 = arith.constant 2 : i32
      %dma_wait3A_333 = arith.constant 0 : i32
      %dma_wait3A_334 = arith.constant 0 : i32
      %dma_wait3A_335 = tpu.memref_slice %arg10[%dma_wait3A_332, %dma_wait3A_333, %dma_wait3A_334] : memref<8x128x16xf32, #tpu.memory_space<vmem>> -> memref<1x128x16xf32, #tpu.memory_space<vmem>>
      %dma_wait3A_336 = tpu.memref_squeeze %dma_wait3A_335 : memref<1x128x16xf32, #tpu.memory_space<vmem>> -> memref<128x16xf32, #tpu.memory_space<vmem>>
      %dma_wait3A_337 = arith.constant 0 : i32
      %dma_wait3A_338 = tpu.memref_slice %arg9[%add3A_233, %dma_wait3A_337] : memref<160x128xi32, #tpu.memory_space<vmem>> -> memref<1x128xi32, #tpu.memory_space<vmem>>
      %dma_wait3A_339 = tpu.memref_squeeze %dma_wait3A_338 : memref<1x128xi32, #tpu.memory_space<vmem>> -> memref<128xi32, #tpu.memory_space<vmem>>
      %dma_wait3A_340 = arith.constant 0 : i32
      %dma_wait3A_341 = arith.constant 0 : i32
      %dma_wait3A_342 = tpu.memref_slice %arg7[%dma_wait3A_340, %dma_wait3A_341] : memref<10240x16xf32, #tpu.memory_space<vmem_shared>> -> memref<10240x16xf32, #tpu.memory_space<vmem_shared>>
      tpu.wait_indirect_dma semaphore(%arg12 : memref<!tpu.dma_semaphore, #tpu.memory_space<semaphore_mem>>) src(%dma_wait3A_336 : memref<128x16xf32, #tpu.memory_space<vmem>>) dst(%dma_wait3A_342 : memref<10240x16xf32, #tpu.memory_space<vmem_shared>>)
      %dma_wait3A_343 = arith.constant 3 : i32
      %dma_wait3A_344 = arith.constant 0 : i32
      %dma_wait3A_345 = arith.constant 0 : i32
      %dma_wait3A_346 = tpu.memref_slice %arg10[%dma_wait3A_343, %dma_wait3A_344, %dma_wait3A_345] : memref<8x128x16xf32, #tpu.memory_space<vmem>> -> memref<1x128x16xf32, #tpu.memory_space<vmem>>
      %dma_wait3A_347 = tpu.memref_squeeze %dma_wait3A_346 : memref<1x128x16xf32, #tpu.memory_space<vmem>> -> memref<128x16xf32, #tpu.memory_space<vmem>>
      %dma_wait3A_348 = arith.constant 0 : i32
      %dma_wait3A_349 = tpu.memref_slice %arg9[%add3A_246, %dma_wait3A_348] : memref<160x128xi32, #tpu.memory_space<vmem>> -> memref<1x128xi32, #tpu.memory_space<vmem>>
      %dma_wait3A_350 = tpu.memref_squeeze %dma_wait3A_349 : memref<1x128xi32, #tpu.memory_space<vmem>> -> memref<128xi32, #tpu.memory_space<vmem>>
      %dma_wait3A_351 = arith.constant 0 : i32
      %dma_wait3A_352 = arith.constant 0 : i32
      %dma_wait3A_353 = tpu.memref_slice %arg7[%dma_wait3A_351, %dma_wait3A_352] : memref<10240x16xf32, #tpu.memory_space<vmem_shared>> -> memref<10240x16xf32, #tpu.memory_space<vmem_shared>>
      tpu.wait_indirect_dma semaphore(%arg12 : memref<!tpu.dma_semaphore, #tpu.memory_space<semaphore_mem>>) src(%dma_wait3A_347 : memref<128x16xf32, #tpu.memory_space<vmem>>) dst(%dma_wait3A_353 : memref<10240x16xf32, #tpu.memory_space<vmem_shared>>)
      %dma_wait3A_354 = arith.constant 4 : i32
      %dma_wait3A_355 = arith.constant 0 : i32
      %dma_wait3A_356 = arith.constant 0 : i32
      %dma_wait3A_357 = tpu.memref_slice %arg10[%dma_wait3A_354, %dma_wait3A_355, %dma_wait3A_356] : memref<8x128x16xf32, #tpu.memory_space<vmem>> -> memref<1x128x16xf32, #tpu.memory_space<vmem>>
      %dma_wait3A_358 = tpu.memref_squeeze %dma_wait3A_357 : memref<1x128x16xf32, #tpu.memory_space<vmem>> -> memref<128x16xf32, #tpu.memory_space<vmem>>
      %dma_wait3A_359 = arith.constant 0 : i32
      %dma_wait3A_360 = tpu.memref_slice %arg9[%add3A_259, %dma_wait3A_359] : memref<160x128xi32, #tpu.memory_space<vmem>> -> memref<1x128xi32, #tpu.memory_space<vmem>>
      %dma_wait3A_361 = tpu.memref_squeeze %dma_wait3A_360 : memref<1x128xi32, #tpu.memory_space<vmem>> -> memref<128xi32, #tpu.memory_space<vmem>>
      %dma_wait3A_362 = arith.constant 0 : i32
      %dma_wait3A_363 = arith.constant 0 : i32
      %dma_wait3A_364 = tpu.memref_slice %arg7[%dma_wait3A_362, %dma_wait3A_363] : memref<10240x16xf32, #tpu.memory_space<vmem_shared>> -> memref<10240x16xf32, #tpu.memory_space<vmem_shared>>
      tpu.wait_indirect_dma semaphore(%arg12 : memref<!tpu.dma_semaphore, #tpu.memory_space<semaphore_mem>>) src(%dma_wait3A_358 : memref<128x16xf32, #tpu.memory_space<vmem>>) dst(%dma_wait3A_364 : memref<10240x16xf32, #tpu.memory_space<vmem_shared>>)
      %dma_wait3A_365 = arith.constant 5 : i32
      %dma_wait3A_366 = arith.constant 0 : i32
      %dma_wait3A_367 = arith.constant 0 : i32
      %dma_wait3A_368 = tpu.memref_slice %arg10[%dma_wait3A_365, %dma_wait3A_366, %dma_wait3A_367] : memref<8x128x16xf32, #tpu.memory_space<vmem>> -> memref<1x128x16xf32, #tpu.memory_space<vmem>>
      %dma_wait3A_369 = tpu.memref_squeeze %dma_wait3A_368 : memref<1x128x16xf32, #tpu.memory_space<vmem>> -> memref<128x16xf32, #tpu.memory_space<vmem>>
      %dma_wait3A_370 = arith.constant 0 : i32
      %dma_wait3A_371 = tpu.memref_slice %arg9[%add3A_272, %dma_wait3A_370] : memref<160x128xi32, #tpu.memory_space<vmem>> -> memref<1x128xi32, #tpu.memory_space<vmem>>
      %dma_wait3A_372 = tpu.memref_squeeze %dma_wait3A_371 : memref<1x128xi32, #tpu.memory_space<vmem>> -> memref<128xi32, #tpu.memory_space<vmem>>
      %dma_wait3A_373 = arith.constant 0 : i32
      %dma_wait3A_374 = arith.constant 0 : i32
      %dma_wait3A_375 = tpu.memref_slice %arg7[%dma_wait3A_373, %dma_wait3A_374] : memref<10240x16xf32, #tpu.memory_space<vmem_shared>> -> memref<10240x16xf32, #tpu.memory_space<vmem_shared>>
      tpu.wait_indirect_dma semaphore(%arg12 : memref<!tpu.dma_semaphore, #tpu.memory_space<semaphore_mem>>) src(%dma_wait3A_369 : memref<128x16xf32, #tpu.memory_space<vmem>>) dst(%dma_wait3A_375 : memref<10240x16xf32, #tpu.memory_space<vmem_shared>>)
      %dma_wait3A_376 = arith.constant 6 : i32
      %dma_wait3A_377 = arith.constant 0 : i32
      %dma_wait3A_378 = arith.constant 0 : i32
      %dma_wait3A_379 = tpu.memref_slice %arg10[%dma_wait3A_376, %dma_wait3A_377, %dma_wait3A_378] : memref<8x128x16xf32, #tpu.memory_space<vmem>> -> memref<1x128x16xf32, #tpu.memory_space<vmem>>
      %dma_wait3A_380 = tpu.memref_squeeze %dma_wait3A_379 : memref<1x128x16xf32, #tpu.memory_space<vmem>> -> memref<128x16xf32, #tpu.memory_space<vmem>>
      %dma_wait3A_381 = arith.constant 0 : i32
      %dma_wait3A_382 = tpu.memref_slice %arg9[%add3A_285, %dma_wait3A_381] : memref<160x128xi32, #tpu.memory_space<vmem>> -> memref<1x128xi32, #tpu.memory_space<vmem>>
      %dma_wait3A_383 = tpu.memref_squeeze %dma_wait3A_382 : memref<1x128xi32, #tpu.memory_space<vmem>> -> memref<128xi32, #tpu.memory_space<vmem>>
      %dma_wait3A_384 = arith.constant 0 : i32
      %dma_wait3A_385 = arith.constant 0 : i32
      %dma_wait3A_386 = tpu.memref_slice %arg7[%dma_wait3A_384, %dma_wait3A_385] : memref<10240x16xf32, #tpu.memory_space<vmem_shared>> -> memref<10240x16xf32, #tpu.memory_space<vmem_shared>>
      tpu.wait_indirect_dma semaphore(%arg12 : memref<!tpu.dma_semaphore, #tpu.memory_space<semaphore_mem>>) src(%dma_wait3A_380 : memref<128x16xf32, #tpu.memory_space<vmem>>) dst(%dma_wait3A_386 : memref<10240x16xf32, #tpu.memory_space<vmem_shared>>)
      %dma_wait3A_387 = arith.constant 7 : i32
      %dma_wait3A_388 = arith.constant 0 : i32
      %dma_wait3A_389 = arith.constant 0 : i32
      %dma_wait3A_390 = tpu.memref_slice %arg10[%dma_wait3A_387, %dma_wait3A_388, %dma_wait3A_389] : memref<8x128x16xf32, #tpu.memory_space<vmem>> -> memref<1x128x16xf32, #tpu.memory_space<vmem>>
      %dma_wait3A_391 = tpu.memref_squeeze %dma_wait3A_390 : memref<1x128x16xf32, #tpu.memory_space<vmem>> -> memref<128x16xf32, #tpu.memory_space<vmem>>
      %dma_wait3A_392 = arith.constant 0 : i32
      %dma_wait3A_393 = tpu.memref_slice %arg9[%add3A_298, %dma_wait3A_392] : memref<160x128xi32, #tpu.memory_space<vmem>> -> memref<1x128xi32, #tpu.memory_space<vmem>>
      %dma_wait3A_394 = tpu.memref_squeeze %dma_wait3A_393 : memref<1x128xi32, #tpu.memory_space<vmem>> -> memref<128xi32, #tpu.memory_space<vmem>>
      %dma_wait3A_395 = arith.constant 0 : i32
      %dma_wait3A_396 = arith.constant 0 : i32
      %dma_wait3A_397 = tpu.memref_slice %arg7[%dma_wait3A_395, %dma_wait3A_396] : memref<10240x16xf32, #tpu.memory_space<vmem_shared>> -> memref<10240x16xf32, #tpu.memory_space<vmem_shared>>
      tpu.wait_indirect_dma semaphore(%arg12 : memref<!tpu.dma_semaphore, #tpu.memory_space<semaphore_mem>>) src(%dma_wait3A_391 : memref<128x16xf32, #tpu.memory_space<vmem>>) dst(%dma_wait3A_397 : memref<10240x16xf32, #tpu.memory_space<vmem_shared>>)
    }
    %scan3A_7 = arith.constant 20 : i32
    %barrier3A_8 = arith.constant 0 : index
    tpu.barrier barrier_id(%barrier3A_8)
    %mul3A_9 = arith.constant 640 : i32
    %mul3A_10 = arith.muli %arg1, %mul3A_9 : i32
    %mul3A_11 = arith.constant 640 : i32
    %mul3A_12 = arith.muli %arg1, %mul3A_11 : i32
    "tpu.region"() ({
      %run_scoped3A = tpu.sem_alloc : memref<!tpu.dma_semaphore, #tpu.memory_space<semaphore_mem>>
      %dma_start3A = arith.constant 0 : i32
      %dma_start3A_13 = arith.constant 0 : i32
      %dma_start3A_14 = tpu.memref_slice %arg6[%arg0, %dma_start3A, %dma_start3A_13] : memref<2x10240x16xf32, #tpu.memory_space<hbm>> -> memref<1x10240x16xf32, #tpu.memory_space<hbm>>
      %dma_start3A_15 = tpu.memref_squeeze %dma_start3A_14 : memref<1x10240x16xf32, #tpu.memory_space<hbm>> -> memref<10240x16xf32, #tpu.memory_space<hbm>>
      %dma_start3A_16 = arith.constant 0 : i32
      %dma_start3A_17 = tpu.memref_slice %dma_start3A_15[%mul3A_12, %dma_start3A_16] : memref<10240x16xf32, #tpu.memory_space<hbm>> -> memref<640x16xf32, #tpu.memory_space<hbm>>
      %dma_start3A_18 = arith.constant 0 : i32
      %dma_start3A_19 = tpu.memref_slice %arg7[%mul3A_10, %dma_start3A_18] : memref<10240x16xf32, #tpu.memory_space<vmem_shared>> -> memref<640x16xf32, #tpu.memory_space<vmem_shared>>
      tpu.enqueue_dma source(%dma_start3A_19 : memref<640x16xf32, #tpu.memory_space<vmem_shared>>) target(%dma_start3A_17 : memref<640x16xf32, #tpu.memory_space<hbm>>) target_semaphore(%run_scoped3A : memref<!tpu.dma_semaphore, #tpu.memory_space<semaphore_mem>>)
      %dma_wait3A = arith.constant 0 : i32
      %dma_wait3A_20 = arith.constant 0 : i32
      %dma_wait3A_21 = tpu.memref_slice %arg6[%arg0, %dma_wait3A, %dma_wait3A_20] : memref<2x10240x16xf32, #tpu.memory_space<hbm>> -> memref<1x10240x16xf32, #tpu.memory_space<hbm>>
      %dma_wait3A_22 = tpu.memref_squeeze %dma_wait3A_21 : memref<1x10240x16xf32, #tpu.memory_space<hbm>> -> memref<10240x16xf32, #tpu.memory_space<hbm>>
      %dma_wait3A_23 = arith.constant 0 : i32
      %dma_wait3A_24 = tpu.memref_slice %dma_wait3A_22[%mul3A_12, %dma_wait3A_23] : memref<10240x16xf32, #tpu.memory_space<hbm>> -> memref<640x16xf32, #tpu.memory_space<hbm>>
      %dma_wait3A_25 = arith.constant 0 : i32
      %dma_wait3A_26 = tpu.memref_slice %arg7[%mul3A_10, %dma_wait3A_25] : memref<10240x16xf32, #tpu.memory_space<vmem_shared>> -> memref<640x16xf32, #tpu.memory_space<vmem_shared>>
      tpu.wait_dma2 semaphore(%run_scoped3A : memref<!tpu.dma_semaphore, #tpu.memory_space<semaphore_mem>>) src(%dma_wait3A_26 : memref<640x16xf32, #tpu.memory_space<vmem_shared>>) dst(%dma_wait3A_24 : memref<640x16xf32, #tpu.memory_space<hbm>>)
      tpu.yield
    }) : () -> ()
    return
  }
}

#map = affine_map<(d0, d1) -> (0, 0)>
#map1 = affine_map<(d0, d1) -> (0, 0, 0)>
module attributes {stable_mosaic.version = 14 : i64} {
  func.func @_edge_body(%arg0: i32, %arg1: i32, %arg2: memref<10240x16xf32, #tpu.memory_space<hbm>>, %arg3: memref<32x160x128xi32, #tpu.memory_space<hbm>>, %arg4: memref<32x160x128xi32, #tpu.memory_space<hbm>>, %arg5: memref<640x16xf32, #tpu.memory_space<hbm>>, %arg6: memref<2x10240x16xf32, #tpu.memory_space<hbm>>, %arg7: memref<10240x16xf32, #tpu.memory_space<vmem_shared>>, %arg8: memref<160x128xi32, #tpu.memory_space<vmem>>, %arg9: memref<160x128xi32, #tpu.memory_space<vmem>>, %arg10: memref<8x128x16xf32, #tpu.memory_space<vmem>>, %arg11: memref<!tpu.dma_semaphore, #tpu.memory_space<semaphore_mem>>, %arg12: memref<!tpu.dma_semaphore, #tpu.memory_space<semaphore_mem>>) attributes {dimension_semantics = [#tpu.dimension_semantics<core_parallel>, #tpu.dimension_semantics<subcore_parallel>], iteration_bounds = array<i64: 2, 16>, scalar_prefetch = 0 : i64, scratch_operands = 6 : i64, tpu.core_type = #tpu.core_type<sc_vector_subcore>, window_params = [{transform_indices = #map}, {transform_indices = #map1}, {transform_indices = #map1}, {transform_indices = #map}, {transform_indices = #map1}]} {
    %mul3A = arith.constant 2 : i32
    %mul3A_0 = arith.muli %arg1, %mul3A : i32
    %add3A = arith.addi %mul3A_0, %arg0 : i32
    %mul3A_1 = arith.constant 640 : i32
    %mul3A_2 = arith.muli %arg1, %mul3A_1 : i32
    "tpu.region"() ({
      %run_scoped3A = tpu.sem_alloc : memref<!tpu.dma_semaphore, #tpu.memory_space<semaphore_mem>>
      %dma_start3A = arith.constant 0 : i32
      %dma_start3A_13 = tpu.memref_slice %arg7[%mul3A_2, %dma_start3A] : memref<10240x16xf32, #tpu.memory_space<vmem_shared>> -> memref<640x16xf32, #tpu.memory_space<vmem_shared>>
      tpu.enqueue_dma source(%arg5 : memref<640x16xf32, #tpu.memory_space<hbm>>) target(%dma_start3A_13 : memref<640x16xf32, #tpu.memory_space<vmem_shared>>) target_semaphore(%run_scoped3A : memref<!tpu.dma_semaphore, #tpu.memory_space<semaphore_mem>>)
      %dma_wait3A = arith.constant 0 : i32
      %dma_wait3A_14 = tpu.memref_slice %arg7[%mul3A_2, %dma_wait3A] : memref<10240x16xf32, #tpu.memory_space<vmem_shared>> -> memref<640x16xf32, #tpu.memory_space<vmem_shared>>
      tpu.wait_dma2 semaphore(%run_scoped3A : memref<!tpu.dma_semaphore, #tpu.memory_space<semaphore_mem>>) src(%arg5 : memref<640x16xf32, #tpu.memory_space<hbm>>) dst(%dma_wait3A_14 : memref<640x16xf32, #tpu.memory_space<vmem_shared>>)
      tpu.yield
    }) : () -> ()
    %barrier3A = arith.constant 0 : index
    tpu.barrier barrier_id(%barrier3A)
    "tpu.region"() ({
      %run_scoped3A = tpu.sem_alloc : memref<!tpu.dma_semaphore, #tpu.memory_space<semaphore_mem>>
      %dma_start3A = arith.constant 0 : i32
      %dma_start3A_13 = arith.constant 0 : i32
      %dma_start3A_14 = tpu.memref_slice %arg3[%add3A, %dma_start3A, %dma_start3A_13] : memref<32x160x128xi32, #tpu.memory_space<hbm>> -> memref<1x160x128xi32, #tpu.memory_space<hbm>>
      %dma_start3A_15 = tpu.memref_squeeze %dma_start3A_14 : memref<1x160x128xi32, #tpu.memory_space<hbm>> -> memref<160x128xi32, #tpu.memory_space<hbm>>
      %dma_start3A_16 = arith.constant 0 : i32
      %dma_start3A_17 = arith.constant 0 : i32
      %dma_start3A_18 = tpu.memref_slice %arg3[%add3A, %dma_start3A_16, %dma_start3A_17] : memref<32x160x128xi32, #tpu.memory_space<hbm>> -> memref<1x160x128xi32, #tpu.memory_space<hbm>>
      %dma_start3A_19 = tpu.memref_squeeze %dma_start3A_18 : memref<1x160x128xi32, #tpu.memory_space<hbm>> -> memref<160x128xi32, #tpu.memory_space<hbm>>
      tpu.enqueue_dma source(%dma_start3A_19 : memref<160x128xi32, #tpu.memory_space<hbm>>) target(%arg8 : memref<160x128xi32, #tpu.memory_space<vmem>>) target_semaphore(%run_scoped3A : memref<!tpu.dma_semaphore, #tpu.memory_space<semaphore_mem>>)
      %dma_wait3A = arith.constant 0 : i32
      %dma_wait3A_20 = arith.constant 0 : i32
      %dma_wait3A_21 = tpu.memref_slice %arg3[%add3A, %dma_wait3A, %dma_wait3A_20] : memref<32x160x128xi32, #tpu.memory_space<hbm>> -> memref<1x160x128xi32, #tpu.memory_space<hbm>>
      %dma_wait3A_22 = tpu.memref_squeeze %dma_wait3A_21 : memref<1x160x128xi32, #tpu.memory_space<hbm>> -> memref<160x128xi32, #tpu.memory_space<hbm>>
      %dma_wait3A_23 = arith.constant 0 : i32
      %dma_wait3A_24 = arith.constant 0 : i32
      %dma_wait3A_25 = tpu.memref_slice %arg3[%add3A, %dma_wait3A_23, %dma_wait3A_24] : memref<32x160x128xi32, #tpu.memory_space<hbm>> -> memref<1x160x128xi32, #tpu.memory_space<hbm>>
      %dma_wait3A_26 = tpu.memref_squeeze %dma_wait3A_25 : memref<1x160x128xi32, #tpu.memory_space<hbm>> -> memref<160x128xi32, #tpu.memory_space<hbm>>
      tpu.wait_dma2 semaphore(%run_scoped3A : memref<!tpu.dma_semaphore, #tpu.memory_space<semaphore_mem>>) src(%dma_wait3A_26 : memref<160x128xi32, #tpu.memory_space<hbm>>) dst(%arg8 : memref<160x128xi32, #tpu.memory_space<vmem>>)
      tpu.yield
    }) : () -> ()
    "tpu.region"() ({
      %run_scoped3A = tpu.sem_alloc : memref<!tpu.dma_semaphore, #tpu.memory_space<semaphore_mem>>
      %dma_start3A = arith.constant 0 : i32
      %dma_start3A_13 = arith.constant 0 : i32
      %dma_start3A_14 = tpu.memref_slice %arg4[%add3A, %dma_start3A, %dma_start3A_13] : memref<32x160x128xi32, #tpu.memory_space<hbm>> -> memref<1x160x128xi32, #tpu.memory_space<hbm>>
      %dma_start3A_15 = tpu.memref_squeeze %dma_start3A_14 : memref<1x160x128xi32, #tpu.memory_space<hbm>> -> memref<160x128xi32, #tpu.memory_space<hbm>>
      %dma_start3A_16 = arith.constant 0 : i32
      %dma_start3A_17 = arith.constant 0 : i32
      %dma_start3A_18 = tpu.memref_slice %arg4[%add3A, %dma_start3A_16, %dma_start3A_17] : memref<32x160x128xi32, #tpu.memory_space<hbm>> -> memref<1x160x128xi32, #tpu.memory_space<hbm>>
      %dma_start3A_19 = tpu.memref_squeeze %dma_start3A_18 : memref<1x160x128xi32, #tpu.memory_space<hbm>> -> memref<160x128xi32, #tpu.memory_space<hbm>>
      tpu.enqueue_dma source(%dma_start3A_19 : memref<160x128xi32, #tpu.memory_space<hbm>>) target(%arg9 : memref<160x128xi32, #tpu.memory_space<vmem>>) target_semaphore(%run_scoped3A : memref<!tpu.dma_semaphore, #tpu.memory_space<semaphore_mem>>)
      %dma_wait3A = arith.constant 0 : i32
      %dma_wait3A_20 = arith.constant 0 : i32
      %dma_wait3A_21 = tpu.memref_slice %arg4[%add3A, %dma_wait3A, %dma_wait3A_20] : memref<32x160x128xi32, #tpu.memory_space<hbm>> -> memref<1x160x128xi32, #tpu.memory_space<hbm>>
      %dma_wait3A_22 = tpu.memref_squeeze %dma_wait3A_21 : memref<1x160x128xi32, #tpu.memory_space<hbm>> -> memref<160x128xi32, #tpu.memory_space<hbm>>
      %dma_wait3A_23 = arith.constant 0 : i32
      %dma_wait3A_24 = arith.constant 0 : i32
      %dma_wait3A_25 = tpu.memref_slice %arg4[%add3A, %dma_wait3A_23, %dma_wait3A_24] : memref<32x160x128xi32, #tpu.memory_space<hbm>> -> memref<1x160x128xi32, #tpu.memory_space<hbm>>
      %dma_wait3A_26 = tpu.memref_squeeze %dma_wait3A_25 : memref<1x160x128xi32, #tpu.memory_space<hbm>> -> memref<160x128xi32, #tpu.memory_space<hbm>>
      tpu.wait_dma2 semaphore(%run_scoped3A : memref<!tpu.dma_semaphore, #tpu.memory_space<semaphore_mem>>) src(%dma_wait3A_26 : memref<160x128xi32, #tpu.memory_space<hbm>>) dst(%arg9 : memref<160x128xi32, #tpu.memory_space<vmem>>)
      tpu.yield
    }) : () -> ()
    %scan3A = arith.constant 0 : i32
    %scan3A_3 = arith.constant 0 : i32
    %scan3A_4 = arith.constant 20 : i32
    %scan3A_5 = arith.addi %scan3A_3, %scan3A_4 : i32
    %scan3A_6 = arith.constant 1 : i32
    scf.for %scan3A_13 = %scan3A_3 to %scan3A_5 step %scan3A_6  : i32 {
      %mul3A_14 = arith.constant 8 : i32
      %mul3A_15 = arith.muli %scan3A_13, %mul3A_14 : i32
      %add3A_16 = arith.constant 0 : i32
      %add3A_17 = arith.addi %mul3A_15, %add3A_16 : i32
      %dma_start3A = arith.constant 0 : i32
      %dma_start3A_18 = arith.constant 0 : i32
      %dma_start3A_19 = arith.constant 0 : i32
      %dma_start3A_20 = tpu.memref_slice %arg10[%dma_start3A, %dma_start3A_18, %dma_start3A_19] : memref<8x128x16xf32, #tpu.memory_space<vmem>> -> memref<1x128x16xf32, #tpu.memory_space<vmem>>
      %dma_start3A_21 = tpu.memref_squeeze %dma_start3A_20 : memref<1x128x16xf32, #tpu.memory_space<vmem>> -> memref<128x16xf32, #tpu.memory_space<vmem>>
      %dma_start3A_22 = arith.constant 0 : i32
      %dma_start3A_23 = tpu.memref_slice %arg8[%add3A_17, %dma_start3A_22] : memref<160x128xi32, #tpu.memory_space<vmem>> -> memref<1x128xi32, #tpu.memory_space<vmem>>
      %dma_start3A_24 = tpu.memref_squeeze %dma_start3A_23 : memref<1x128xi32, #tpu.memory_space<vmem>> -> memref<128xi32, #tpu.memory_space<vmem>>
      %dma_start3A_25 = arith.constant 0 : i32
      %dma_start3A_26 = arith.constant 0 : i32
      %dma_start3A_27 = tpu.memref_slice %arg2[%dma_start3A_25, %dma_start3A_26] : memref<10240x16xf32, #tpu.memory_space<hbm>> -> memref<10240x16xf32, #tpu.memory_space<hbm>>
      tpu.enqueue_indirect_dma source(%dma_start3A_27 : memref<10240x16xf32, #tpu.memory_space<hbm>>) target(%dma_start3A_21 : memref<128x16xf32, #tpu.memory_space<vmem>>) offsets(%dma_start3A_24 : memref<128xi32, #tpu.memory_space<vmem>>) semaphore(%arg11 : memref<!tpu.dma_semaphore, #tpu.memory_space<semaphore_mem>>)
      %add3A_28 = arith.constant 1 : i32
      %add3A_29 = arith.addi %mul3A_15, %add3A_28 : i32
      %dma_start3A_30 = arith.constant 1 : i32
      %dma_start3A_31 = arith.constant 0 : i32
      %dma_start3A_32 = arith.constant 0 : i32
      %dma_start3A_33 = tpu.memref_slice %arg10[%dma_start3A_30, %dma_start3A_31, %dma_start3A_32] : memref<8x128x16xf32, #tpu.memory_space<vmem>> -> memref<1x128x16xf32, #tpu.memory_space<vmem>>
      %dma_start3A_34 = tpu.memref_squeeze %dma_start3A_33 : memref<1x128x16xf32, #tpu.memory_space<vmem>> -> memref<128x16xf32, #tpu.memory_space<vmem>>
      %dma_start3A_35 = arith.constant 0 : i32
      %dma_start3A_36 = tpu.memref_slice %arg8[%add3A_29, %dma_start3A_35] : memref<160x128xi32, #tpu.memory_space<vmem>> -> memref<1x128xi32, #tpu.memory_space<vmem>>
      %dma_start3A_37 = tpu.memref_squeeze %dma_start3A_36 : memref<1x128xi32, #tpu.memory_space<vmem>> -> memref<128xi32, #tpu.memory_space<vmem>>
      %dma_start3A_38 = arith.constant 0 : i32
      %dma_start3A_39 = arith.constant 0 : i32
      %dma_start3A_40 = tpu.memref_slice %arg2[%dma_start3A_38, %dma_start3A_39] : memref<10240x16xf32, #tpu.memory_space<hbm>> -> memref<10240x16xf32, #tpu.memory_space<hbm>>
      tpu.enqueue_indirect_dma source(%dma_start3A_40 : memref<10240x16xf32, #tpu.memory_space<hbm>>) target(%dma_start3A_34 : memref<128x16xf32, #tpu.memory_space<vmem>>) offsets(%dma_start3A_37 : memref<128xi32, #tpu.memory_space<vmem>>) semaphore(%arg11 : memref<!tpu.dma_semaphore, #tpu.memory_space<semaphore_mem>>)
      %add3A_41 = arith.constant 2 : i32
      %add3A_42 = arith.addi %mul3A_15, %add3A_41 : i32
      %dma_start3A_43 = arith.constant 2 : i32
      %dma_start3A_44 = arith.constant 0 : i32
      %dma_start3A_45 = arith.constant 0 : i32
      %dma_start3A_46 = tpu.memref_slice %arg10[%dma_start3A_43, %dma_start3A_44, %dma_start3A_45] : memref<8x128x16xf32, #tpu.memory_space<vmem>> -> memref<1x128x16xf32, #tpu.memory_space<vmem>>
      %dma_start3A_47 = tpu.memref_squeeze %dma_start3A_46 : memref<1x128x16xf32, #tpu.memory_space<vmem>> -> memref<128x16xf32, #tpu.memory_space<vmem>>
      %dma_start3A_48 = arith.constant 0 : i32
      %dma_start3A_49 = tpu.memref_slice %arg8[%add3A_42, %dma_start3A_48] : memref<160x128xi32, #tpu.memory_space<vmem>> -> memref<1x128xi32, #tpu.memory_space<vmem>>
      %dma_start3A_50 = tpu.memref_squeeze %dma_start3A_49 : memref<1x128xi32, #tpu.memory_space<vmem>> -> memref<128xi32, #tpu.memory_space<vmem>>
      %dma_start3A_51 = arith.constant 0 : i32
      %dma_start3A_52 = arith.constant 0 : i32
      %dma_start3A_53 = tpu.memref_slice %arg2[%dma_start3A_51, %dma_start3A_52] : memref<10240x16xf32, #tpu.memory_space<hbm>> -> memref<10240x16xf32, #tpu.memory_space<hbm>>
      tpu.enqueue_indirect_dma source(%dma_start3A_53 : memref<10240x16xf32, #tpu.memory_space<hbm>>) target(%dma_start3A_47 : memref<128x16xf32, #tpu.memory_space<vmem>>) offsets(%dma_start3A_50 : memref<128xi32, #tpu.memory_space<vmem>>) semaphore(%arg11 : memref<!tpu.dma_semaphore, #tpu.memory_space<semaphore_mem>>)
      %add3A_54 = arith.constant 3 : i32
      %add3A_55 = arith.addi %mul3A_15, %add3A_54 : i32
      %dma_start3A_56 = arith.constant 3 : i32
      %dma_start3A_57 = arith.constant 0 : i32
      %dma_start3A_58 = arith.constant 0 : i32
      %dma_start3A_59 = tpu.memref_slice %arg10[%dma_start3A_56, %dma_start3A_57, %dma_start3A_58] : memref<8x128x16xf32, #tpu.memory_space<vmem>> -> memref<1x128x16xf32, #tpu.memory_space<vmem>>
      %dma_start3A_60 = tpu.memref_squeeze %dma_start3A_59 : memref<1x128x16xf32, #tpu.memory_space<vmem>> -> memref<128x16xf32, #tpu.memory_space<vmem>>
      %dma_start3A_61 = arith.constant 0 : i32
      %dma_start3A_62 = tpu.memref_slice %arg8[%add3A_55, %dma_start3A_61] : memref<160x128xi32, #tpu.memory_space<vmem>> -> memref<1x128xi32, #tpu.memory_space<vmem>>
      %dma_start3A_63 = tpu.memref_squeeze %dma_start3A_62 : memref<1x128xi32, #tpu.memory_space<vmem>> -> memref<128xi32, #tpu.memory_space<vmem>>
      %dma_start3A_64 = arith.constant 0 : i32
      %dma_start3A_65 = arith.constant 0 : i32
      %dma_start3A_66 = tpu.memref_slice %arg2[%dma_start3A_64, %dma_start3A_65] : memref<10240x16xf32, #tpu.memory_space<hbm>> -> memref<10240x16xf32, #tpu.memory_space<hbm>>
      tpu.enqueue_indirect_dma source(%dma_start3A_66 : memref<10240x16xf32, #tpu.memory_space<hbm>>) target(%dma_start3A_60 : memref<128x16xf32, #tpu.memory_space<vmem>>) offsets(%dma_start3A_63 : memref<128xi32, #tpu.memory_space<vmem>>) semaphore(%arg11 : memref<!tpu.dma_semaphore, #tpu.memory_space<semaphore_mem>>)
      %add3A_67 = arith.constant 4 : i32
      %add3A_68 = arith.addi %mul3A_15, %add3A_67 : i32
      %dma_start3A_69 = arith.constant 4 : i32
      %dma_start3A_70 = arith.constant 0 : i32
      %dma_start3A_71 = arith.constant 0 : i32
      %dma_start3A_72 = tpu.memref_slice %arg10[%dma_start3A_69, %dma_start3A_70, %dma_start3A_71] : memref<8x128x16xf32, #tpu.memory_space<vmem>> -> memref<1x128x16xf32, #tpu.memory_space<vmem>>
      %dma_start3A_73 = tpu.memref_squeeze %dma_start3A_72 : memref<1x128x16xf32, #tpu.memory_space<vmem>> -> memref<128x16xf32, #tpu.memory_space<vmem>>
      %dma_start3A_74 = arith.constant 0 : i32
      %dma_start3A_75 = tpu.memref_slice %arg8[%add3A_68, %dma_start3A_74] : memref<160x128xi32, #tpu.memory_space<vmem>> -> memref<1x128xi32, #tpu.memory_space<vmem>>
      %dma_start3A_76 = tpu.memref_squeeze %dma_start3A_75 : memref<1x128xi32, #tpu.memory_space<vmem>> -> memref<128xi32, #tpu.memory_space<vmem>>
      %dma_start3A_77 = arith.constant 0 : i32
      %dma_start3A_78 = arith.constant 0 : i32
      %dma_start3A_79 = tpu.memref_slice %arg2[%dma_start3A_77, %dma_start3A_78] : memref<10240x16xf32, #tpu.memory_space<hbm>> -> memref<10240x16xf32, #tpu.memory_space<hbm>>
      tpu.enqueue_indirect_dma source(%dma_start3A_79 : memref<10240x16xf32, #tpu.memory_space<hbm>>) target(%dma_start3A_73 : memref<128x16xf32, #tpu.memory_space<vmem>>) offsets(%dma_start3A_76 : memref<128xi32, #tpu.memory_space<vmem>>) semaphore(%arg11 : memref<!tpu.dma_semaphore, #tpu.memory_space<semaphore_mem>>)
      %add3A_80 = arith.constant 5 : i32
      %add3A_81 = arith.addi %mul3A_15, %add3A_80 : i32
      %dma_start3A_82 = arith.constant 5 : i32
      %dma_start3A_83 = arith.constant 0 : i32
      %dma_start3A_84 = arith.constant 0 : i32
      %dma_start3A_85 = tpu.memref_slice %arg10[%dma_start3A_82, %dma_start3A_83, %dma_start3A_84] : memref<8x128x16xf32, #tpu.memory_space<vmem>> -> memref<1x128x16xf32, #tpu.memory_space<vmem>>
      %dma_start3A_86 = tpu.memref_squeeze %dma_start3A_85 : memref<1x128x16xf32, #tpu.memory_space<vmem>> -> memref<128x16xf32, #tpu.memory_space<vmem>>
      %dma_start3A_87 = arith.constant 0 : i32
      %dma_start3A_88 = tpu.memref_slice %arg8[%add3A_81, %dma_start3A_87] : memref<160x128xi32, #tpu.memory_space<vmem>> -> memref<1x128xi32, #tpu.memory_space<vmem>>
      %dma_start3A_89 = tpu.memref_squeeze %dma_start3A_88 : memref<1x128xi32, #tpu.memory_space<vmem>> -> memref<128xi32, #tpu.memory_space<vmem>>
      %dma_start3A_90 = arith.constant 0 : i32
      %dma_start3A_91 = arith.constant 0 : i32
      %dma_start3A_92 = tpu.memref_slice %arg2[%dma_start3A_90, %dma_start3A_91] : memref<10240x16xf32, #tpu.memory_space<hbm>> -> memref<10240x16xf32, #tpu.memory_space<hbm>>
      tpu.enqueue_indirect_dma source(%dma_start3A_92 : memref<10240x16xf32, #tpu.memory_space<hbm>>) target(%dma_start3A_86 : memref<128x16xf32, #tpu.memory_space<vmem>>) offsets(%dma_start3A_89 : memref<128xi32, #tpu.memory_space<vmem>>) semaphore(%arg11 : memref<!tpu.dma_semaphore, #tpu.memory_space<semaphore_mem>>)
      %add3A_93 = arith.constant 6 : i32
      %add3A_94 = arith.addi %mul3A_15, %add3A_93 : i32
      %dma_start3A_95 = arith.constant 6 : i32
      %dma_start3A_96 = arith.constant 0 : i32
      %dma_start3A_97 = arith.constant 0 : i32
      %dma_start3A_98 = tpu.memref_slice %arg10[%dma_start3A_95, %dma_start3A_96, %dma_start3A_97] : memref<8x128x16xf32, #tpu.memory_space<vmem>> -> memref<1x128x16xf32, #tpu.memory_space<vmem>>
      %dma_start3A_99 = tpu.memref_squeeze %dma_start3A_98 : memref<1x128x16xf32, #tpu.memory_space<vmem>> -> memref<128x16xf32, #tpu.memory_space<vmem>>
      %dma_start3A_100 = arith.constant 0 : i32
      %dma_start3A_101 = tpu.memref_slice %arg8[%add3A_94, %dma_start3A_100] : memref<160x128xi32, #tpu.memory_space<vmem>> -> memref<1x128xi32, #tpu.memory_space<vmem>>
      %dma_start3A_102 = tpu.memref_squeeze %dma_start3A_101 : memref<1x128xi32, #tpu.memory_space<vmem>> -> memref<128xi32, #tpu.memory_space<vmem>>
      %dma_start3A_103 = arith.constant 0 : i32
      %dma_start3A_104 = arith.constant 0 : i32
      %dma_start3A_105 = tpu.memref_slice %arg2[%dma_start3A_103, %dma_start3A_104] : memref<10240x16xf32, #tpu.memory_space<hbm>> -> memref<10240x16xf32, #tpu.memory_space<hbm>>
      tpu.enqueue_indirect_dma source(%dma_start3A_105 : memref<10240x16xf32, #tpu.memory_space<hbm>>) target(%dma_start3A_99 : memref<128x16xf32, #tpu.memory_space<vmem>>) offsets(%dma_start3A_102 : memref<128xi32, #tpu.memory_space<vmem>>) semaphore(%arg11 : memref<!tpu.dma_semaphore, #tpu.memory_space<semaphore_mem>>)
      %add3A_106 = arith.constant 7 : i32
      %add3A_107 = arith.addi %mul3A_15, %add3A_106 : i32
      %dma_start3A_108 = arith.constant 7 : i32
      %dma_start3A_109 = arith.constant 0 : i32
      %dma_start3A_110 = arith.constant 0 : i32
      %dma_start3A_111 = tpu.memref_slice %arg10[%dma_start3A_108, %dma_start3A_109, %dma_start3A_110] : memref<8x128x16xf32, #tpu.memory_space<vmem>> -> memref<1x128x16xf32, #tpu.memory_space<vmem>>
      %dma_start3A_112 = tpu.memref_squeeze %dma_start3A_111 : memref<1x128x16xf32, #tpu.memory_space<vmem>> -> memref<128x16xf32, #tpu.memory_space<vmem>>
      %dma_start3A_113 = arith.constant 0 : i32
      %dma_start3A_114 = tpu.memref_slice %arg8[%add3A_107, %dma_start3A_113] : memref<160x128xi32, #tpu.memory_space<vmem>> -> memref<1x128xi32, #tpu.memory_space<vmem>>
      %dma_start3A_115 = tpu.memref_squeeze %dma_start3A_114 : memref<1x128xi32, #tpu.memory_space<vmem>> -> memref<128xi32, #tpu.memory_space<vmem>>
      %dma_start3A_116 = arith.constant 0 : i32
      %dma_start3A_117 = arith.constant 0 : i32
      %dma_start3A_118 = tpu.memref_slice %arg2[%dma_start3A_116, %dma_start3A_117] : memref<10240x16xf32, #tpu.memory_space<hbm>> -> memref<10240x16xf32, #tpu.memory_space<hbm>>
      tpu.enqueue_indirect_dma source(%dma_start3A_118 : memref<10240x16xf32, #tpu.memory_space<hbm>>) target(%dma_start3A_112 : memref<128x16xf32, #tpu.memory_space<vmem>>) offsets(%dma_start3A_115 : memref<128xi32, #tpu.memory_space<vmem>>) semaphore(%arg11 : memref<!tpu.dma_semaphore, #tpu.memory_space<semaphore_mem>>)
      %dma_wait3A = arith.constant 0 : i32
      %dma_wait3A_119 = arith.constant 0 : i32
      %dma_wait3A_120 = arith.constant 0 : i32
      %dma_wait3A_121 = tpu.memref_slice %arg10[%dma_wait3A, %dma_wait3A_119, %dma_wait3A_120] : memref<8x128x16xf32, #tpu.memory_space<vmem>> -> memref<1x128x16xf32, #tpu.memory_space<vmem>>
      %dma_wait3A_122 = tpu.memref_squeeze %dma_wait3A_121 : memref<1x128x16xf32, #tpu.memory_space<vmem>> -> memref<128x16xf32, #tpu.memory_space<vmem>>
      %dma_wait3A_123 = arith.constant 0 : i32
      %dma_wait3A_124 = tpu.memref_slice %arg8[%add3A_17, %dma_wait3A_123] : memref<160x128xi32, #tpu.memory_space<vmem>> -> memref<1x128xi32, #tpu.memory_space<vmem>>
      %dma_wait3A_125 = tpu.memref_squeeze %dma_wait3A_124 : memref<1x128xi32, #tpu.memory_space<vmem>> -> memref<128xi32, #tpu.memory_space<vmem>>
      %dma_wait3A_126 = arith.constant 0 : i32
      %dma_wait3A_127 = arith.constant 0 : i32
      %dma_wait3A_128 = tpu.memref_slice %arg2[%dma_wait3A_126, %dma_wait3A_127] : memref<10240x16xf32, #tpu.memory_space<hbm>> -> memref<10240x16xf32, #tpu.memory_space<hbm>>
      tpu.wait_indirect_dma semaphore(%arg11 : memref<!tpu.dma_semaphore, #tpu.memory_space<semaphore_mem>>) src(%dma_wait3A_128 : memref<10240x16xf32, #tpu.memory_space<hbm>>) dst(%dma_wait3A_122 : memref<128x16xf32, #tpu.memory_space<vmem>>)
      %dma_wait3A_129 = arith.constant 1 : i32
      %dma_wait3A_130 = arith.constant 0 : i32
      %dma_wait3A_131 = arith.constant 0 : i32
      %dma_wait3A_132 = tpu.memref_slice %arg10[%dma_wait3A_129, %dma_wait3A_130, %dma_wait3A_131] : memref<8x128x16xf32, #tpu.memory_space<vmem>> -> memref<1x128x16xf32, #tpu.memory_space<vmem>>
      %dma_wait3A_133 = tpu.memref_squeeze %dma_wait3A_132 : memref<1x128x16xf32, #tpu.memory_space<vmem>> -> memref<128x16xf32, #tpu.memory_space<vmem>>
      %dma_wait3A_134 = arith.constant 0 : i32
      %dma_wait3A_135 = tpu.memref_slice %arg8[%add3A_29, %dma_wait3A_134] : memref<160x128xi32, #tpu.memory_space<vmem>> -> memref<1x128xi32, #tpu.memory_space<vmem>>
      %dma_wait3A_136 = tpu.memref_squeeze %dma_wait3A_135 : memref<1x128xi32, #tpu.memory_space<vmem>> -> memref<128xi32, #tpu.memory_space<vmem>>
      %dma_wait3A_137 = arith.constant 0 : i32
      %dma_wait3A_138 = arith.constant 0 : i32
      %dma_wait3A_139 = tpu.memref_slice %arg2[%dma_wait3A_137, %dma_wait3A_138] : memref<10240x16xf32, #tpu.memory_space<hbm>> -> memref<10240x16xf32, #tpu.memory_space<hbm>>
      tpu.wait_indirect_dma semaphore(%arg11 : memref<!tpu.dma_semaphore, #tpu.memory_space<semaphore_mem>>) src(%dma_wait3A_139 : memref<10240x16xf32, #tpu.memory_space<hbm>>) dst(%dma_wait3A_133 : memref<128x16xf32, #tpu.memory_space<vmem>>)
      %dma_wait3A_140 = arith.constant 2 : i32
      %dma_wait3A_141 = arith.constant 0 : i32
      %dma_wait3A_142 = arith.constant 0 : i32
      %dma_wait3A_143 = tpu.memref_slice %arg10[%dma_wait3A_140, %dma_wait3A_141, %dma_wait3A_142] : memref<8x128x16xf32, #tpu.memory_space<vmem>> -> memref<1x128x16xf32, #tpu.memory_space<vmem>>
      %dma_wait3A_144 = tpu.memref_squeeze %dma_wait3A_143 : memref<1x128x16xf32, #tpu.memory_space<vmem>> -> memref<128x16xf32, #tpu.memory_space<vmem>>
      %dma_wait3A_145 = arith.constant 0 : i32
      %dma_wait3A_146 = tpu.memref_slice %arg8[%add3A_42, %dma_wait3A_145] : memref<160x128xi32, #tpu.memory_space<vmem>> -> memref<1x128xi32, #tpu.memory_space<vmem>>
      %dma_wait3A_147 = tpu.memref_squeeze %dma_wait3A_146 : memref<1x128xi32, #tpu.memory_space<vmem>> -> memref<128xi32, #tpu.memory_space<vmem>>
      %dma_wait3A_148 = arith.constant 0 : i32
      %dma_wait3A_149 = arith.constant 0 : i32
      %dma_wait3A_150 = tpu.memref_slice %arg2[%dma_wait3A_148, %dma_wait3A_149] : memref<10240x16xf32, #tpu.memory_space<hbm>> -> memref<10240x16xf32, #tpu.memory_space<hbm>>
      tpu.wait_indirect_dma semaphore(%arg11 : memref<!tpu.dma_semaphore, #tpu.memory_space<semaphore_mem>>) src(%dma_wait3A_150 : memref<10240x16xf32, #tpu.memory_space<hbm>>) dst(%dma_wait3A_144 : memref<128x16xf32, #tpu.memory_space<vmem>>)
      %dma_wait3A_151 = arith.constant 3 : i32
      %dma_wait3A_152 = arith.constant 0 : i32
      %dma_wait3A_153 = arith.constant 0 : i32
      %dma_wait3A_154 = tpu.memref_slice %arg10[%dma_wait3A_151, %dma_wait3A_152, %dma_wait3A_153] : memref<8x128x16xf32, #tpu.memory_space<vmem>> -> memref<1x128x16xf32, #tpu.memory_space<vmem>>
      %dma_wait3A_155 = tpu.memref_squeeze %dma_wait3A_154 : memref<1x128x16xf32, #tpu.memory_space<vmem>> -> memref<128x16xf32, #tpu.memory_space<vmem>>
      %dma_wait3A_156 = arith.constant 0 : i32
      %dma_wait3A_157 = tpu.memref_slice %arg8[%add3A_55, %dma_wait3A_156] : memref<160x128xi32, #tpu.memory_space<vmem>> -> memref<1x128xi32, #tpu.memory_space<vmem>>
      %dma_wait3A_158 = tpu.memref_squeeze %dma_wait3A_157 : memref<1x128xi32, #tpu.memory_space<vmem>> -> memref<128xi32, #tpu.memory_space<vmem>>
      %dma_wait3A_159 = arith.constant 0 : i32
      %dma_wait3A_160 = arith.constant 0 : i32
      %dma_wait3A_161 = tpu.memref_slice %arg2[%dma_wait3A_159, %dma_wait3A_160] : memref<10240x16xf32, #tpu.memory_space<hbm>> -> memref<10240x16xf32, #tpu.memory_space<hbm>>
      tpu.wait_indirect_dma semaphore(%arg11 : memref<!tpu.dma_semaphore, #tpu.memory_space<semaphore_mem>>) src(%dma_wait3A_161 : memref<10240x16xf32, #tpu.memory_space<hbm>>) dst(%dma_wait3A_155 : memref<128x16xf32, #tpu.memory_space<vmem>>)
      %dma_wait3A_162 = arith.constant 4 : i32
      %dma_wait3A_163 = arith.constant 0 : i32
      %dma_wait3A_164 = arith.constant 0 : i32
      %dma_wait3A_165 = tpu.memref_slice %arg10[%dma_wait3A_162, %dma_wait3A_163, %dma_wait3A_164] : memref<8x128x16xf32, #tpu.memory_space<vmem>> -> memref<1x128x16xf32, #tpu.memory_space<vmem>>
      %dma_wait3A_166 = tpu.memref_squeeze %dma_wait3A_165 : memref<1x128x16xf32, #tpu.memory_space<vmem>> -> memref<128x16xf32, #tpu.memory_space<vmem>>
      %dma_wait3A_167 = arith.constant 0 : i32
      %dma_wait3A_168 = tpu.memref_slice %arg8[%add3A_68, %dma_wait3A_167] : memref<160x128xi32, #tpu.memory_space<vmem>> -> memref<1x128xi32, #tpu.memory_space<vmem>>
      %dma_wait3A_169 = tpu.memref_squeeze %dma_wait3A_168 : memref<1x128xi32, #tpu.memory_space<vmem>> -> memref<128xi32, #tpu.memory_space<vmem>>
      %dma_wait3A_170 = arith.constant 0 : i32
      %dma_wait3A_171 = arith.constant 0 : i32
      %dma_wait3A_172 = tpu.memref_slice %arg2[%dma_wait3A_170, %dma_wait3A_171] : memref<10240x16xf32, #tpu.memory_space<hbm>> -> memref<10240x16xf32, #tpu.memory_space<hbm>>
      tpu.wait_indirect_dma semaphore(%arg11 : memref<!tpu.dma_semaphore, #tpu.memory_space<semaphore_mem>>) src(%dma_wait3A_172 : memref<10240x16xf32, #tpu.memory_space<hbm>>) dst(%dma_wait3A_166 : memref<128x16xf32, #tpu.memory_space<vmem>>)
      %dma_wait3A_173 = arith.constant 5 : i32
      %dma_wait3A_174 = arith.constant 0 : i32
      %dma_wait3A_175 = arith.constant 0 : i32
      %dma_wait3A_176 = tpu.memref_slice %arg10[%dma_wait3A_173, %dma_wait3A_174, %dma_wait3A_175] : memref<8x128x16xf32, #tpu.memory_space<vmem>> -> memref<1x128x16xf32, #tpu.memory_space<vmem>>
      %dma_wait3A_177 = tpu.memref_squeeze %dma_wait3A_176 : memref<1x128x16xf32, #tpu.memory_space<vmem>> -> memref<128x16xf32, #tpu.memory_space<vmem>>
      %dma_wait3A_178 = arith.constant 0 : i32
      %dma_wait3A_179 = tpu.memref_slice %arg8[%add3A_81, %dma_wait3A_178] : memref<160x128xi32, #tpu.memory_space<vmem>> -> memref<1x128xi32, #tpu.memory_space<vmem>>
      %dma_wait3A_180 = tpu.memref_squeeze %dma_wait3A_179 : memref<1x128xi32, #tpu.memory_space<vmem>> -> memref<128xi32, #tpu.memory_space<vmem>>
      %dma_wait3A_181 = arith.constant 0 : i32
      %dma_wait3A_182 = arith.constant 0 : i32
      %dma_wait3A_183 = tpu.memref_slice %arg2[%dma_wait3A_181, %dma_wait3A_182] : memref<10240x16xf32, #tpu.memory_space<hbm>> -> memref<10240x16xf32, #tpu.memory_space<hbm>>
      tpu.wait_indirect_dma semaphore(%arg11 : memref<!tpu.dma_semaphore, #tpu.memory_space<semaphore_mem>>) src(%dma_wait3A_183 : memref<10240x16xf32, #tpu.memory_space<hbm>>) dst(%dma_wait3A_177 : memref<128x16xf32, #tpu.memory_space<vmem>>)
      %dma_wait3A_184 = arith.constant 6 : i32
      %dma_wait3A_185 = arith.constant 0 : i32
      %dma_wait3A_186 = arith.constant 0 : i32
      %dma_wait3A_187 = tpu.memref_slice %arg10[%dma_wait3A_184, %dma_wait3A_185, %dma_wait3A_186] : memref<8x128x16xf32, #tpu.memory_space<vmem>> -> memref<1x128x16xf32, #tpu.memory_space<vmem>>
      %dma_wait3A_188 = tpu.memref_squeeze %dma_wait3A_187 : memref<1x128x16xf32, #tpu.memory_space<vmem>> -> memref<128x16xf32, #tpu.memory_space<vmem>>
      %dma_wait3A_189 = arith.constant 0 : i32
      %dma_wait3A_190 = tpu.memref_slice %arg8[%add3A_94, %dma_wait3A_189] : memref<160x128xi32, #tpu.memory_space<vmem>> -> memref<1x128xi32, #tpu.memory_space<vmem>>
      %dma_wait3A_191 = tpu.memref_squeeze %dma_wait3A_190 : memref<1x128xi32, #tpu.memory_space<vmem>> -> memref<128xi32, #tpu.memory_space<vmem>>
      %dma_wait3A_192 = arith.constant 0 : i32
      %dma_wait3A_193 = arith.constant 0 : i32
      %dma_wait3A_194 = tpu.memref_slice %arg2[%dma_wait3A_192, %dma_wait3A_193] : memref<10240x16xf32, #tpu.memory_space<hbm>> -> memref<10240x16xf32, #tpu.memory_space<hbm>>
      tpu.wait_indirect_dma semaphore(%arg11 : memref<!tpu.dma_semaphore, #tpu.memory_space<semaphore_mem>>) src(%dma_wait3A_194 : memref<10240x16xf32, #tpu.memory_space<hbm>>) dst(%dma_wait3A_188 : memref<128x16xf32, #tpu.memory_space<vmem>>)
      %dma_wait3A_195 = arith.constant 7 : i32
      %dma_wait3A_196 = arith.constant 0 : i32
      %dma_wait3A_197 = arith.constant 0 : i32
      %dma_wait3A_198 = tpu.memref_slice %arg10[%dma_wait3A_195, %dma_wait3A_196, %dma_wait3A_197] : memref<8x128x16xf32, #tpu.memory_space<vmem>> -> memref<1x128x16xf32, #tpu.memory_space<vmem>>
      %dma_wait3A_199 = tpu.memref_squeeze %dma_wait3A_198 : memref<1x128x16xf32, #tpu.memory_space<vmem>> -> memref<128x16xf32, #tpu.memory_space<vmem>>
      %dma_wait3A_200 = arith.constant 0 : i32
      %dma_wait3A_201 = tpu.memref_slice %arg8[%add3A_107, %dma_wait3A_200] : memref<160x128xi32, #tpu.memory_space<vmem>> -> memref<1x128xi32, #tpu.memory_space<vmem>>
      %dma_wait3A_202 = tpu.memref_squeeze %dma_wait3A_201 : memref<1x128xi32, #tpu.memory_space<vmem>> -> memref<128xi32, #tpu.memory_space<vmem>>
      %dma_wait3A_203 = arith.constant 0 : i32
      %dma_wait3A_204 = arith.constant 0 : i32
      %dma_wait3A_205 = tpu.memref_slice %arg2[%dma_wait3A_203, %dma_wait3A_204] : memref<10240x16xf32, #tpu.memory_space<hbm>> -> memref<10240x16xf32, #tpu.memory_space<hbm>>
      tpu.wait_indirect_dma semaphore(%arg11 : memref<!tpu.dma_semaphore, #tpu.memory_space<semaphore_mem>>) src(%dma_wait3A_205 : memref<10240x16xf32, #tpu.memory_space<hbm>>) dst(%dma_wait3A_199 : memref<128x16xf32, #tpu.memory_space<vmem>>)
      %add3A_206 = arith.constant 0 : i32
      %add3A_207 = arith.addi %mul3A_15, %add3A_206 : i32
      %dma_start3A_208 = arith.constant 0 : i32
      %dma_start3A_209 = arith.constant 0 : i32
      %dma_start3A_210 = arith.constant 0 : i32
      %dma_start3A_211 = tpu.memref_slice %arg10[%dma_start3A_208, %dma_start3A_209, %dma_start3A_210] : memref<8x128x16xf32, #tpu.memory_space<vmem>> -> memref<1x128x16xf32, #tpu.memory_space<vmem>>
      %dma_start3A_212 = tpu.memref_squeeze %dma_start3A_211 : memref<1x128x16xf32, #tpu.memory_space<vmem>> -> memref<128x16xf32, #tpu.memory_space<vmem>>
      %dma_start3A_213 = arith.constant 0 : i32
      %dma_start3A_214 = tpu.memref_slice %arg9[%add3A_207, %dma_start3A_213] : memref<160x128xi32, #tpu.memory_space<vmem>> -> memref<1x128xi32, #tpu.memory_space<vmem>>
      %dma_start3A_215 = tpu.memref_squeeze %dma_start3A_214 : memref<1x128xi32, #tpu.memory_space<vmem>> -> memref<128xi32, #tpu.memory_space<vmem>>
      %dma_start3A_216 = arith.constant 0 : i32
      %dma_start3A_217 = arith.constant 0 : i32
      %dma_start3A_218 = tpu.memref_slice %arg7[%dma_start3A_216, %dma_start3A_217] : memref<10240x16xf32, #tpu.memory_space<vmem_shared>> -> memref<10240x16xf32, #tpu.memory_space<vmem_shared>>
      tpu.enqueue_indirect_dma source(%dma_start3A_212 : memref<128x16xf32, #tpu.memory_space<vmem>>) target(%dma_start3A_218 : memref<10240x16xf32, #tpu.memory_space<vmem_shared>>) offsets(%dma_start3A_215 : memref<128xi32, #tpu.memory_space<vmem>>) semaphore(%arg12 : memref<!tpu.dma_semaphore, #tpu.memory_space<semaphore_mem>>) {add = true}
      %add3A_219 = arith.constant 1 : i32
      %add3A_220 = arith.addi %mul3A_15, %add3A_219 : i32
      %dma_start3A_221 = arith.constant 1 : i32
      %dma_start3A_222 = arith.constant 0 : i32
      %dma_start3A_223 = arith.constant 0 : i32
      %dma_start3A_224 = tpu.memref_slice %arg10[%dma_start3A_221, %dma_start3A_222, %dma_start3A_223] : memref<8x128x16xf32, #tpu.memory_space<vmem>> -> memref<1x128x16xf32, #tpu.memory_space<vmem>>
      %dma_start3A_225 = tpu.memref_squeeze %dma_start3A_224 : memref<1x128x16xf32, #tpu.memory_space<vmem>> -> memref<128x16xf32, #tpu.memory_space<vmem>>
      %dma_start3A_226 = arith.constant 0 : i32
      %dma_start3A_227 = tpu.memref_slice %arg9[%add3A_220, %dma_start3A_226] : memref<160x128xi32, #tpu.memory_space<vmem>> -> memref<1x128xi32, #tpu.memory_space<vmem>>
      %dma_start3A_228 = tpu.memref_squeeze %dma_start3A_227 : memref<1x128xi32, #tpu.memory_space<vmem>> -> memref<128xi32, #tpu.memory_space<vmem>>
      %dma_start3A_229 = arith.constant 0 : i32
      %dma_start3A_230 = arith.constant 0 : i32
      %dma_start3A_231 = tpu.memref_slice %arg7[%dma_start3A_229, %dma_start3A_230] : memref<10240x16xf32, #tpu.memory_space<vmem_shared>> -> memref<10240x16xf32, #tpu.memory_space<vmem_shared>>
      tpu.enqueue_indirect_dma source(%dma_start3A_225 : memref<128x16xf32, #tpu.memory_space<vmem>>) target(%dma_start3A_231 : memref<10240x16xf32, #tpu.memory_space<vmem_shared>>) offsets(%dma_start3A_228 : memref<128xi32, #tpu.memory_space<vmem>>) semaphore(%arg12 : memref<!tpu.dma_semaphore, #tpu.memory_space<semaphore_mem>>) {add = true}
      %add3A_232 = arith.constant 2 : i32
      %add3A_233 = arith.addi %mul3A_15, %add3A_232 : i32
      %dma_start3A_234 = arith.constant 2 : i32
      %dma_start3A_235 = arith.constant 0 : i32
      %dma_start3A_236 = arith.constant 0 : i32
      %dma_start3A_237 = tpu.memref_slice %arg10[%dma_start3A_234, %dma_start3A_235, %dma_start3A_236] : memref<8x128x16xf32, #tpu.memory_space<vmem>> -> memref<1x128x16xf32, #tpu.memory_space<vmem>>
      %dma_start3A_238 = tpu.memref_squeeze %dma_start3A_237 : memref<1x128x16xf32, #tpu.memory_space<vmem>> -> memref<128x16xf32, #tpu.memory_space<vmem>>
      %dma_start3A_239 = arith.constant 0 : i32
      %dma_start3A_240 = tpu.memref_slice %arg9[%add3A_233, %dma_start3A_239] : memref<160x128xi32, #tpu.memory_space<vmem>> -> memref<1x128xi32, #tpu.memory_space<vmem>>
      %dma_start3A_241 = tpu.memref_squeeze %dma_start3A_240 : memref<1x128xi32, #tpu.memory_space<vmem>> -> memref<128xi32, #tpu.memory_space<vmem>>
      %dma_start3A_242 = arith.constant 0 : i32
      %dma_start3A_243 = arith.constant 0 : i32
      %dma_start3A_244 = tpu.memref_slice %arg7[%dma_start3A_242, %dma_start3A_243] : memref<10240x16xf32, #tpu.memory_space<vmem_shared>> -> memref<10240x16xf32, #tpu.memory_space<vmem_shared>>
      tpu.enqueue_indirect_dma source(%dma_start3A_238 : memref<128x16xf32, #tpu.memory_space<vmem>>) target(%dma_start3A_244 : memref<10240x16xf32, #tpu.memory_space<vmem_shared>>) offsets(%dma_start3A_241 : memref<128xi32, #tpu.memory_space<vmem>>) semaphore(%arg12 : memref<!tpu.dma_semaphore, #tpu.memory_space<semaphore_mem>>) {add = true}
      %add3A_245 = arith.constant 3 : i32
      %add3A_246 = arith.addi %mul3A_15, %add3A_245 : i32
      %dma_start3A_247 = arith.constant 3 : i32
      %dma_start3A_248 = arith.constant 0 : i32
      %dma_start3A_249 = arith.constant 0 : i32
      %dma_start3A_250 = tpu.memref_slice %arg10[%dma_start3A_247, %dma_start3A_248, %dma_start3A_249] : memref<8x128x16xf32, #tpu.memory_space<vmem>> -> memref<1x128x16xf32, #tpu.memory_space<vmem>>
      %dma_start3A_251 = tpu.memref_squeeze %dma_start3A_250 : memref<1x128x16xf32, #tpu.memory_space<vmem>> -> memref<128x16xf32, #tpu.memory_space<vmem>>
      %dma_start3A_252 = arith.constant 0 : i32
      %dma_start3A_253 = tpu.memref_slice %arg9[%add3A_246, %dma_start3A_252] : memref<160x128xi32, #tpu.memory_space<vmem>> -> memref<1x128xi32, #tpu.memory_space<vmem>>
      %dma_start3A_254 = tpu.memref_squeeze %dma_start3A_253 : memref<1x128xi32, #tpu.memory_space<vmem>> -> memref<128xi32, #tpu.memory_space<vmem>>
      %dma_start3A_255 = arith.constant 0 : i32
      %dma_start3A_256 = arith.constant 0 : i32
      %dma_start3A_257 = tpu.memref_slice %arg7[%dma_start3A_255, %dma_start3A_256] : memref<10240x16xf32, #tpu.memory_space<vmem_shared>> -> memref<10240x16xf32, #tpu.memory_space<vmem_shared>>
      tpu.enqueue_indirect_dma source(%dma_start3A_251 : memref<128x16xf32, #tpu.memory_space<vmem>>) target(%dma_start3A_257 : memref<10240x16xf32, #tpu.memory_space<vmem_shared>>) offsets(%dma_start3A_254 : memref<128xi32, #tpu.memory_space<vmem>>) semaphore(%arg12 : memref<!tpu.dma_semaphore, #tpu.memory_space<semaphore_mem>>) {add = true}
      %add3A_258 = arith.constant 4 : i32
      %add3A_259 = arith.addi %mul3A_15, %add3A_258 : i32
      %dma_start3A_260 = arith.constant 4 : i32
      %dma_start3A_261 = arith.constant 0 : i32
      %dma_start3A_262 = arith.constant 0 : i32
      %dma_start3A_263 = tpu.memref_slice %arg10[%dma_start3A_260, %dma_start3A_261, %dma_start3A_262] : memref<8x128x16xf32, #tpu.memory_space<vmem>> -> memref<1x128x16xf32, #tpu.memory_space<vmem>>
      %dma_start3A_264 = tpu.memref_squeeze %dma_start3A_263 : memref<1x128x16xf32, #tpu.memory_space<vmem>> -> memref<128x16xf32, #tpu.memory_space<vmem>>
      %dma_start3A_265 = arith.constant 0 : i32
      %dma_start3A_266 = tpu.memref_slice %arg9[%add3A_259, %dma_start3A_265] : memref<160x128xi32, #tpu.memory_space<vmem>> -> memref<1x128xi32, #tpu.memory_space<vmem>>
      %dma_start3A_267 = tpu.memref_squeeze %dma_start3A_266 : memref<1x128xi32, #tpu.memory_space<vmem>> -> memref<128xi32, #tpu.memory_space<vmem>>
      %dma_start3A_268 = arith.constant 0 : i32
      %dma_start3A_269 = arith.constant 0 : i32
      %dma_start3A_270 = tpu.memref_slice %arg7[%dma_start3A_268, %dma_start3A_269] : memref<10240x16xf32, #tpu.memory_space<vmem_shared>> -> memref<10240x16xf32, #tpu.memory_space<vmem_shared>>
      tpu.enqueue_indirect_dma source(%dma_start3A_264 : memref<128x16xf32, #tpu.memory_space<vmem>>) target(%dma_start3A_270 : memref<10240x16xf32, #tpu.memory_space<vmem_shared>>) offsets(%dma_start3A_267 : memref<128xi32, #tpu.memory_space<vmem>>) semaphore(%arg12 : memref<!tpu.dma_semaphore, #tpu.memory_space<semaphore_mem>>) {add = true}
      %add3A_271 = arith.constant 5 : i32
      %add3A_272 = arith.addi %mul3A_15, %add3A_271 : i32
      %dma_start3A_273 = arith.constant 5 : i32
      %dma_start3A_274 = arith.constant 0 : i32
      %dma_start3A_275 = arith.constant 0 : i32
      %dma_start3A_276 = tpu.memref_slice %arg10[%dma_start3A_273, %dma_start3A_274, %dma_start3A_275] : memref<8x128x16xf32, #tpu.memory_space<vmem>> -> memref<1x128x16xf32, #tpu.memory_space<vmem>>
      %dma_start3A_277 = tpu.memref_squeeze %dma_start3A_276 : memref<1x128x16xf32, #tpu.memory_space<vmem>> -> memref<128x16xf32, #tpu.memory_space<vmem>>
      %dma_start3A_278 = arith.constant 0 : i32
      %dma_start3A_279 = tpu.memref_slice %arg9[%add3A_272, %dma_start3A_278] : memref<160x128xi32, #tpu.memory_space<vmem>> -> memref<1x128xi32, #tpu.memory_space<vmem>>
      %dma_start3A_280 = tpu.memref_squeeze %dma_start3A_279 : memref<1x128xi32, #tpu.memory_space<vmem>> -> memref<128xi32, #tpu.memory_space<vmem>>
      %dma_start3A_281 = arith.constant 0 : i32
      %dma_start3A_282 = arith.constant 0 : i32
      %dma_start3A_283 = tpu.memref_slice %arg7[%dma_start3A_281, %dma_start3A_282] : memref<10240x16xf32, #tpu.memory_space<vmem_shared>> -> memref<10240x16xf32, #tpu.memory_space<vmem_shared>>
      tpu.enqueue_indirect_dma source(%dma_start3A_277 : memref<128x16xf32, #tpu.memory_space<vmem>>) target(%dma_start3A_283 : memref<10240x16xf32, #tpu.memory_space<vmem_shared>>) offsets(%dma_start3A_280 : memref<128xi32, #tpu.memory_space<vmem>>) semaphore(%arg12 : memref<!tpu.dma_semaphore, #tpu.memory_space<semaphore_mem>>) {add = true}
      %add3A_284 = arith.constant 6 : i32
      %add3A_285 = arith.addi %mul3A_15, %add3A_284 : i32
      %dma_start3A_286 = arith.constant 6 : i32
      %dma_start3A_287 = arith.constant 0 : i32
      %dma_start3A_288 = arith.constant 0 : i32
      %dma_start3A_289 = tpu.memref_slice %arg10[%dma_start3A_286, %dma_start3A_287, %dma_start3A_288] : memref<8x128x16xf32, #tpu.memory_space<vmem>> -> memref<1x128x16xf32, #tpu.memory_space<vmem>>
      %dma_start3A_290 = tpu.memref_squeeze %dma_start3A_289 : memref<1x128x16xf32, #tpu.memory_space<vmem>> -> memref<128x16xf32, #tpu.memory_space<vmem>>
      %dma_start3A_291 = arith.constant 0 : i32
      %dma_start3A_292 = tpu.memref_slice %arg9[%add3A_285, %dma_start3A_291] : memref<160x128xi32, #tpu.memory_space<vmem>> -> memref<1x128xi32, #tpu.memory_space<vmem>>
      %dma_start3A_293 = tpu.memref_squeeze %dma_start3A_292 : memref<1x128xi32, #tpu.memory_space<vmem>> -> memref<128xi32, #tpu.memory_space<vmem>>
      %dma_start3A_294 = arith.constant 0 : i32
      %dma_start3A_295 = arith.constant 0 : i32
      %dma_start3A_296 = tpu.memref_slice %arg7[%dma_start3A_294, %dma_start3A_295] : memref<10240x16xf32, #tpu.memory_space<vmem_shared>> -> memref<10240x16xf32, #tpu.memory_space<vmem_shared>>
      tpu.enqueue_indirect_dma source(%dma_start3A_290 : memref<128x16xf32, #tpu.memory_space<vmem>>) target(%dma_start3A_296 : memref<10240x16xf32, #tpu.memory_space<vmem_shared>>) offsets(%dma_start3A_293 : memref<128xi32, #tpu.memory_space<vmem>>) semaphore(%arg12 : memref<!tpu.dma_semaphore, #tpu.memory_space<semaphore_mem>>) {add = true}
      %add3A_297 = arith.constant 7 : i32
      %add3A_298 = arith.addi %mul3A_15, %add3A_297 : i32
      %dma_start3A_299 = arith.constant 7 : i32
      %dma_start3A_300 = arith.constant 0 : i32
      %dma_start3A_301 = arith.constant 0 : i32
      %dma_start3A_302 = tpu.memref_slice %arg10[%dma_start3A_299, %dma_start3A_300, %dma_start3A_301] : memref<8x128x16xf32, #tpu.memory_space<vmem>> -> memref<1x128x16xf32, #tpu.memory_space<vmem>>
      %dma_start3A_303 = tpu.memref_squeeze %dma_start3A_302 : memref<1x128x16xf32, #tpu.memory_space<vmem>> -> memref<128x16xf32, #tpu.memory_space<vmem>>
      %dma_start3A_304 = arith.constant 0 : i32
      %dma_start3A_305 = tpu.memref_slice %arg9[%add3A_298, %dma_start3A_304] : memref<160x128xi32, #tpu.memory_space<vmem>> -> memref<1x128xi32, #tpu.memory_space<vmem>>
      %dma_start3A_306 = tpu.memref_squeeze %dma_start3A_305 : memref<1x128xi32, #tpu.memory_space<vmem>> -> memref<128xi32, #tpu.memory_space<vmem>>
      %dma_start3A_307 = arith.constant 0 : i32
      %dma_start3A_308 = arith.constant 0 : i32
      %dma_start3A_309 = tpu.memref_slice %arg7[%dma_start3A_307, %dma_start3A_308] : memref<10240x16xf32, #tpu.memory_space<vmem_shared>> -> memref<10240x16xf32, #tpu.memory_space<vmem_shared>>
      tpu.enqueue_indirect_dma source(%dma_start3A_303 : memref<128x16xf32, #tpu.memory_space<vmem>>) target(%dma_start3A_309 : memref<10240x16xf32, #tpu.memory_space<vmem_shared>>) offsets(%dma_start3A_306 : memref<128xi32, #tpu.memory_space<vmem>>) semaphore(%arg12 : memref<!tpu.dma_semaphore, #tpu.memory_space<semaphore_mem>>) {add = true}
      %dma_wait3A_310 = arith.constant 0 : i32
      %dma_wait3A_311 = arith.constant 0 : i32
      %dma_wait3A_312 = arith.constant 0 : i32
      %dma_wait3A_313 = tpu.memref_slice %arg10[%dma_wait3A_310, %dma_wait3A_311, %dma_wait3A_312] : memref<8x128x16xf32, #tpu.memory_space<vmem>> -> memref<1x128x16xf32, #tpu.memory_space<vmem>>
      %dma_wait3A_314 = tpu.memref_squeeze %dma_wait3A_313 : memref<1x128x16xf32, #tpu.memory_space<vmem>> -> memref<128x16xf32, #tpu.memory_space<vmem>>
      %dma_wait3A_315 = arith.constant 0 : i32
      %dma_wait3A_316 = tpu.memref_slice %arg9[%add3A_207, %dma_wait3A_315] : memref<160x128xi32, #tpu.memory_space<vmem>> -> memref<1x128xi32, #tpu.memory_space<vmem>>
      %dma_wait3A_317 = tpu.memref_squeeze %dma_wait3A_316 : memref<1x128xi32, #tpu.memory_space<vmem>> -> memref<128xi32, #tpu.memory_space<vmem>>
      %dma_wait3A_318 = arith.constant 0 : i32
      %dma_wait3A_319 = arith.constant 0 : i32
      %dma_wait3A_320 = tpu.memref_slice %arg7[%dma_wait3A_318, %dma_wait3A_319] : memref<10240x16xf32, #tpu.memory_space<vmem_shared>> -> memref<10240x16xf32, #tpu.memory_space<vmem_shared>>
      tpu.wait_indirect_dma semaphore(%arg12 : memref<!tpu.dma_semaphore, #tpu.memory_space<semaphore_mem>>) src(%dma_wait3A_314 : memref<128x16xf32, #tpu.memory_space<vmem>>) dst(%dma_wait3A_320 : memref<10240x16xf32, #tpu.memory_space<vmem_shared>>)
      %dma_wait3A_321 = arith.constant 1 : i32
      %dma_wait3A_322 = arith.constant 0 : i32
      %dma_wait3A_323 = arith.constant 0 : i32
      %dma_wait3A_324 = tpu.memref_slice %arg10[%dma_wait3A_321, %dma_wait3A_322, %dma_wait3A_323] : memref<8x128x16xf32, #tpu.memory_space<vmem>> -> memref<1x128x16xf32, #tpu.memory_space<vmem>>
      %dma_wait3A_325 = tpu.memref_squeeze %dma_wait3A_324 : memref<1x128x16xf32, #tpu.memory_space<vmem>> -> memref<128x16xf32, #tpu.memory_space<vmem>>
      %dma_wait3A_326 = arith.constant 0 : i32
      %dma_wait3A_327 = tpu.memref_slice %arg9[%add3A_220, %dma_wait3A_326] : memref<160x128xi32, #tpu.memory_space<vmem>> -> memref<1x128xi32, #tpu.memory_space<vmem>>
      %dma_wait3A_328 = tpu.memref_squeeze %dma_wait3A_327 : memref<1x128xi32, #tpu.memory_space<vmem>> -> memref<128xi32, #tpu.memory_space<vmem>>
      %dma_wait3A_329 = arith.constant 0 : i32
      %dma_wait3A_330 = arith.constant 0 : i32
      %dma_wait3A_331 = tpu.memref_slice %arg7[%dma_wait3A_329, %dma_wait3A_330] : memref<10240x16xf32, #tpu.memory_space<vmem_shared>> -> memref<10240x16xf32, #tpu.memory_space<vmem_shared>>
      tpu.wait_indirect_dma semaphore(%arg12 : memref<!tpu.dma_semaphore, #tpu.memory_space<semaphore_mem>>) src(%dma_wait3A_325 : memref<128x16xf32, #tpu.memory_space<vmem>>) dst(%dma_wait3A_331 : memref<10240x16xf32, #tpu.memory_space<vmem_shared>>)
      %dma_wait3A_332 = arith.constant 2 : i32
      %dma_wait3A_333 = arith.constant 0 : i32
      %dma_wait3A_334 = arith.constant 0 : i32
      %dma_wait3A_335 = tpu.memref_slice %arg10[%dma_wait3A_332, %dma_wait3A_333, %dma_wait3A_334] : memref<8x128x16xf32, #tpu.memory_space<vmem>> -> memref<1x128x16xf32, #tpu.memory_space<vmem>>
      %dma_wait3A_336 = tpu.memref_squeeze %dma_wait3A_335 : memref<1x128x16xf32, #tpu.memory_space<vmem>> -> memref<128x16xf32, #tpu.memory_space<vmem>>
      %dma_wait3A_337 = arith.constant 0 : i32
      %dma_wait3A_338 = tpu.memref_slice %arg9[%add3A_233, %dma_wait3A_337] : memref<160x128xi32, #tpu.memory_space<vmem>> -> memref<1x128xi32, #tpu.memory_space<vmem>>
      %dma_wait3A_339 = tpu.memref_squeeze %dma_wait3A_338 : memref<1x128xi32, #tpu.memory_space<vmem>> -> memref<128xi32, #tpu.memory_space<vmem>>
      %dma_wait3A_340 = arith.constant 0 : i32
      %dma_wait3A_341 = arith.constant 0 : i32
      %dma_wait3A_342 = tpu.memref_slice %arg7[%dma_wait3A_340, %dma_wait3A_341] : memref<10240x16xf32, #tpu.memory_space<vmem_shared>> -> memref<10240x16xf32, #tpu.memory_space<vmem_shared>>
      tpu.wait_indirect_dma semaphore(%arg12 : memref<!tpu.dma_semaphore, #tpu.memory_space<semaphore_mem>>) src(%dma_wait3A_336 : memref<128x16xf32, #tpu.memory_space<vmem>>) dst(%dma_wait3A_342 : memref<10240x16xf32, #tpu.memory_space<vmem_shared>>)
      %dma_wait3A_343 = arith.constant 3 : i32
      %dma_wait3A_344 = arith.constant 0 : i32
      %dma_wait3A_345 = arith.constant 0 : i32
      %dma_wait3A_346 = tpu.memref_slice %arg10[%dma_wait3A_343, %dma_wait3A_344, %dma_wait3A_345] : memref<8x128x16xf32, #tpu.memory_space<vmem>> -> memref<1x128x16xf32, #tpu.memory_space<vmem>>
      %dma_wait3A_347 = tpu.memref_squeeze %dma_wait3A_346 : memref<1x128x16xf32, #tpu.memory_space<vmem>> -> memref<128x16xf32, #tpu.memory_space<vmem>>
      %dma_wait3A_348 = arith.constant 0 : i32
      %dma_wait3A_349 = tpu.memref_slice %arg9[%add3A_246, %dma_wait3A_348] : memref<160x128xi32, #tpu.memory_space<vmem>> -> memref<1x128xi32, #tpu.memory_space<vmem>>
      %dma_wait3A_350 = tpu.memref_squeeze %dma_wait3A_349 : memref<1x128xi32, #tpu.memory_space<vmem>> -> memref<128xi32, #tpu.memory_space<vmem>>
      %dma_wait3A_351 = arith.constant 0 : i32
      %dma_wait3A_352 = arith.constant 0 : i32
      %dma_wait3A_353 = tpu.memref_slice %arg7[%dma_wait3A_351, %dma_wait3A_352] : memref<10240x16xf32, #tpu.memory_space<vmem_shared>> -> memref<10240x16xf32, #tpu.memory_space<vmem_shared>>
      tpu.wait_indirect_dma semaphore(%arg12 : memref<!tpu.dma_semaphore, #tpu.memory_space<semaphore_mem>>) src(%dma_wait3A_347 : memref<128x16xf32, #tpu.memory_space<vmem>>) dst(%dma_wait3A_353 : memref<10240x16xf32, #tpu.memory_space<vmem_shared>>)
      %dma_wait3A_354 = arith.constant 4 : i32
      %dma_wait3A_355 = arith.constant 0 : i32
      %dma_wait3A_356 = arith.constant 0 : i32
      %dma_wait3A_357 = tpu.memref_slice %arg10[%dma_wait3A_354, %dma_wait3A_355, %dma_wait3A_356] : memref<8x128x16xf32, #tpu.memory_space<vmem>> -> memref<1x128x16xf32, #tpu.memory_space<vmem>>
      %dma_wait3A_358 = tpu.memref_squeeze %dma_wait3A_357 : memref<1x128x16xf32, #tpu.memory_space<vmem>> -> memref<128x16xf32, #tpu.memory_space<vmem>>
      %dma_wait3A_359 = arith.constant 0 : i32
      %dma_wait3A_360 = tpu.memref_slice %arg9[%add3A_259, %dma_wait3A_359] : memref<160x128xi32, #tpu.memory_space<vmem>> -> memref<1x128xi32, #tpu.memory_space<vmem>>
      %dma_wait3A_361 = tpu.memref_squeeze %dma_wait3A_360 : memref<1x128xi32, #tpu.memory_space<vmem>> -> memref<128xi32, #tpu.memory_space<vmem>>
      %dma_wait3A_362 = arith.constant 0 : i32
      %dma_wait3A_363 = arith.constant 0 : i32
      %dma_wait3A_364 = tpu.memref_slice %arg7[%dma_wait3A_362, %dma_wait3A_363] : memref<10240x16xf32, #tpu.memory_space<vmem_shared>> -> memref<10240x16xf32, #tpu.memory_space<vmem_shared>>
      tpu.wait_indirect_dma semaphore(%arg12 : memref<!tpu.dma_semaphore, #tpu.memory_space<semaphore_mem>>) src(%dma_wait3A_358 : memref<128x16xf32, #tpu.memory_space<vmem>>) dst(%dma_wait3A_364 : memref<10240x16xf32, #tpu.memory_space<vmem_shared>>)
      %dma_wait3A_365 = arith.constant 5 : i32
      %dma_wait3A_366 = arith.constant 0 : i32
      %dma_wait3A_367 = arith.constant 0 : i32
      %dma_wait3A_368 = tpu.memref_slice %arg10[%dma_wait3A_365, %dma_wait3A_366, %dma_wait3A_367] : memref<8x128x16xf32, #tpu.memory_space<vmem>> -> memref<1x128x16xf32, #tpu.memory_space<vmem>>
      %dma_wait3A_369 = tpu.memref_squeeze %dma_wait3A_368 : memref<1x128x16xf32, #tpu.memory_space<vmem>> -> memref<128x16xf32, #tpu.memory_space<vmem>>
      %dma_wait3A_370 = arith.constant 0 : i32
      %dma_wait3A_371 = tpu.memref_slice %arg9[%add3A_272, %dma_wait3A_370] : memref<160x128xi32, #tpu.memory_space<vmem>> -> memref<1x128xi32, #tpu.memory_space<vmem>>
      %dma_wait3A_372 = tpu.memref_squeeze %dma_wait3A_371 : memref<1x128xi32, #tpu.memory_space<vmem>> -> memref<128xi32, #tpu.memory_space<vmem>>
      %dma_wait3A_373 = arith.constant 0 : i32
      %dma_wait3A_374 = arith.constant 0 : i32
      %dma_wait3A_375 = tpu.memref_slice %arg7[%dma_wait3A_373, %dma_wait3A_374] : memref<10240x16xf32, #tpu.memory_space<vmem_shared>> -> memref<10240x16xf32, #tpu.memory_space<vmem_shared>>
      tpu.wait_indirect_dma semaphore(%arg12 : memref<!tpu.dma_semaphore, #tpu.memory_space<semaphore_mem>>) src(%dma_wait3A_369 : memref<128x16xf32, #tpu.memory_space<vmem>>) dst(%dma_wait3A_375 : memref<10240x16xf32, #tpu.memory_space<vmem_shared>>)
      %dma_wait3A_376 = arith.constant 6 : i32
      %dma_wait3A_377 = arith.constant 0 : i32
      %dma_wait3A_378 = arith.constant 0 : i32
      %dma_wait3A_379 = tpu.memref_slice %arg10[%dma_wait3A_376, %dma_wait3A_377, %dma_wait3A_378] : memref<8x128x16xf32, #tpu.memory_space<vmem>> -> memref<1x128x16xf32, #tpu.memory_space<vmem>>
      %dma_wait3A_380 = tpu.memref_squeeze %dma_wait3A_379 : memref<1x128x16xf32, #tpu.memory_space<vmem>> -> memref<128x16xf32, #tpu.memory_space<vmem>>
      %dma_wait3A_381 = arith.constant 0 : i32
      %dma_wait3A_382 = tpu.memref_slice %arg9[%add3A_285, %dma_wait3A_381] : memref<160x128xi32, #tpu.memory_space<vmem>> -> memref<1x128xi32, #tpu.memory_space<vmem>>
      %dma_wait3A_383 = tpu.memref_squeeze %dma_wait3A_382 : memref<1x128xi32, #tpu.memory_space<vmem>> -> memref<128xi32, #tpu.memory_space<vmem>>
      %dma_wait3A_384 = arith.constant 0 : i32
      %dma_wait3A_385 = arith.constant 0 : i32
      %dma_wait3A_386 = tpu.memref_slice %arg7[%dma_wait3A_384, %dma_wait3A_385] : memref<10240x16xf32, #tpu.memory_space<vmem_shared>> -> memref<10240x16xf32, #tpu.memory_space<vmem_shared>>
      tpu.wait_indirect_dma semaphore(%arg12 : memref<!tpu.dma_semaphore, #tpu.memory_space<semaphore_mem>>) src(%dma_wait3A_380 : memref<128x16xf32, #tpu.memory_space<vmem>>) dst(%dma_wait3A_386 : memref<10240x16xf32, #tpu.memory_space<vmem_shared>>)
      %dma_wait3A_387 = arith.constant 7 : i32
      %dma_wait3A_388 = arith.constant 0 : i32
      %dma_wait3A_389 = arith.constant 0 : i32
      %dma_wait3A_390 = tpu.memref_slice %arg10[%dma_wait3A_387, %dma_wait3A_388, %dma_wait3A_389] : memref<8x128x16xf32, #tpu.memory_space<vmem>> -> memref<1x128x16xf32, #tpu.memory_space<vmem>>
      %dma_wait3A_391 = tpu.memref_squeeze %dma_wait3A_390 : memref<1x128x16xf32, #tpu.memory_space<vmem>> -> memref<128x16xf32, #tpu.memory_space<vmem>>
      %dma_wait3A_392 = arith.constant 0 : i32
      %dma_wait3A_393 = tpu.memref_slice %arg9[%add3A_298, %dma_wait3A_392] : memref<160x128xi32, #tpu.memory_space<vmem>> -> memref<1x128xi32, #tpu.memory_space<vmem>>
      %dma_wait3A_394 = tpu.memref_squeeze %dma_wait3A_393 : memref<1x128xi32, #tpu.memory_space<vmem>> -> memref<128xi32, #tpu.memory_space<vmem>>
      %dma_wait3A_395 = arith.constant 0 : i32
      %dma_wait3A_396 = arith.constant 0 : i32
      %dma_wait3A_397 = tpu.memref_slice %arg7[%dma_wait3A_395, %dma_wait3A_396] : memref<10240x16xf32, #tpu.memory_space<vmem_shared>> -> memref<10240x16xf32, #tpu.memory_space<vmem_shared>>
      tpu.wait_indirect_dma semaphore(%arg12 : memref<!tpu.dma_semaphore, #tpu.memory_space<semaphore_mem>>) src(%dma_wait3A_391 : memref<128x16xf32, #tpu.memory_space<vmem>>) dst(%dma_wait3A_397 : memref<10240x16xf32, #tpu.memory_space<vmem_shared>>)
    }
    %scan3A_7 = arith.constant 20 : i32
    %barrier3A_8 = arith.constant 0 : index
    tpu.barrier barrier_id(%barrier3A_8)
    %mul3A_9 = arith.constant 640 : i32
    %mul3A_10 = arith.muli %arg1, %mul3A_9 : i32
    %mul3A_11 = arith.constant 640 : i32
    %mul3A_12 = arith.muli %arg1, %mul3A_11 : i32
    "tpu.region"() ({
      %run_scoped3A = tpu.sem_alloc : memref<!tpu.dma_semaphore, #tpu.memory_space<semaphore_mem>>
      %dma_start3A = arith.constant 0 : i32
      %dma_start3A_13 = arith.constant 0 : i32
      %dma_start3A_14 = tpu.memref_slice %arg6[%arg0, %dma_start3A, %dma_start3A_13] : memref<2x10240x16xf32, #tpu.memory_space<hbm>> -> memref<1x10240x16xf32, #tpu.memory_space<hbm>>
      %dma_start3A_15 = tpu.memref_squeeze %dma_start3A_14 : memref<1x10240x16xf32, #tpu.memory_space<hbm>> -> memref<10240x16xf32, #tpu.memory_space<hbm>>
      %dma_start3A_16 = arith.constant 0 : i32
      %dma_start3A_17 = tpu.memref_slice %dma_start3A_15[%mul3A_12, %dma_start3A_16] : memref<10240x16xf32, #tpu.memory_space<hbm>> -> memref<640x16xf32, #tpu.memory_space<hbm>>
      %dma_start3A_18 = arith.constant 0 : i32
      %dma_start3A_19 = tpu.memref_slice %arg7[%mul3A_10, %dma_start3A_18] : memref<10240x16xf32, #tpu.memory_space<vmem_shared>> -> memref<640x16xf32, #tpu.memory_space<vmem_shared>>
      tpu.enqueue_dma source(%dma_start3A_19 : memref<640x16xf32, #tpu.memory_space<vmem_shared>>) target(%dma_start3A_17 : memref<640x16xf32, #tpu.memory_space<hbm>>) target_semaphore(%run_scoped3A : memref<!tpu.dma_semaphore, #tpu.memory_space<semaphore_mem>>)
      %dma_wait3A = arith.constant 0 : i32
      %dma_wait3A_20 = arith.constant 0 : i32
      %dma_wait3A_21 = tpu.memref_slice %arg6[%arg0, %dma_wait3A, %dma_wait3A_20] : memref<2x10240x16xf32, #tpu.memory_space<hbm>> -> memref<1x10240x16xf32, #tpu.memory_space<hbm>>
      %dma_wait3A_22 = tpu.memref_squeeze %dma_wait3A_21 : memref<1x10240x16xf32, #tpu.memory_space<hbm>> -> memref<10240x16xf32, #tpu.memory_space<hbm>>
      %dma_wait3A_23 = arith.constant 0 : i32
      %dma_wait3A_24 = tpu.memref_slice %dma_wait3A_22[%mul3A_12, %dma_wait3A_23] : memref<10240x16xf32, #tpu.memory_space<hbm>> -> memref<640x16xf32, #tpu.memory_space<hbm>>
      %dma_wait3A_25 = arith.constant 0 : i32
      %dma_wait3A_26 = tpu.memref_slice %arg7[%mul3A_10, %dma_wait3A_25] : memref<10240x16xf32, #tpu.memory_space<vmem_shared>> -> memref<640x16xf32, #tpu.memory_space<vmem_shared>>
      tpu.wait_dma2 semaphore(%run_scoped3A : memref<!tpu.dma_semaphore, #tpu.memory_space<semaphore_mem>>) src(%dma_wait3A_26 : memref<640x16xf32, #tpu.memory_space<vmem_shared>>) dst(%dma_wait3A_24 : memref<640x16xf32, #tpu.memory_space<hbm>>)
      tpu.yield
    }) : () -> ()
    return
  }
}

module attributes {stable_mosaic.version = 14 : i64} {
  func.func @_tc1_body(%arg0: i32, %arg1: memref<1280x32xf32, #tpu.memory_space<vmem>>, %arg2: memref<32x128xf32, #tpu.memory_space<vmem>>, %arg3: memref<1x128xf32, #tpu.memory_space<vmem>>, %arg4: memref<128x128xf32, #tpu.memory_space<vmem>>, %arg5: memref<128x128xf32, #tpu.memory_space<vmem>>, %arg6: memref<128x128xf32, #tpu.memory_space<vmem>>, %arg7: memref<128x128xf32, #tpu.memory_space<vmem>>, %arg8: memref<128x4xf32, #tpu.memory_space<vmem>>, %arg9: memref<1280x16xf32, #tpu.memory_space<vmem>>) attributes {dimension_semantics = [#tpu.dimension_semantics<arbitrary>], iteration_bounds = array<i64: 8>, scalar_prefetch = 0 : i64, scratch_operands = 0 : i64, tpu.core_type = #tpu.core_type<tc>, window_params = [{transform_indices = @transform_0, window_bounds = array<i64: 1280, 32>}, {pipeline_mode = #tpu.pipeline_mode<synchronous>, transform_indices = @transform_1, window_bounds = array<i64: 32, 128>}, {pipeline_mode = #tpu.pipeline_mode<synchronous>, transform_indices = @transform_2, window_bounds = array<i64: 1, 128>}, {pipeline_mode = #tpu.pipeline_mode<synchronous>, transform_indices = @transform_3, window_bounds = array<i64: 128, 128>}, {pipeline_mode = #tpu.pipeline_mode<synchronous>, transform_indices = @transform_4, window_bounds = array<i64: 128, 128>}, {pipeline_mode = #tpu.pipeline_mode<synchronous>, transform_indices = @transform_5, window_bounds = array<i64: 128, 128>}, {pipeline_mode = #tpu.pipeline_mode<synchronous>, transform_indices = @transform_6, window_bounds = array<i64: 128, 128>}, {pipeline_mode = #tpu.pipeline_mode<synchronous>, transform_indices = @transform_7, window_bounds = array<i64: 128, 4>}, {transform_indices = @transform_8, window_bounds = array<i64: 1280, 16>}]} {
    %get3A = arith.constant 0 : index
    %get3A_0 = arith.constant 0 : index
    %get3A_1 = vector.load %arg1[%get3A, %get3A_0] : memref<1280x32xf32, #tpu.memory_space<vmem>>, vector<1280x32xf32>
    %get3A_2 = arith.constant 0 : index
    %get3A_3 = arith.constant 0 : index
    %get3A_4 = vector.load %arg2[%get3A_2, %get3A_3] : memref<32x128xf32, #tpu.memory_space<vmem>>, vector<32x128xf32>
    %dot_general3A = arith.constant dense<0.000000e+00> : vector<1280x128xf32>
    %dot_general3A_5 = tpu.matmul %get3A_1, %get3A_4, %dot_general3A {dimension_numbers = #tpu.dot_dimension_numbers<[1], [0], [0], [1], [0, 0, 1, 1], [], []>, transpose_lhs_hint = false} : vector<1280x32xf32>, vector<32x128xf32>, vector<1280x128xf32> -> vector<1280x128xf32>
    %get3A_6 = arith.constant 0 : index
    %get3A_7 = arith.constant 0 : index
    %get3A_8 = vector.load %arg3[%get3A_6, %get3A_7] : memref<1x128xf32, #tpu.memory_space<vmem>>, vector<1x128xf32>
    %add3A = vector.broadcast %get3A_8 : vector<1x128xf32> to vector<1280x128xf32>
    %add3A_9 = arith.addf %dot_general3A_5, %add3A : vector<1280x128xf32>
    %ge3A = arith.constant 0.000000e+00 : f32
    %ge3A_10 = vector.broadcast %ge3A : f32 to vector<1280x128xf32>
    %ge3A_11 = arith.cmpf oge, %add3A_9, %ge3A_10 : vector<1280x128xf32>
    %mul3A = arith.constant 0.00999999977 : f32
    %mul3A_12 = vector.broadcast %mul3A : f32 to vector<1280x128xf32>
    %mul3A_13 = arith.mulf %mul3A_12, %add3A_9 : vector<1280x128xf32>
    %select_n3A = arith.select %ge3A_11, %add3A_9, %mul3A_13 : vector<1280x128xi1>, vector<1280x128xf32>
    %get3A_14 = arith.constant 0 : index
    %get3A_15 = arith.constant 0 : index
    %get3A_16 = vector.load %arg6[%get3A_14, %get3A_15] : memref<128x128xf32, #tpu.memory_space<vmem>>, vector<128x128xf32>
    %get3A_17 = arith.constant 0 : index
    %get3A_18 = arith.constant 0 : index
    %get3A_19 = vector.load %arg8[%get3A_17, %get3A_18] : memref<128x4xf32, #tpu.memory_space<vmem>>, vector<128x4xf32>
    %dot_general3A_20 = arith.constant dense<0.000000e+00> : vector<128x4xf32>
    %dot_general3A_21 = tpu.matmul %get3A_16, %get3A_19, %dot_general3A_20 {dimension_numbers = #tpu.dot_dimension_numbers<[1], [0], [0], [1], [0, 0, 1, 1], [], []>, transpose_lhs_hint = false} : vector<128x128xf32>, vector<128x4xf32>, vector<128x4xf32> -> vector<128x4xf32>
    %get3A_22 = arith.constant 0 : index
    %get3A_23 = arith.constant 0 : index
    %get3A_24 = vector.load %arg7[%get3A_22, %get3A_23] : memref<128x128xf32, #tpu.memory_space<vmem>>, vector<128x128xf32>
    %get3A_25 = arith.constant 0 : index
    %get3A_26 = arith.constant 0 : index
    %get3A_27 = vector.load %arg8[%get3A_25, %get3A_26] : memref<128x4xf32, #tpu.memory_space<vmem>>, vector<128x4xf32>
    %dot_general3A_28 = arith.constant dense<0.000000e+00> : vector<128x4xf32>
    %dot_general3A_29 = tpu.matmul %get3A_24, %get3A_27, %dot_general3A_28 {dimension_numbers = #tpu.dot_dimension_numbers<[1], [0], [0], [1], [0, 0, 1, 1], [], []>, transpose_lhs_hint = false} : vector<128x128xf32>, vector<128x4xf32>, vector<128x4xf32> -> vector<128x4xf32>
    %get3A_30 = arith.constant 0 : index
    %get3A_31 = arith.constant 0 : index
    %get3A_32 = vector.load %arg4[%get3A_30, %get3A_31] : memref<128x128xf32, #tpu.memory_space<vmem>>, vector<128x128xf32>
    %dot_general3A_33 = arith.constant dense<0.000000e+00> : vector<128x4xf32>
    %dot_general3A_34 = tpu.matmul %get3A_32, %dot_general3A_21, %dot_general3A_33 {dimension_numbers = #tpu.dot_dimension_numbers<[1], [0], [0], [1], [0, 0, 1, 1], [], []>, transpose_lhs_hint = false} : vector<128x128xf32>, vector<128x4xf32>, vector<128x4xf32> -> vector<128x4xf32>
    %get3A_35 = arith.constant 0 : index
    %get3A_36 = arith.constant 0 : index
    %get3A_37 = vector.load %arg4[%get3A_35, %get3A_36] : memref<128x128xf32, #tpu.memory_space<vmem>>, vector<128x128xf32>
    %dot_general3A_38 = arith.constant dense<0.000000e+00> : vector<128x4xf32>
    %dot_general3A_39 = tpu.matmul %get3A_37, %dot_general3A_29, %dot_general3A_38 {dimension_numbers = #tpu.dot_dimension_numbers<[1], [0], [0], [1], [0, 0, 1, 1], [], []>, transpose_lhs_hint = false} : vector<128x128xf32>, vector<128x4xf32>, vector<128x4xf32> -> vector<128x4xf32>
    %get3A_40 = arith.constant 0 : index
    %get3A_41 = arith.constant 0 : index
    %get3A_42 = vector.load %arg5[%get3A_40, %get3A_41] : memref<128x128xf32, #tpu.memory_space<vmem>>, vector<128x128xf32>
    %dot_general3A_43 = arith.constant dense<0.000000e+00> : vector<128x4xf32>
    %dot_general3A_44 = tpu.matmul %get3A_42, %dot_general3A_21, %dot_general3A_43 {dimension_numbers = #tpu.dot_dimension_numbers<[1], [0], [0], [1], [0, 0, 1, 1], [], []>, transpose_lhs_hint = false} : vector<128x128xf32>, vector<128x4xf32>, vector<128x4xf32> -> vector<128x4xf32>
    %add3A_45 = arith.addf %dot_general3A_39, %dot_general3A_44 : vector<128x4xf32>
    %get3A_46 = arith.constant 0 : index
    %get3A_47 = arith.constant 0 : index
    %get3A_48 = vector.load %arg5[%get3A_46, %get3A_47] : memref<128x128xf32, #tpu.memory_space<vmem>>, vector<128x128xf32>
    %dot_general3A_49 = arith.constant dense<0.000000e+00> : vector<128x4xf32>
    %dot_general3A_50 = tpu.matmul %get3A_48, %dot_general3A_29, %dot_general3A_49 {dimension_numbers = #tpu.dot_dimension_numbers<[1], [0], [0], [1], [0, 0, 1, 1], [], []>, transpose_lhs_hint = false} : vector<128x128xf32>, vector<128x4xf32>, vector<128x4xf32> -> vector<128x4xf32>
    %dot_general3A_51 = arith.constant dense<0.000000e+00> : vector<1280x4xf32>
    %dot_general3A_52 = tpu.matmul %select_n3A, %dot_general3A_34, %dot_general3A_51 {dimension_numbers = #tpu.dot_dimension_numbers<[1], [0], [0], [1], [0, 0, 1, 1], [], []>, transpose_lhs_hint = false} : vector<1280x128xf32>, vector<128x4xf32>, vector<1280x4xf32> -> vector<1280x4xf32>
    %dot_general3A_53 = arith.constant dense<0.000000e+00> : vector<1280x4xf32>
    %dot_general3A_54 = tpu.matmul %select_n3A, %add3A_45, %dot_general3A_53 {dimension_numbers = #tpu.dot_dimension_numbers<[1], [0], [0], [1], [0, 0, 1, 1], [], []>, transpose_lhs_hint = false} : vector<1280x128xf32>, vector<128x4xf32>, vector<1280x4xf32> -> vector<1280x4xf32>
    %dot_general3A_55 = arith.constant dense<0.000000e+00> : vector<1280x4xf32>
    %dot_general3A_56 = tpu.matmul %select_n3A, %dot_general3A_50, %dot_general3A_55 {dimension_numbers = #tpu.dot_dimension_numbers<[1], [0], [0], [1], [0, 0, 1, 1], [], []>, transpose_lhs_hint = false} : vector<1280x128xf32>, vector<128x4xf32>, vector<1280x4xf32> -> vector<1280x4xf32>
    %broadcast_in_dim3A = arith.constant 1.000000e+00 : f32
    %broadcast_in_dim3A_57 = vector.broadcast %broadcast_in_dim3A : f32 to vector<1280x1xf32>
    %broadcast_in_dim3A_58 = arith.constant 0.000000e+00 : f32
    %broadcast_in_dim3A_59 = vector.broadcast %broadcast_in_dim3A_58 : f32 to vector<1280x3xf32>
    %concatenate3A = tpu.concatenate %dot_general3A_52, %dot_general3A_54, %broadcast_in_dim3A_57, %dot_general3A_56, %broadcast_in_dim3A_59 in 1 : vector<1280x4xf32>, vector<1280x4xf32>, vector<1280x1xf32>, vector<1280x4xf32>, vector<1280x3xf32> -> vector<1280x16xf32>
    %swap3A = arith.constant 0 : index
    %swap3A_60 = arith.constant 0 : index
    %swap3A_61 = vector.load %arg9[%swap3A, %swap3A_60] : memref<1280x16xf32, #tpu.memory_space<vmem>>, vector<1280x16xf32>
    tpu.vector_store %arg9[%swap3A, %swap3A_60], %concatenate3A {strides = array<i32>} : memref<1280x16xf32, #tpu.memory_space<vmem>>, vector<1280x16xf32>,
    return
  }
  func.func @transform_0(%arg0: i32) -> (i32, i32) {
    %c0_i32 = arith.constant 0 : i32
    %c0_i32_0 = arith.constant 0 : i32
    return %arg0, %c0_i32 : i32, i32
  }
  func.func @transform_1(%arg0: i32) -> (i32, i32) {
    %c0_i32 = arith.constant 0 : i32
    %c0_i32_0 = arith.constant 0 : i32
    %c0_i32_1 = arith.constant 0 : i32
    return %c0_i32, %c0_i32_0 : i32, i32
  }
  func.func @transform_2(%arg0: i32) -> (i32, i32) {
    %c0_i32 = arith.constant 0 : i32
    %c0_i32_0 = arith.constant 0 : i32
    %c0_i32_1 = arith.constant 0 : i32
    return %c0_i32, %c0_i32_0 : i32, i32
  }
  func.func @transform_3(%arg0: i32) -> (i32, i32) {
    %c0_i32 = arith.constant 0 : i32
    %c0_i32_0 = arith.constant 0 : i32
    %c0_i32_1 = arith.constant 0 : i32
    return %c0_i32, %c0_i32_0 : i32, i32
  }
  func.func @transform_4(%arg0: i32) -> (i32, i32) {
    %c0_i32 = arith.constant 0 : i32
    %c0_i32_0 = arith.constant 0 : i32
    %c0_i32_1 = arith.constant 0 : i32
    return %c0_i32, %c0_i32_0 : i32, i32
  }
  func.func @transform_5(%arg0: i32) -> (i32, i32) {
    %c0_i32 = arith.constant 0 : i32
    %c0_i32_0 = arith.constant 0 : i32
    %c0_i32_1 = arith.constant 0 : i32
    return %c0_i32, %c0_i32_0 : i32, i32
  }
  func.func @transform_6(%arg0: i32) -> (i32, i32) {
    %c0_i32 = arith.constant 0 : i32
    %c0_i32_0 = arith.constant 0 : i32
    %c0_i32_1 = arith.constant 0 : i32
    return %c0_i32, %c0_i32_0 : i32, i32
  }
  func.func @transform_7(%arg0: i32) -> (i32, i32) {
    %c0_i32 = arith.constant 0 : i32
    %c0_i32_0 = arith.constant 0 : i32
    %c0_i32_1 = arith.constant 0 : i32
    return %c0_i32, %c0_i32_0 : i32, i32
  }
  func.func @transform_8(%arg0: i32) -> (i32, i32) {
    %c0_i32 = arith.constant 0 : i32
    %c0_i32_0 = arith.constant 0 : i32
    return %arg0, %c0_i32 : i32, i32
  }
}

module attributes {stable_mosaic.version = 14 : i64} {
  func.func @_comb_body(%arg0: i32, %arg1: memref<2x1280x16xf32, #tpu.memory_space<vmem>>, %arg2: memref<1280x16xf32, #tpu.memory_space<vmem>>, %arg3: memref<128x128xf32, #tpu.memory_space<vmem>>, %arg4: memref<128x128xf32, #tpu.memory_space<vmem>>, %arg5: memref<128x4xf32, #tpu.memory_space<vmem>>, %arg6: memref<1x128xf32, #tpu.memory_space<vmem>>, %arg7: memref<1x128xf32, #tpu.memory_space<vmem>>, %arg8: memref<1x4xf32, #tpu.memory_space<vmem>>, %arg9: memref<1280x16xf32, #tpu.memory_space<vmem>>, %arg10: memref<1280x4xf32, #tpu.memory_space<vmem>>) attributes {dimension_semantics = [#tpu.dimension_semantics<arbitrary>], iteration_bounds = array<i64: 8>, scalar_prefetch = 0 : i64, scratch_operands = 0 : i64, tpu.core_type = #tpu.core_type<tc>, window_params = [{transform_indices = @transform_0, window_bounds = array<i64: 2, 1280, 16>}, {transform_indices = @transform_1, window_bounds = array<i64: 1280, 16>}, {pipeline_mode = #tpu.pipeline_mode<synchronous>, transform_indices = @transform_2, window_bounds = array<i64: 128, 128>}, {pipeline_mode = #tpu.pipeline_mode<synchronous>, transform_indices = @transform_3, window_bounds = array<i64: 128, 128>}, {pipeline_mode = #tpu.pipeline_mode<synchronous>, transform_indices = @transform_4, window_bounds = array<i64: 128, 4>}, {pipeline_mode = #tpu.pipeline_mode<synchronous>, transform_indices = @transform_5, window_bounds = array<i64: 1, 128>}, {pipeline_mode = #tpu.pipeline_mode<synchronous>, transform_indices = @transform_6, window_bounds = array<i64: 1, 128>}, {pipeline_mode = #tpu.pipeline_mode<synchronous>, transform_indices = @transform_7, window_bounds = array<i64: 1, 4>}, {transform_indices = @transform_8, window_bounds = array<i64: 1280, 16>}, {transform_indices = @transform_9, window_bounds = array<i64: 1280, 4>}]} {
    %get3A = arith.constant 0 : index
    %get3A_0 = arith.constant 0 : index
    %get3A_1 = arith.constant 0 : index
    %get3A_2 = vector.load %arg1[%get3A, %get3A_0, %get3A_1] : memref<2x1280x16xf32, #tpu.memory_space<vmem>>, vector<2x1280x16xf32>
    %slice3A = vector.extract_strided_slice %get3A_2 {offsets = [0, 0, 0], sizes = [1, 1280, 16], strides = [1, 1, 1]} : vector<2x1280x16xf32> to vector<1x1280x16xf32>
    %squeeze3A = vector.shape_cast %slice3A : vector<1x1280x16xf32> to vector<1280x16xf32>
    %slice3A_3 = vector.extract_strided_slice %get3A_2 {offsets = [1, 0, 0], sizes = [1, 1280, 16], strides = [1, 1, 1]} : vector<2x1280x16xf32> to vector<1x1280x16xf32>
    %squeeze3A_4 = vector.shape_cast %slice3A_3 : vector<1x1280x16xf32> to vector<1280x16xf32>
    %add3A = arith.addf %squeeze3A, %squeeze3A_4 : vector<1280x16xf32>
    %slice3A_5 = vector.extract_strided_slice %add3A {offsets = [0, 8], sizes = [1280, 1], strides = [1, 1]} : vector<1280x16xf32> to vector<1280x1xf32>
    %max3A = arith.constant 1.000000e+00 : f32
    %max3A_6 = vector.broadcast %max3A : f32 to vector<1280x1xf32>
    %max3A_7 = arith.maximumf %slice3A_5, %max3A_6 : vector<1280x1xf32>
    %div3A = arith.constant 1.000000e+00 : f32
    %div3A_8 = vector.broadcast %div3A : f32 to vector<1280x1xf32>
    %div3A_9 = arith.divf %div3A_8, %max3A_7 : vector<1280x1xf32>
    %mul3A = vector.broadcast %div3A_9 : vector<1280x1xf32> to vector<1280x16xf32>
    %mul3A_10 = arith.mulf %add3A, %mul3A : vector<1280x16xf32>
    %broadcast_in_dim3A = arith.constant 1.000000e+00 : f32
    %broadcast_in_dim3A_11 = vector.broadcast %broadcast_in_dim3A : f32 to vector<1280x1xf32>
    %slice3A_12 = vector.extract_strided_slice %mul3A_10 {offsets = [0, 0], sizes = [1280, 4], strides = [1, 1]} : vector<1280x16xf32> to vector<1280x4xf32>
    %broadcast_in_dim3A_13 = arith.constant 0.000000e+00 : f32
    %broadcast_in_dim3A_14 = vector.broadcast %broadcast_in_dim3A_13 : f32 to vector<1280x4xf32>
    %broadcast_in_dim3A_15 = arith.constant 0.000000e+00 : f32
    %broadcast_in_dim3A_16 = vector.broadcast %broadcast_in_dim3A_15 : f32 to vector<1280x7xf32>
    %concatenate3A = tpu.concatenate %slice3A_12, %broadcast_in_dim3A_14, %broadcast_in_dim3A_11, %broadcast_in_dim3A_16 in 1 : vector<1280x4xf32>, vector<1280x4xf32>, vector<1280x1xf32>, vector<1280x7xf32> -> vector<1280x16xf32>
    %swap3A = arith.constant 0 : index
    %swap3A_17 = arith.constant 0 : index
    %swap3A_18 = vector.load %arg9[%swap3A, %swap3A_17] : memref<1280x16xf32, #tpu.memory_space<vmem>>, vector<1280x16xf32>
    tpu.vector_store %arg9[%swap3A, %swap3A_17], %concatenate3A {strides = array<i32>} : memref<1280x16xf32, #tpu.memory_space<vmem>>, vector<1280x16xf32>,
    %get3A_19 = arith.constant 0 : index
    %get3A_20 = arith.constant 0 : index
    %get3A_21 = vector.load %arg3[%get3A_19, %get3A_20] : memref<128x128xf32, #tpu.memory_space<vmem>>, vector<128x128xf32>
    %get3A_22 = arith.constant 0 : index
    %get3A_23 = arith.constant 0 : index
    %get3A_24 = vector.load %arg5[%get3A_22, %get3A_23] : memref<128x4xf32, #tpu.memory_space<vmem>>, vector<128x4xf32>
    %dot_general3A = arith.constant dense<0.000000e+00> : vector<128x4xf32>
    %dot_general3A_25 = tpu.matmul %get3A_21, %get3A_24, %dot_general3A {dimension_numbers = #tpu.dot_dimension_numbers<[1], [0], [0], [1], [0, 0, 1, 1], [], []>, transpose_lhs_hint = false} : vector<128x128xf32>, vector<128x4xf32>, vector<128x4xf32> -> vector<128x4xf32>
    %get3A_26 = arith.constant 0 : index
    %get3A_27 = arith.constant 0 : index
    %get3A_28 = vector.load %arg4[%get3A_26, %get3A_27] : memref<128x128xf32, #tpu.memory_space<vmem>>, vector<128x128xf32>
    %get3A_29 = arith.constant 0 : index
    %get3A_30 = arith.constant 0 : index
    %get3A_31 = vector.load %arg5[%get3A_29, %get3A_30] : memref<128x4xf32, #tpu.memory_space<vmem>>, vector<128x4xf32>
    %dot_general3A_32 = arith.constant dense<0.000000e+00> : vector<128x4xf32>
    %dot_general3A_33 = tpu.matmul %get3A_28, %get3A_31, %dot_general3A_32 {dimension_numbers = #tpu.dot_dimension_numbers<[1], [0], [0], [1], [0, 0, 1, 1], [], []>, transpose_lhs_hint = false} : vector<128x128xf32>, vector<128x4xf32>, vector<128x4xf32> -> vector<128x4xf32>
    %get3A_34 = arith.constant 0 : index
    %get3A_35 = arith.constant 0 : index
    %get3A_36 = vector.load %arg6[%get3A_34, %get3A_35] : memref<1x128xf32, #tpu.memory_space<vmem>>, vector<1x128xf32>
    %dot_general3A_37 = arith.constant dense<0.000000e+00> : vector<1x4xf32>
    %dot_general3A_38 = tpu.matmul %get3A_36, %dot_general3A_25, %dot_general3A_37 {dimension_numbers = #tpu.dot_dimension_numbers<[1], [0], [0], [1], [0, 0, 1, 1], [], []>, transpose_lhs_hint = false} : vector<1x128xf32>, vector<128x4xf32>, vector<1x4xf32> -> vector<1x4xf32>
    %get3A_39 = arith.constant 0 : index
    %get3A_40 = arith.constant 0 : index
    %get3A_41 = vector.load %arg6[%get3A_39, %get3A_40] : memref<1x128xf32, #tpu.memory_space<vmem>>, vector<1x128xf32>
    %dot_general3A_42 = arith.constant dense<0.000000e+00> : vector<1x4xf32>
    %dot_general3A_43 = tpu.matmul %get3A_41, %dot_general3A_33, %dot_general3A_42 {dimension_numbers = #tpu.dot_dimension_numbers<[1], [0], [0], [1], [0, 0, 1, 1], [], []>, transpose_lhs_hint = false} : vector<1x128xf32>, vector<128x4xf32>, vector<1x4xf32> -> vector<1x4xf32>
    %get3A_44 = arith.constant 0 : index
    %get3A_45 = arith.constant 0 : index
    %get3A_46 = vector.load %arg7[%get3A_44, %get3A_45] : memref<1x128xf32, #tpu.memory_space<vmem>>, vector<1x128xf32>
    %get3A_47 = arith.constant 0 : index
    %get3A_48 = arith.constant 0 : index
    %get3A_49 = vector.load %arg5[%get3A_47, %get3A_48] : memref<128x4xf32, #tpu.memory_space<vmem>>, vector<128x4xf32>
    %dot_general3A_50 = arith.constant dense<0.000000e+00> : vector<1x4xf32>
    %dot_general3A_51 = tpu.matmul %get3A_46, %get3A_49, %dot_general3A_50 {dimension_numbers = #tpu.dot_dimension_numbers<[1], [0], [0], [1], [0, 0, 1, 1], [], []>, transpose_lhs_hint = false} : vector<1x128xf32>, vector<128x4xf32>, vector<1x4xf32> -> vector<1x4xf32>
    %add3A_52 = arith.addf %dot_general3A_43, %dot_general3A_51 : vector<1x4xf32>
    %get3A_53 = arith.constant 0 : index
    %get3A_54 = arith.constant 0 : index
    %get3A_55 = vector.load %arg8[%get3A_53, %get3A_54] : memref<1x4xf32, #tpu.memory_space<vmem>>, vector<1x4xf32>
    %add3A_56 = arith.addf %add3A_52, %get3A_55 : vector<1x4xf32>
    %slice3A_57 = vector.extract_strided_slice %mul3A_10 {offsets = [0, 8], sizes = [1280, 1], strides = [1, 1]} : vector<1280x16xf32> to vector<1280x1xf32>
    %slice3A_58 = vector.extract_strided_slice %mul3A_10 {offsets = [0, 4], sizes = [1280, 4], strides = [1, 1]} : vector<1280x16xf32> to vector<1280x4xf32>
    %mul3A_59 = vector.broadcast %slice3A_57 : vector<1280x1xf32> to vector<1280x4xf32>
    %mul3A_60 = vector.broadcast %dot_general3A_38 : vector<1x4xf32> to vector<1280x4xf32>
    %mul3A_61 = arith.mulf %mul3A_59, %mul3A_60 : vector<1280x4xf32>
    %add3A_62 = arith.addf %slice3A_58, %mul3A_61 : vector<1280x4xf32>
    %get3A_63 = arith.constant 0 : index
    %get3A_64 = arith.constant 9 : index
    %get3A_65 = vector.load %arg2[%get3A_63, %get3A_64] : memref<1280x16xf32, #tpu.memory_space<vmem>>, vector<1280x4xf32>
    %add3A_66 = arith.addf %add3A_62, %get3A_65 : vector<1280x4xf32>
    %add3A_67 = vector.broadcast %add3A_56 : vector<1x4xf32> to vector<1280x4xf32>
    %add3A_68 = arith.addf %add3A_66, %add3A_67 : vector<1280x4xf32>
    %swap3A_69 = arith.constant 0 : index
    %swap3A_70 = arith.constant 0 : index
    %swap3A_71 = vector.load %arg10[%swap3A_69, %swap3A_70] : memref<1280x4xf32, #tpu.memory_space<vmem>>, vector<1280x4xf32>
    tpu.vector_store %arg10[%swap3A_69, %swap3A_70], %add3A_68 {strides = array<i32>} : memref<1280x4xf32, #tpu.memory_space<vmem>>, vector<1280x4xf32>,
    return
  }
  func.func @transform_0(%arg0: i32) -> (i32, i32, i32) {
    %c0_i32 = arith.constant 0 : i32
    %c0_i32_0 = arith.constant 0 : i32
    %c0_i32_1 = arith.constant 0 : i32
    return %c0_i32, %arg0, %c0_i32_0 : i32, i32, i32
  }
  func.func @transform_1(%arg0: i32) -> (i32, i32) {
    %c0_i32 = arith.constant 0 : i32
    %c0_i32_0 = arith.constant 0 : i32
    return %arg0, %c0_i32 : i32, i32
  }
  func.func @transform_2(%arg0: i32) -> (i32, i32) {
    %c0_i32 = arith.constant 0 : i32
    %c0_i32_0 = arith.constant 0 : i32
    %c0_i32_1 = arith.constant 0 : i32
    return %c0_i32, %c0_i32_0 : i32, i32
  }
  func.func @transform_3(%arg0: i32) -> (i32, i32) {
    %c0_i32 = arith.constant 0 : i32
    %c0_i32_0 = arith.constant 0 : i32
    %c0_i32_1 = arith.constant 0 : i32
    return %c0_i32, %c0_i32_0 : i32, i32
  }
  func.func @transform_4(%arg0: i32) -> (i32, i32) {
    %c0_i32 = arith.constant 0 : i32
    %c0_i32_0 = arith.constant 0 : i32
    %c0_i32_1 = arith.constant 0 : i32
    return %c0_i32, %c0_i32_0 : i32, i32
  }
  func.func @transform_5(%arg0: i32) -> (i32, i32) {
    %c0_i32 = arith.constant 0 : i32
    %c0_i32_0 = arith.constant 0 : i32
    %c0_i32_1 = arith.constant 0 : i32
    return %c0_i32, %c0_i32_0 : i32, i32
  }
  func.func @transform_6(%arg0: i32) -> (i32, i32) {
    %c0_i32 = arith.constant 0 : i32
    %c0_i32_0 = arith.constant 0 : i32
    %c0_i32_1 = arith.constant 0 : i32
    return %c0_i32, %c0_i32_0 : i32, i32
  }
  func.func @transform_7(%arg0: i32) -> (i32, i32) {
    %c0_i32 = arith.constant 0 : i32
    %c0_i32_0 = arith.constant 0 : i32
    %c0_i32_1 = arith.constant 0 : i32
    return %c0_i32, %c0_i32_0 : i32, i32
  }
  func.func @transform_8(%arg0: i32) -> (i32, i32) {
    %c0_i32 = arith.constant 0 : i32
    %c0_i32_0 = arith.constant 0 : i32
    return %arg0, %c0_i32 : i32, i32
  }
  func.func @transform_9(%arg0: i32) -> (i32, i32) {
    %c0_i32 = arith.constant 0 : i32
    %c0_i32_0 = arith.constant 0 : i32
    return %arg0, %c0_i32 : i32, i32
  }
}

module attributes {stable_mosaic.version = 14 : i64} {
  func.func @_fin_body(%arg0: i32, %arg1: memref<2x1280x16xf32, #tpu.memory_space<vmem>>, %arg2: memref<1280x4xf32, #tpu.memory_space<vmem>>, %arg3: memref<1280x4xf32, #tpu.memory_space<vmem>>) attributes {dimension_semantics = [#tpu.dimension_semantics<arbitrary>], iteration_bounds = array<i64: 8>, scalar_prefetch = 0 : i64, scratch_operands = 0 : i64, tpu.core_type = #tpu.core_type<tc>, window_params = [{transform_indices = @transform_0, window_bounds = array<i64: 2, 1280, 16>}, {transform_indices = @transform_1, window_bounds = array<i64: 1280, 4>}, {transform_indices = @transform_2, window_bounds = array<i64: 1280, 4>}]} {
    %get3A = arith.constant 0 : index
    %get3A_0 = arith.constant 0 : index
    %get3A_1 = arith.constant 0 : index
    %get3A_2 = vector.load %arg1[%get3A, %get3A_0, %get3A_1] : memref<2x1280x16xf32, #tpu.memory_space<vmem>>, vector<2x1280x16xf32>
    %slice3A = vector.extract_strided_slice %get3A_2 {offsets = [0, 0, 0], sizes = [1, 1280, 16], strides = [1, 1, 1]} : vector<2x1280x16xf32> to vector<1x1280x16xf32>
    %squeeze3A = vector.shape_cast %slice3A : vector<1x1280x16xf32> to vector<1280x16xf32>
    %slice3A_3 = vector.extract_strided_slice %get3A_2 {offsets = [1, 0, 0], sizes = [1, 1280, 16], strides = [1, 1, 1]} : vector<2x1280x16xf32> to vector<1x1280x16xf32>
    %squeeze3A_4 = vector.shape_cast %slice3A_3 : vector<1x1280x16xf32> to vector<1280x16xf32>
    %add3A = arith.addf %squeeze3A, %squeeze3A_4 : vector<1280x16xf32>
    %slice3A_5 = vector.extract_strided_slice %add3A {offsets = [0, 8], sizes = [1280, 1], strides = [1, 1]} : vector<1280x16xf32> to vector<1280x1xf32>
    %max3A = arith.constant 1.000000e+00 : f32
    %max3A_6 = vector.broadcast %max3A : f32 to vector<1280x1xf32>
    %max3A_7 = arith.maximumf %slice3A_5, %max3A_6 : vector<1280x1xf32>
    %div3A = arith.constant 1.000000e+00 : f32
    %div3A_8 = vector.broadcast %div3A : f32 to vector<1280x1xf32>
    %div3A_9 = arith.divf %div3A_8, %max3A_7 : vector<1280x1xf32>
    %slice3A_10 = vector.extract_strided_slice %add3A {offsets = [0, 0], sizes = [1280, 4], strides = [1, 1]} : vector<1280x16xf32> to vector<1280x4xf32>
    %mul3A = vector.broadcast %div3A_9 : vector<1280x1xf32> to vector<1280x4xf32>
    %mul3A_11 = arith.mulf %slice3A_10, %mul3A : vector<1280x4xf32>
    %get3A_12 = arith.constant 0 : index
    %get3A_13 = arith.constant 0 : index
    %get3A_14 = vector.load %arg2[%get3A_12, %get3A_13] : memref<1280x4xf32, #tpu.memory_space<vmem>>, vector<1280x4xf32>
    %add3A_15 = arith.addf %mul3A_11, %get3A_14 : vector<1280x4xf32>
    %swap3A = arith.constant 0 : index
    %swap3A_16 = arith.constant 0 : index
    %swap3A_17 = vector.load %arg3[%swap3A, %swap3A_16] : memref<1280x4xf32, #tpu.memory_space<vmem>>, vector<1280x4xf32>
    tpu.vector_store %arg3[%swap3A, %swap3A_16], %add3A_15 {strides = array<i32>} : memref<1280x4xf32, #tpu.memory_space<vmem>>, vector<1280x4xf32>,
    return
  }
  func.func @transform_0(%arg0: i32) -> (i32, i32, i32) {
    %c0_i32 = arith.constant 0 : i32
    %c0_i32_0 = arith.constant 0 : i32
    %c0_i32_1 = arith.constant 0 : i32
    return %c0_i32, %arg0, %c0_i32_0 : i32, i32, i32
  }
  func.func @transform_1(%arg0: i32) -> (i32, i32) {
    %c0_i32 = arith.constant 0 : i32
    %c0_i32_0 = arith.constant 0 : i32
    return %arg0, %c0_i32 : i32, i32
  }
  func.func @transform_2(%arg0: i32) -> (i32, i32) {
    %c0_i32 = arith.constant 0 : i32
    %c0_i32_0 = arith.constant 0 : i32
    return %arg0, %c0_i32 : i32, i32
  }
}

</mosaic_0001>

<sc_bundles>
// kernel: kernel.10.cloned.1.call-start
scs
__scs_entry_jumppad:
0x0: {  	(pc) =	sbr.rel $0x88, $3  }
0x1: {  	(tag) =	ssettag $0x0;
	lr =	simm.s32 $0x1  }
0x2: {  	[smem:$0x3F95] =	sst lr;
	_ =	strace $0xD0000000  }
0x3: {  	_ = 	snop  }
0x4: {  	_ = 	snop  }
0x5: {  	_ = 	snop  }
0x6: {  	_ = 	snop  }
0x7: {  	_ = 	snop  }
__scs_overlays_trampoline_lowered:
0x8: {  	[smem:$0x3FA4] =	sst s0  }
0x9: {  	[smem:$0x3FA5] =	sst s1  }
0xa: {  	[smem:$0x3FA6] =	sst s2  }
0xb: {  	[smem:$0x3FA7] =	sst s3  }
0xc: {  	[smem:$0x3FA8] =	sst s4  }
0xd: {  	[smem:$0x3FA9] =	sst s5  }
0xe: {  	[smem:$0x3FAA] =	sst s6  }
0xf: {  	[smem:$0x3FAB] =	sst s7  }
0x10: {  	[smem:$0x3FAC] =	sst s8  }
0x11: {  	[smem:$0x3FAD] =	sst s9;
	s0 =	simm.s32 @!p0 $0x0  }
0x12: {  	s1 =	sld [smem:$0x3F93];
	s0 =	simm.s32 @p0 $0x1  }
0x13: {  	[smem:$0x3FAE] =	sst s0;
	s0 =	simm.s32 @!p1 $0x0  }
0x14: {  	s2 =	sld [smem:$0x3F92];
	s0 =	simm.s32 @p1 $0x1  }
0x15: {  	[smem:$0x3FAF] =	sst s0;
	s0 =	simm.s32 @!p2 $0x0  }
0x16: {  	s3 =	sld [smem:$0x3FDB];
	s0 =	simm.s32 @p2 $0x1  }
0x17: {  	s4 =	simm.s32 $0x1BF5;
	[smem:$0x3FB1] =	sst s0  }
0x18: {  	s0 =	sld [smem:$0x3F94];
	_ =	swait.ge [sflag:s4], $0x0  }
0x19: {  	s7 =	sld [smem:$0x3F95]  }
0x1a: {  	s8 =	sadd.s32 $0xFFFFE003, lr  }
0x1b: {  	s9 =	sadd.s32 $0xFFFFFEF7, lr;
	s5 =	simm.s32 $0xFFFFFFFF;
	p2 =	slt.u32 s8, $0xFFFFF086  }
0x1c: {  	p1 =	slt.u32 s9, $0xF7A;
	s5 =	simm.s32 @!p2 $0x0  }
0x1d: {  	s5 =	simm.s32 @p1 $0x1;
	p0 =	seq.s32 s7, s2  }
0x1e: {  	s7 =	smul.u32 @!p0 $0xF7A, s2;
	p2 =	seq.s32 @!p0 s5, $0x0  }
0x1f: {  	s9 =	smul.u32 $0xF7A, s1;
	s8 =	simm.s32 @!p0 $0x1BF5;
	p2 =	por !p2, p0  }
0x20: {  	[sflag:s8] =	ssyncset.s32 @!p0 $0xFFFFF086;
	s6 =	sadd.s32 @!p0 s3, s7;
	s7 =	simm.s32 @!p0 $0x108  }
0x21: {  	s3 =	sadd.s32 s3, s9;
	s6 =	sadd.s32 @!p0 $0x88, s6;
	s7 =	simm.s32 @p2 $0x1082  }
0x22: {  	[simem:s7], [sflag:s8] =	dma.local @!p0 [hbm:s6], $0xF7A  }
0x23: {  	s9 =	sor.u32 $0xD0000000, s2;
	s6 =	simm.s32 $0x108;
	_ =	swait.ge @!p0 [sflag:s8], $0x0  }
0x24: {  	s3 =	sadd.s32 $0x88, s3;
	s6 =	simm.s32 @!p1 $0x1082;
	[sflag:s4] =	ssyncset.s32 $0xFFFFF086  }
0x25: {  	[simem:s6], [sflag:s4] =	dma.local [hbm:s3], $0xF7A  }
0x26: {  	[smem:$0x3F95] =	sst s1;
	(tag) =	ssettag s2;
	_ =	strace s9  }
0x27: {  	s1 =	sld [smem:$0x3FA5]  }
0x28: {  	s2 =	sld [smem:$0x3FA6]  }
0x29: {  	s4 =	sld [smem:$0x3FA8]  }
0x2a: {  	p0 =	seq.s32 s5, $0x0;
	s5 =	sld [smem:$0x3FA9]  }
0x2b: {  	s6 =	sld [smem:$0x3FAA]  }
0x2c: {  	s7 =	sld [smem:$0x3FAB]  }
0x2d: {  	s3 =	simm.s32 $0x108;
	s8 =	sld [smem:$0x3FAC]  }
0x2e: {  	s3 =	simm.s32 @!p0 $0x1082;
	s9 =	sld [smem:$0x3FAD]  }
0x2f: {  	lr =	sadd.s32 s0, s3;
	s0 =	sld [smem:$0x3FA4]  }
0x30: {  	s3 =	sld [smem:$0x3FA7]  }
0x31: {  	[smem:$0x3FB0] =	sst s10  }
0x32: {  	s10 =	sld [smem:$0x3FAE];
	_ =	sdelay $0x3  }
0x33: {  	p0 =	seq.s32 s10, $0x1;
	s10 =	sld [smem:$0x3FB0];
	_ =	sdelay $0x3  }
0x34: {  	[smem:$0x3FB0] =	sst s10  }
0x35: {  	s10 =	sld [smem:$0x3FAF];
	_ =	sdelay $0x3  }
0x36: {  	p1 =	seq.s32 s10, $0x1;
	s10 =	sld [smem:$0x3FB0];
	_ =	sdelay $0x3  }
0x37: {  	[smem:$0x3FB0] =	sst s10  }
0x38: {  	s10 =	sld [smem:$0x3FB1]  }
0x39: {  	_ = 	snop;
	(pc) =	sbr.ind lr, $3  }
0x3a: {  	_ = 	snop  }
0x3b: {  	_ = 	snop  }
0x3c: {  	p2 =	seq.s32 s10, $0x1;
	s10 =	sld [smem:$0x3FB0]  }
0x3d: {  	_ =	shalt  }
0x3e: {  	_ =	shalt  }
0x3f: {  	_ =	shalt  }
0x40: {  	_ =	shalt  }
0x41: {  	_ =	shalt  }
0x42: {  	_ =	shalt  }
0x43: {  	_ =	shalt  }
0x44: {  	_ =	shalt  }
0x45: {  	_ =	shalt  }
0x46: {  	_ =	shalt  }
0x47: {  	_ =	shalt  }
0x48: {  	_ =	shalt  }
0x49: {  	_ =	shalt  }
0x4a: {  	_ =	shalt  }
0x4b: {  	_ =	shalt  }
0x4c: {  	_ =	shalt  }
0x4d: {  	_ =	shalt  }
0x4e: {  	_ =	shalt  }
0x4f: {  	_ =	shalt  }
0x50: {  	_ =	shalt  }
0x51: {  	_ =	shalt  }
0x52: {  	_ =	shalt  }
0x53: {  	_ =	shalt  }
0x54: {  	_ =	shalt  }
0x55: {  	_ =	shalt  }
0x56: {  	_ =	shalt  }
0x57: {  	_ =	shalt  }
0x58: {  	_ =	shalt  }
0x59: {  	_ =	shalt  }
0x5a: {  	_ =	shalt  }
0x5b: {  	_ =	shalt  }
0x5c: {  	_ =	shalt  }
0x5d: {  	_ =	shalt  }
0x5e: {  	_ =	shalt  }
0x5f: {  	_ =	shalt  }
0x60: {  	_ =	shalt  }
0x61: {  	_ =	shalt  }
0x62: {  	_ =	shalt  }
0x63: {  	_ =	shalt  }
0x64: {  	_ =	shalt  }
0x65: {  	_ =	shalt  }
0x66: {  	_ =	shalt  }
0x67: {  	_ =	shalt  }
0x68: {  	_ =	shalt  }
0x69: {  	_ =	shalt  }
0x6a: {  	_ =	shalt  }
0x6b: {  	_ =	shalt  }
0x6c: {  	_ =	shalt  }
0x6d: {  	_ =	shalt  }
0x6e: {  	_ =	shalt  }
0x6f: {  	_ =	shalt  }
0x70: {  	_ =	shalt  }
0x71: {  	_ =	shalt  }
0x72: {  	_ =	shalt  }
0x73: {  	_ =	shalt  }
0x74: {  	_ =	shalt  }
0x75: {  	_ =	shalt  }
0x76: {  	_ =	shalt  }
0x77: {  	_ =	shalt  }
0x78: {  	_ =	shalt  }
0x79: {  	_ =	shalt  }
0x7a: {  	_ =	shalt  }
0x7b: {  	_ =	shalt  }
0x7c: {  	_ =	shalt  }
0x7d: {  	_ =	shalt  }
0x7e: {  	_ =	shalt  }
0x7f: {  	_ =	shalt  }
0x80: {  	_ =	shalt  }
0x81: {  	_ =	shalt  }
0x82: {  	_ =	shalt  }
0x83: {  	_ =	shalt  }
0x84: {  	_ =	shalt  }
0x85: {  	_ =	shalt  }
0x86: {  	_ =	shalt  }
0x87: {  	_ =	shalt  }
.Lfunc_end0:
.L_simem_size_0:
called_computation.1_lowered:
.L_overlay_start_0:
0x88: {  	s2 =	sld [smem:$0x3FD9]  }
0x89: {  	s3 =	sld [smem:$0x3FFE];
	_ =	sdelay $0x1  }
0x8a: {  	s1 =	srdreg.scid  }
0x8b: {  	s0 =	sand.u32 $0x1, s1  }
0x8c: {  	s17 =	sshll.u32 s0, $0xA;
	s2 =	sadd.s32 s3, s2  }
0x8d: {  	s2 =	sadd.s32 s2, s17  }
0x8e: {  	[smem:$0x3FBC] =	sst s2  }
0x8f: {  	_ = 	snop  }
0x90: {  	s2 =	sld [smem:$0x3FD0];
	(tm) =	ssettm $0x1  }
0x91: {  	s18 =	sld [smem:$0x3FFB];
	_ =	sdelay $0x3  }
0x92: {  	_ =	strace s18  }
0x93: {  	s3 =	sld [smem:$0x3FFC];
	_ =	sdelay $0x3  }
0x94: {  	_ =	strace s3  }
0x95: {  	s3 =	sld [smem:$0x3FFD];
	_ =	sdelay $0x3  }
0x96: {  	_ =	strace s3  }
0x97: {  	_ =	strace $0x8FFFFFFF  }
0x98: {  	s19 =	sld [smem:$0x3FDB];
	_ =	sdelay $0x1  }
0x99: {  	s4 =	simm.s32 $_scs_section_size  }
0x9a: {  	s5 =	simm.s32 $_size__tile_overlayer_lowered;
	s6 =	simm.s32 $_tile_overlayer_lowered  }
0x9b: {  	s22 =	simm.s32 $0x1BFF;
	s21 =	sshll.u32 s6, $0x1;
	s3 =	sadd.s32 s4, s19  }
0x9c: {  	s7 =	simm.s32 $0x0;
	s20 =	sshll.u32 s5, $0x1;
	s5 =	sadd.s32 s21, s3  }
0x9d: {  	[timem:s7], [sflag:s22] =	dma.local [hbm:s5], s20  }
0x9e: {  	_ =	swait.ge [sflag:s22], s20  }
0x9f: {  	s4 =	ssub.s32 $0x0, s20;
	[sflag:s22] =	ssyncset.done $0x0  }
0xa0: {  	[sflag:s22] =	ssyncadd.s32 s4;
	_ =	sdelay $0x1  }
0xa1: {  	s23 =	simm.s32 $0x1B8B  }
0xa2: {  	_ =	swait.ge [sflag:s23], $0x1  }
0xa3: {  	[sflag:s23] =	ssyncset.done $0x0  }
0xa4: {  	s25 =	simm.s32 $0x1B8E;
	s24 =	sld [smem:$0x3FFE];
	[sflag:s23] =	ssyncadd.s32 $0xFFFFFFFF  }
0xa5: {  	s26 =	simm.s32 $execute0_lowered;
	[smem:$0x3FD2] =	sst s25  }
0xa6: {  	s5 =	sshll.u32 s26, $0x1;
	_ =	strace $0x80000049;
	[dreg:$0x1] =	wrdreg $0xFFFFFFFF  }
0xa7: {  	s28 =	simm.s32 $_size_execute0_lowered;
	s3 =	sadd.s32 s3, s5;
	[dreg:$0x0] =	wrdreg $0x0  }
0xa8: {  	s5 =	sshll.u32 s28, $0x1;
	[dreg:$0x2] =	wrdreg s3  }
0xa9: {  	[dreg:$0x3] =	wrdreg s5  }
0xaa: {  	[dreg:$0x4] =	wrdreg $0xC0  }
0xab: {  	_ =	task [dreg:s7], $0x5FFFF  }
0xac: {  	[dreg:$0x1] =	wrdreg $0xFFFFFFFF  }
0xad: {  	[dreg:$0x0] =	wrdreg $0x60  }
0xae: {  	[dreg:$0x2] =	wrdreg s24  }
0xaf: {  	[dreg:$0x3] =	wrdreg s2  }
0xb0: {  	[dreg:$0x4] =	wrdreg $0x0  }
0xb1: {  	[dreg:$0x5] =	wrdreg $0x9  }
0xb2: {  	_ =	task.clear_ibuf [dreg:s7], $0x6FFFF;
	_ =	strace $0x90000049  }
0xb3: {  	s29 =	simm.s32 $0x9;
	_ =	strace $0x8000004B  }
0xb4: {  	_ =	swait.ge [sflag:s29], $0x1  }
0xb5: {  	[sflag:s29] =	ssyncadd.s32 $0xFFFFFFFF  }
0xb6: {  	_ =	strace $0x9000004B  }
0xb7: {  	_ =	sfence  }
0xb8: {  	s30 =	sld [smem:$0x0];
	_ =	sdelay $0x2  }
0xb9: {  	s31 =	sshll.u32 s1, $0xD;
	s1 =	sshrl.u32 s1, $0x2  }
0xba: {  	s3 =	sand.u32 $0x4000, s31;
	s1 =	sadd.s32 s1, s30  }
0xbb: {  	s0 =	sor.u32 s3, s0;
	s1 =	sshll.u32 s1, $0x11  }
0xbc: {  	s0 =	sor.u32 s1, s0  }
0xbd: {  	s0 =	sadd.s32 $0x8F2B, s0  }
0xbe: {  	[sflag:s0] =	ssyncadd.remote.s32 $0x1  }
0xbf: {  	_ =	sfence.sel $0xFFFF  }
0xc0: {  	[dreg:$0x0] =	wrdreg $0xFFFFFFFF;
	(pc) =	sbr.abs _section_cstart, $3  }
0xc1: {  	[dreg:$0x1] =	wrdreg $0xFFFFFFFF  }
0xc2: {  	_ =	task.clear_ibuf [dreg:s7], $0x2FFFF;
	_ =	strace $0x9FFFFFFF  }
0xc3: {  	(tm) =	ssettm $0x7FFFFFFF  }
tec
execute0_lowered:
.L_overlay_start_1:
0x0: {  	(tag) =	ssettag $0x1  }
0x1: {  	s6 =	rddreg [dreg:$0x0]  }
0x2: {  	s2 =	rddreg [dreg:$0x1]  }
0x3: {  	s3 =	rddreg [dreg:$0x2]  }
0x4: {  	s5 =	srdreg.scid;
	s1 =	stileid.u32;
	s4 =	simm.s32 $0x0  }
0x5: {  	s13 =	simm.s32 $0x7800;
	s14 =	simm.s32 $0x80;
	s15 =	simm.s32 $0xC800  }
0x6: {  	s16 =	simm.s32 $0xD000;
	s17 =	simm.s32 $0xD800;
	s18 =	simm.s32 $0xE000  }
0x7: {  	s19 =	simm.s32 $0xE800;
	s20 =	simm.s32 $0xF000;
	s21 =	simm.s32 $0xF800  }
0x8: {  	s22 =	simm.s32 $0x10000;
	s23 =	simm.s32 $0x1;
	s26 =	simm.s32 $0x0  }
0x9: {  	s7 =	sand.u32 $0x1, s5;
	s30 =	sshll.u32 s1, $0x1;
	[smem:$0x7FF] =	sst s4  }
0xa: {  	s11 =	smul.u32 $0x2800, s1;
	s31 =	sshll.u32 s1, $0x6;
	s5 =	sor.u32 s7, s30  }
0xb: {  	_ =	strace $0x8000004A;
	s9 =	smul.u32 $0x5000, s7;
	s7 =	ssub.s32 $0x2, s7  }
0xc: {  	s8 =	smul.u32 $0xA00, s5;
	s5 =	sadd.s32 $0x2600, s6;
	s10 =	sshrl.u32 s7, $0x1  }
0xd: {  	s12 =	sadd.s32 s11, s3;
	s25 =	sshrl.u32 s11, $0x3;
	s11 =	simm.s32 $0x3  }
0xe: {  	s9 =	sadd.s32 s9, s6;
	s10 =	ssub.s32 s7, s10;
	s8 =	sadd.s32 s8, s6  }
0xf: {  	s6 =	sor.u32 $0x1C03, s31;
	s24 =	sadd.s32 $0x2F600, s9;
	s9 =	smax.u32 s10, $0x1  }
0x10: {  	s10 =	sshrl.u32 s12, $0x3;
	s12 =	simm.s32 $0x2800;
	s7 =	sadd.s32 $0x7600, s8  }
0x11: {  	s8 =	sadd.s32 $0x1B600, s8;
	s24 =	sadd.s32 s25, s24;
	s25 =	simm.s32 $0x2  }
.LBB2_1:
0x12: {  	[spmem:s10], [sflag:s6] =	dma.local [hbm:s2], $0x500  }
0x13: {  	_ =	swait.ge [sflag:s11], $0x500  }
0x14: {  	[sflag:s11] =	ssyncset.done $0x0  }
0x15: {  	[sflag:s11] =	ssyncadd.s32 $0xFFFFFB00  }
0x16: {  	[bflag:$0x0] =	sbarrier.arrive $0xFFFF  }
0x17: {  	[tilespmem:s12], [sflag:$0x3] =	stream.linear.gather [hbm4b:s7+s4], $0x5000, $0x38;
	[tilespmem:$0x10800] =	vst v63  }
0x18: {  	_ =	swait.ge [sflag:s11], $0x5000  }
0x19: {  	[sflag:s11] =	ssyncset.done $0x0  }
0x1a: {  	[sflag:s11] =	ssyncadd.s32 $0xFFFFB000  }
0x1b: {  	[tilespmem:s13], [sflag:$0x3] =	stream.linear.gather [hbm4b:s8+s4], $0x5000, $0x38;
	[tilespmem:$0x10800] =	vst v63  }
0x1c: {  	_ =	swait.ge [sflag:s11], $0x5000  }
0x1d: {  	[sflag:s11] =	ssyncset.done $0x0  }
0x1e: {  	s28 =	simm.s32 $0x2800;
	[sflag:s11] =	ssyncadd.s32 $0xFFFFB000  }
0x1f: {  	[tilespmem:s15], [sflag:$0x1] =	stream.indirect.gather [hbm4b:s5+s14], $0x10, s28, s14, $0xb8;
	[tilespmem:$0x10800] =	vst v63  }
0x20: {  	s28 =	simm.s32 $0x2880  }
0x21: {  	[tilespmem:s16], [sflag:$0x1] =	stream.indirect.gather [hbm4b:s5+s14], $0x10, s28, s14, $0xb8;
	[tilespmem:$0x10800] =	vst v63  }
0x22: {  	s28 =	simm.s32 $0x2900  }
0x23: {  	[tilespmem:s17], [sflag:$0x1] =	stream.indirect.gather [hbm4b:s5+s14], $0x10, s28, s14, $0xb8;
	[tilespmem:$0x10800] =	vst v63  }
0x24: {  	s28 =	simm.s32 $0x2980  }
0x25: {  	[tilespmem:s18], [sflag:$0x1] =	stream.indirect.gather [hbm4b:s5+s14], $0x10, s28, s14, $0xb8;
	[tilespmem:$0x10800] =	vst v63  }
0x26: {  	s28 =	simm.s32 $0x2A00  }
0x27: {  	[tilespmem:s19], [sflag:$0x1] =	stream.indirect.gather [hbm4b:s5+s14], $0x10, s28, s14, $0xb8;
	[tilespmem:$0x10800] =	vst v63  }
0x28: {  	s28 =	simm.s32 $0x2A80  }
0x29: {  	[tilespmem:s20], [sflag:$0x1] =	stream.indirect.gather [hbm4b:s5+s14], $0x10, s28, s14, $0xb8;
	[tilespmem:$0x10800] =	vst v63  }
0x2a: {  	s28 =	simm.s32 $0x2B00  }
0x2b: {  	[tilespmem:s21], [sflag:$0x1] =	stream.indirect.gather [hbm4b:s5+s14], $0x10, s28, s14, $0xb8;
	[tilespmem:$0x10800] =	vst v63  }
0x2c: {  	s28 =	simm.s32 $0x2B80  }
0x2d: {  	[tilespmem:s22], [sflag:$0x1] =	stream.indirect.gather [hbm4b:s5+s14], $0x10, s28, s14, $0xb8;
	[tilespmem:$0x10800] =	vst v63  }
0x2e: {  	_ =	swait.ge [sflag:s23], $0x800  }
0x2f: {  	[sflag:s23] =	ssyncset.done $0x0  }
0x30: {  	[sflag:s23] =	ssyncadd.s32 $0xFFFFF800  }
0x31: {  	_ =	swait.ge [sflag:s23], $0x800  }
0x32: {  	[sflag:s23] =	ssyncset.done $0x0  }
0x33: {  	[sflag:s23] =	ssyncadd.s32 $0xFFFFF800  }
0x34: {  	_ =	swait.ge [sflag:s23], $0x800  }
0x35: {  	[sflag:s23] =	ssyncset.done $0x0  }
0x36: {  	[sflag:s23] =	ssyncadd.s32 $0xFFFFF800  }
0x37: {  	_ =	swait.ge [sflag:s23], $0x800  }
0x38: {  	[sflag:s23] =	ssyncset.done $0x0  }
0x39: {  	[sflag:s23] =	ssyncadd.s32 $0xFFFFF800  }
0x3a: {  	_ =	swait.ge [sflag:s23], $0x800  }
0x3b: {  	[sflag:s23] =	ssyncset.done $0x0  }
0x3c: {  	[sflag:s23] =	ssyncadd.s32 $0xFFFFF800  }
0x3d: {  	_ =	swait.ge [sflag:s23], $0x800  }
0x3e: {  	[sflag:s23] =	ssyncset.done $0x0  }
0x3f: {  	[sflag:s23] =	ssyncadd.s32 $0xFFFFF800  }
0x40: {  	_ =	swait.ge [sflag:s23], $0x800  }
0x41: {  	[sflag:s23] =	ssyncset.done $0x0  }
0x42: {  	[sflag:s23] =	ssyncadd.s32 $0xFFFFF800  }
0x43: {  	_ =	swait.ge [sflag:s23], $0x800  }
0x44: {  	[sflag:s23] =	ssyncset.done $0x0  }
0x45: {  	s28 =	simm.s32 $0x7800;
	[sflag:s23] =	ssyncadd.s32 $0xFFFFF800  }
0x46: {  	[spmem:s3] =	stream.indirect.scatter.add.f32 [tilespmem:s15], [sflag:$0x2], $0x10, s28, s14, $0xb8;
	[tilespmem:$0x10800] =	vst v63  }
0x47: {  	s28 =	simm.s32 $0x7880  }
0x48: {  	[spmem:s3] =	stream.indirect.scatter.add.f32 [tilespmem:s16], [sflag:$0x2], $0x10, s28, s14, $0xb8;
	[tilespmem:$0x10800] =	vst v63  }
0x49: {  	s28 =	simm.s32 $0x7900  }
0x4a: {  	[spmem:s3] =	stream.indirect.scatter.add.f32 [tilespmem:s17], [sflag:$0x2], $0x10, s28, s14, $0xb8;
	[tilespmem:$0x10800] =	vst v63  }
0x4b: {  	s28 =	simm.s32 $0x7980  }
0x4c: {  	[spmem:s3] =	stream.indirect.scatter.add.f32 [tilespmem:s18], [sflag:$0x2], $0x10, s28, s14, $0xb8;
	[tilespmem:$0x10800] =	vst v63  }
0x4d: {  	s28 =	simm.s32 $0x7A00  }
0x4e: {  	[spmem:s3] =	stream.indirect.scatter.add.f32 [tilespmem:s19], [sflag:$0x2], $0x10, s28, s14, $0xb8;
	[tilespmem:$0x10800] =	vst v63  }
0x4f: {  	s28 =	simm.s32 $0x7A80  }
0x50: {  	[spmem:s3] =	stream.indirect.scatter.add.f32 [tilespmem:s20], [sflag:$0x2], $0x10, s28, s14, $0xb8;
	[tilespmem:$0x10800] =	vst v63  }
0x51: {  	s28 =	simm.s32 $0x7B00  }
0x52: {  	[spmem:s3] =	stream.indirect.scatter.add.f32 [tilespmem:s21], [sflag:$0x2], $0x10, s28, s14, $0xb8;
	[tilespmem:$0x10800] =	vst v63  }
0x53: {  	s28 =	simm.s32 $0x7B80  }
0x54: {  	[spmem:s3] =	stream.indirect.scatter.add.f32 [tilespmem:s22], [sflag:$0x2], $0x10, s28, s14, $0xb8;
	[tilespmem:$0x10800] =	vst v63  }
0x55: {  	_ =	swait.ge [sflag:s25], $0x800  }
0x56: {  	[sflag:s25] =	ssyncset.done $0x0  }
0x57: {  	[sflag:s25] =	ssyncadd.s32 $0xFFFFF800  }
0x58: {  	_ =	swait.ge [sflag:s25], $0x800  }
0x59: {  	[sflag:s25] =	ssyncset.done $0x0  }
0x5a: {  	[sflag:s25] =	ssyncadd.s32 $0xFFFFF800  }
0x5b: {  	_ =	swait.ge [sflag:s25], $0x800  }
0x5c: {  	[sflag:s25] =	ssyncset.done $0x0  }
0x5d: {  	[sflag:s25] =	ssyncadd.s32 $0xFFFFF800  }
0x5e: {  	_ =	swait.ge [sflag:s25], $0x800  }
0x5f: {  	[sflag:s25] =	ssyncset.done $0x0  }
0x60: {  	[sflag:s25] =	ssyncadd.s32 $0xFFFFF800  }
0x61: {  	_ =	swait.ge [sflag:s25], $0x800  }
0x62: {  	[sflag:s25] =	ssyncset.done $0x0  }
0x63: {  	[sflag:s25] =	ssyncadd.s32 $0xFFFFF800  }
0x64: {  	_ =	swait.ge [sflag:s25], $0x800  }
0x65: {  	[sflag:s25] =	ssyncset.done $0x0  }
0x66: {  	[sflag:s25] =	ssyncadd.s32 $0xFFFFF800  }
0x67: {  	_ =	swait.ge [sflag:s25], $0x800  }
0x68: {  	[sflag:s25] =	ssyncset.done $0x0  }
0x69: {  	[sflag:s25] =	ssyncadd.s32 $0xFFFFF800  }
0x6a: {  	_ =	swait.ge [sflag:s25], $0x800  }
0x6b: {  	s31 =	simm.s32 $0x2000;
	s28 =	simm.s32 $0x400;
	[sflag:s25] =	ssyncset.done $0x0  }
.LBB2_2:
0x6c: {  	s0 =	sadd.s32 $0x2800, s28  }
0x6d: {  	[sflag:s25] =	ssyncadd.s32 $0xFFFFF800;
	s30 =	smov.u32 s31;
	s29 =	sadd.s32 $0x1000, s31  }
0x6e: {  	[tilespmem:s15], [sflag:$0x1] =	stream.indirect.gather [hbm4b:s5+s14], $0x10, s0, s14, $0xb8;
	[tilespmem:$0x10800] =	vst v63  }
0x6f: {  	p0 =	sne.s32 s31, $0x13000;
	s0 =	sadd.s32 $0x2880, s28  }
0x70: {  	[tilespmem:s16], [sflag:$0x1] =	stream.indirect.gather [hbm4b:s5+s14], $0x10, s0, s14, $0xb8;
	[tilespmem:$0x10800] =	vst v63  }
0x71: {  	s0 =	sadd.s32 $0x2900, s28  }
0x72: {  	[tilespmem:s17], [sflag:$0x1] =	stream.indirect.gather [hbm4b:s5+s14], $0x10, s0, s14, $0xb8;
	[tilespmem:$0x10800] =	vst v63  }
0x73: {  	s0 =	sadd.s32 $0x2980, s28  }
0x74: {  	[tilespmem:s18], [sflag:$0x1] =	stream.indirect.gather [hbm4b:s5+s14], $0x10, s0, s14, $0xb8;
	[tilespmem:$0x10800] =	vst v63  }
0x75: {  	s0 =	sadd.s32 $0x2A00, s28  }
0x76: {  	[tilespmem:s19], [sflag:$0x1] =	stream.indirect.gather [hbm4b:s5+s14], $0x10, s0, s14, $0xb8;
	[tilespmem:$0x10800] =	vst v63  }
0x77: {  	s0 =	sadd.s32 $0x2A80, s28  }
0x78: {  	[tilespmem:s20], [sflag:$0x1] =	stream.indirect.gather [hbm4b:s5+s14], $0x10, s0, s14, $0xb8;
	[tilespmem:$0x10800] =	vst v63  }
0x79: {  	s0 =	sadd.s32 $0x2B00, s28  }
0x7a: {  	[tilespmem:s21], [sflag:$0x1] =	stream.indirect.gather [hbm4b:s5+s14], $0x10, s0, s14, $0xb8;
	[tilespmem:$0x10800] =	vst v63  }
0x7b: {  	s0 =	sadd.s32 $0x2B80, s28  }
0x7c: {  	[tilespmem:s22], [sflag:$0x1] =	stream.indirect.gather [hbm4b:s5+s14], $0x10, s0, s14, $0xb8;
	[tilespmem:$0x10800] =	vst v63  }
0x7d: {  	_ =	swait.ge [sflag:s23], $0x800  }
0x7e: {  	[sflag:s23] =	ssyncset.done $0x0  }
0x7f: {  	[sflag:s23] =	ssyncadd.s32 $0xFFFFF800  }
0x80: {  	_ =	swait.ge [sflag:s23], $0x800  }
0x81: {  	[sflag:s23] =	ssyncset.done $0x0  }
0x82: {  	[sflag:s23] =	ssyncadd.s32 $0xFFFFF800  }
0x83: {  	_ =	swait.ge [sflag:s23], $0x800  }
0x84: {  	[sflag:s23] =	ssyncset.done $0x0  }
0x85: {  	[sflag:s23] =	ssyncadd.s32 $0xFFFFF800  }
0x86: {  	_ =	swait.ge [sflag:s23], $0x800  }
0x87: {  	[sflag:s23] =	ssyncset.done $0x0  }
0x88: {  	[sflag:s23] =	ssyncadd.s32 $0xFFFFF800  }
0x89: {  	_ =	swait.ge [sflag:s23], $0x800  }
0x8a: {  	[sflag:s23] =	ssyncset.done $0x0  }
0x8b: {  	[sflag:s23] =	ssyncadd.s32 $0xFFFFF800  }
0x8c: {  	_ =	swait.ge [sflag:s23], $0x800  }
0x8d: {  	[sflag:s23] =	ssyncset.done $0x0  }
0x8e: {  	[sflag:s23] =	ssyncadd.s32 $0xFFFFF800  }
0x8f: {  	_ =	swait.ge [sflag:s23], $0x800  }
0x90: {  	[sflag:s23] =	ssyncset.done $0x0  }
0x91: {  	[sflag:s23] =	ssyncadd.s32 $0xFFFFF800  }
0x92: {  	_ =	swait.ge [sflag:s23], $0x800  }
0x93: {  	[sflag:s23] =	ssyncset.done $0x0  }
0x94: {  	s0 =	sadd.s32 $0x7800, s28;
	[sflag:s23] =	ssyncadd.s32 $0xFFFFF800  }
0x95: {  	[spmem:s3] =	stream.indirect.scatter.add.f32 [tilespmem:s15], [sflag:$0x2], $0x10, s0, s14, $0xb8;
	[tilespmem:$0x10800] =	vst v63  }
0x96: {  	s0 =	sadd.s32 $0x7880, s28  }
0x97: {  	[spmem:s3] =	stream.indirect.scatter.add.f32 [tilespmem:s16], [sflag:$0x2], $0x10, s0, s14, $0xb8;
	[tilespmem:$0x10800] =	vst v63  }
0x98: {  	s0 =	sadd.s32 $0x7900, s28  }
0x99: {  	[spmem:s3] =	stream.indirect.scatter.add.f32 [tilespmem:s17], [sflag:$0x2], $0x10, s0, s14, $0xb8;
	[tilespmem:$0x10800] =	vst v63  }
0x9a: {  	s0 =	sadd.s32 $0x7980, s28  }
0x9b: {  	[spmem:s3] =	stream.indirect.scatter.add.f32 [tilespmem:s18], [sflag:$0x2], $0x10, s0, s14, $0xb8;
	[tilespmem:$0x10800] =	vst v63  }
0x9c: {  	s0 =	sadd.s32 $0x7A00, s28  }
0x9d: {  	[spmem:s3] =	stream.indirect.scatter.add.f32 [tilespmem:s19], [sflag:$0x2], $0x10, s0, s14, $0xb8;
	[tilespmem:$0x10800] =	vst v63  }
0x9e: {  	s0 =	sadd.s32 $0x7A80, s28  }
0x9f: {  	[spmem:s3] =	stream.indirect.scatter.add.f32 [tilespmem:s20], [sflag:$0x2], $0x10, s0, s14, $0xb8;
	[tilespmem:$0x10800] =	vst v63  }
0xa0: {  	s0 =	sadd.s32 $0x7B00, s28  }
0xa1: {  	[spmem:s3] =	stream.indirect.scatter.add.f32 [tilespmem:s21], [sflag:$0x2], $0x10, s0, s14, $0xb8;
	[tilespmem:$0x10800] =	vst v63  }
0xa2: {  	s0 =	sadd.s32 $0x7B80, s28  }
0xa3: {  	[spmem:s3] =	stream.indirect.scatter.add.f32 [tilespmem:s22], [sflag:$0x2], $0x10, s0, s14, $0xb8;
	[tilespmem:$0x10800] =	vst v63  }
0xa4: {  	_ =	swait.ge [sflag:s25], $0x800  }
0xa5: {  	[sflag:s25] =	ssyncset.done $0x0  }
0xa6: {  	[sflag:s25] =	ssyncadd.s32 $0xFFFFF800  }
0xa7: {  	_ =	swait.ge [sflag:s25], $0x800  }
0xa8: {  	[sflag:s25] =	ssyncset.done $0x0  }
0xa9: {  	[sflag:s25] =	ssyncadd.s32 $0xFFFFF800  }
0xaa: {  	_ =	swait.ge [sflag:s25], $0x800  }
0xab: {  	[sflag:s25] =	ssyncset.done $0x0  }
0xac: {  	[sflag:s25] =	ssyncadd.s32 $0xFFFFF800  }
0xad: {  	_ =	swait.ge [sflag:s25], $0x800  }
0xae: {  	[sflag:s25] =	ssyncset.done $0x0  }
0xaf: {  	[sflag:s25] =	ssyncadd.s32 $0xFFFFF800  }
0xb0: {  	_ =	swait.ge [sflag:s25], $0x800  }
0xb1: {  	[sflag:s25] =	ssyncset.done $0x0  }
0xb2: {  	[sflag:s25] =	ssyncadd.s32 $0xFFFFF800  }
0xb3: {  	_ =	swait.ge [sflag:s25], $0x800  }
0xb4: {  	[sflag:s25] =	ssyncset.done $0x0  }
0xb5: {  	[sflag:s25] =	ssyncadd.s32 $0xFFFFF800  }
.Ltmp0:
0xb6: {  	_ =	swait.ge [sflag:s25], $0x800;
	(pc) =	sbr.rel @p0 .LBB2_2-.Ltmp0, $4  }
0xb7: {  	[sflag:s25] =	ssyncset.done $0x0  }
0xb8: {  	[sflag:s25] =	ssyncadd.s32 $0xFFFFF800  }
0xb9: {  	_ =	swait.ge [sflag:s25], $0x800  }
0xba: {  	s31 =	smov.u32 s29;
	s28 =	sshra.s32 s30, $0x2;
	[sflag:s25] =	ssyncset.done $0x0  }
0xbb: {  	s0 =	sadd.s32 $0x2800, s28;
	[sflag:s25] =	ssyncadd.s32 $0xFFFFF800  }
0xbc: {  	[tilespmem:s15], [sflag:$0x1] =	stream.indirect.gather [hbm4b:s5+s14], $0x10, s0, s14, $0xb8;
	[tilespmem:$0x10800] =	vst v63  }
0xbd: {  	s29 =	sadd.s32 $0x2880, s28  }
0xbe: {  	[tilespmem:s16], [sflag:$0x1] =	stream.indirect.gather [hbm4b:s5+s14], $0x10, s29, s14, $0xb8;
	[tilespmem:$0x10800] =	vst v63  }
0xbf: {  	s30 =	sadd.s32 $0x2900, s28  }
0xc0: {  	[tilespmem:s17], [sflag:$0x1] =	stream.indirect.gather [hbm4b:s5+s14], $0x10, s30, s14, $0xb8;
	[tilespmem:$0x10800] =	vst v63  }
0xc1: {  	s31 =	sadd.s32 $0x2980, s28  }
0xc2: {  	[tilespmem:s18], [sflag:$0x1] =	stream.indirect.gather [hbm4b:s5+s14], $0x10, s31, s14, $0xb8;
	[tilespmem:$0x10800] =	vst v63  }
0xc3: {  	s29 =	sadd.s32 $0x2A00, s28  }
0xc4: {  	[tilespmem:s19], [sflag:$0x1] =	stream.indirect.gather [hbm4b:s5+s14], $0x10, s29, s14, $0xb8;
	[tilespmem:$0x10800] =	vst v63  }
0xc5: {  	s30 =	sadd.s32 $0x2A80, s28  }
0xc6: {  	[tilespmem:s20], [sflag:$0x1] =	stream.indirect.gather [hbm4b:s5+s14], $0x10, s30, s14, $0xb8;
	[tilespmem:$0x10800] =	vst v63  }
0xc7: {  	s31 =	sadd.s32 $0x2B00, s28  }
0xc8: {  	[tilespmem:s21], [sflag:$0x1] =	stream.indirect.gather [hbm4b:s5+s14], $0x10, s31, s14, $0xb8;
	[tilespmem:$0x10800] =	vst v63  }
0xc9: {  	s29 =	sadd.s32 $0x2B80, s28  }
0xca: {  	[tilespmem:s22], [sflag:$0x1] =	stream.indirect.gather [hbm4b:s5+s14], $0x10, s29, s14, $0xb8;
	[tilespmem:$0x10800] =	vst v63  }
0xcb: {  	_ =	swait.ge [sflag:s23], $0x800  }
0xcc: {  	[sflag:s23] =	ssyncset.done $0x0  }
0xcd: {  	[sflag:s23] =	ssyncadd.s32 $0xFFFFF800  }
0xce: {  	_ =	swait.ge [sflag:s23], $0x800  }
0xcf: {  	[sflag:s23] =	ssyncset.done $0x0  }
0xd0: {  	[sflag:s23] =	ssyncadd.s32 $0xFFFFF800  }
0xd1: {  	_ =	swait.ge [sflag:s23], $0x800  }
0xd2: {  	[sflag:s23] =	ssyncset.done $0x0  }
0xd3: {  	[sflag:s23] =	ssyncadd.s32 $0xFFFFF800  }
0xd4: {  	_ =	swait.ge [sflag:s23], $0x800  }
0xd5: {  	[sflag:s23] =	ssyncset.done $0x0  }
0xd6: {  	[sflag:s23] =	ssyncadd.s32 $0xFFFFF800  }
0xd7: {  	_ =	swait.ge [sflag:s23], $0x800  }
0xd8: {  	[sflag:s23] =	ssyncset.done $0x0  }
0xd9: {  	[sflag:s23] =	ssyncadd.s32 $0xFFFFF800  }
0xda: {  	_ =	swait.ge [sflag:s23], $0x800  }
0xdb: {  	[sflag:s23] =	ssyncset.done $0x0  }
0xdc: {  	[sflag:s23] =	ssyncadd.s32 $0xFFFFF800  }
0xdd: {  	_ =	swait.ge [sflag:s23], $0x800  }
0xde: {  	[sflag:s23] =	ssyncset.done $0x0  }
0xdf: {  	[sflag:s23] =	ssyncadd.s32 $0xFFFFF800  }
0xe0: {  	_ =	swait.ge [sflag:s23], $0x800  }
0xe1: {  	[sflag:s23] =	ssyncset.done $0x0  }
0xe2: {  	s30 =	sadd.s32 $0x7800, s28;
	[sflag:s23] =	ssyncadd.s32 $0xFFFFF800  }
0xe3: {  	[spmem:s3] =	stream.indirect.scatter.add.f32 [tilespmem:s15], [sflag:$0x2], $0x10, s30, s14, $0xb8;
	[tilespmem:$0x10800] =	vst v63  }
0xe4: {  	s31 =	sadd.s32 $0x7880, s28  }
0xe5: {  	[spmem:s3] =	stream.indirect.scatter.add.f32 [tilespmem:s16], [sflag:$0x2], $0x10, s31, s14, $0xb8;
	[tilespmem:$0x10800] =	vst v63  }
0xe6: {  	s29 =	sadd.s32 $0x7900, s28  }
0xe7: {  	[spmem:s3] =	stream.indirect.scatter.add.f32 [tilespmem:s17], [sflag:$0x2], $0x10, s29, s14, $0xb8;
	[tilespmem:$0x10800] =	vst v63  }
0xe8: {  	s30 =	sadd.s32 $0x7980, s28  }
0xe9: {  	[spmem:s3] =	stream.indirect.scatter.add.f32 [tilespmem:s18], [sflag:$0x2], $0x10, s30, s14, $0xb8;
	[tilespmem:$0x10800] =	vst v63  }
0xea: {  	s31 =	sadd.s32 $0x7A00, s28  }
0xeb: {  	[spmem:s3] =	stream.indirect.scatter.add.f32 [tilespmem:s19], [sflag:$0x2], $0x10, s31, s14, $0xb8;
	[tilespmem:$0x10800] =	vst v63  }
0xec: {  	s29 =	sadd.s32 $0x7A80, s28  }
0xed: {  	[spmem:s3] =	stream.indirect.scatter.add.f32 [tilespmem:s20], [sflag:$0x2], $0x10, s29, s14, $0xb8;
	[tilespmem:$0x10800] =	vst v63  }
0xee: {  	s30 =	sadd.s32 $0x7B00, s28  }
0xef: {  	[spmem:s3] =	stream.indirect.scatter.add.f32 [tilespmem:s21], [sflag:$0x2], $0x10, s30, s14, $0xb8;
	[tilespmem:$0x10800] =	vst v63  }
0xf0: {  	s31 =	sadd.s32 $0x7B80, s28  }
0xf1: {  	[spmem:s3] =	stream.indirect.scatter.add.f32 [tilespmem:s22], [sflag:$0x2], $0x10, s31, s14, $0xb8;
	[tilespmem:$0x10800] =	vst v63  }
0xf2: {  	_ =	swait.ge [sflag:s25], $0x800  }
0xf3: {  	[sflag:s25] =	ssyncset.done $0x0  }
0xf4: {  	[sflag:s25] =	ssyncadd.s32 $0xFFFFF800  }
0xf5: {  	_ =	swait.ge [sflag:s25], $0x800  }
0xf6: {  	[sflag:s25] =	ssyncset.done $0x0  }
0xf7: {  	[sflag:s25] =	ssyncadd.s32 $0xFFFFF800  }
0xf8: {  	_ =	swait.ge [sflag:s25], $0x800  }
0xf9: {  	[sflag:s25] =	ssyncset.done $0x0  }
0xfa: {  	[sflag:s25] =	ssyncadd.s32 $0xFFFFF800  }
0xfb: {  	_ =	swait.ge [sflag:s25], $0x800  }
0xfc: {  	[sflag:s25] =	ssyncset.done $0x0  }
0xfd: {  	[sflag:s25] =	ssyncadd.s32 $0xFFFFF800  }
0xfe: {  	_ =	swait.ge [sflag:s25], $0x800  }
0xff: {  	[sflag:s25] =	ssyncset.done $0x0  }
0x100: {  	[sflag:s25] =	ssyncadd.s32 $0xFFFFF800  }
0x101: {  	_ =	swait.ge [sflag:s25], $0x800  }
0x102: {  	[sflag:s25] =	ssyncset.done $0x0  }
0x103: {  	[sflag:s25] =	ssyncadd.s32 $0xFFFFF800  }
0x104: {  	_ =	swait.ge [sflag:s25], $0x800  }
0x105: {  	[sflag:s25] =	ssyncset.done $0x0  }
0x106: {  	[sflag:s25] =	ssyncadd.s32 $0xFFFFF800  }
0x107: {  	_ =	swait.ge [sflag:s25], $0x800  }
0x108: {  	s26 =	sadd.s32 $0x1, s26;
	[sflag:s25] =	ssyncset.done $0x0  }
0x109: {  	p0 =	sne.s32 s26, s9;
	[sflag:s25] =	ssyncadd.s32 $0xFFFFF800  }
.Ltmp1:
0x10a: {  	[bflag:$0x0] =	sbarrier.arrive $0xFFFF;
	(pc) =	sbr.rel @p0 .LBB2_1-.Ltmp1, $4  }
0x10b: {  	[hbm:s24], [sflag:s6] =	dma.local [spmem:s10], $0x500  }
0x10c: {  	_ =	swait.ge [sflag:s11], $0x500  }
0x10d: {  	[sflag:s11] =	ssyncset.done $0x0  }
0x10e: {  	[sflag:s11] =	ssyncadd.s32 $0xFFFFFB00  }
0x10f: {  	_ =	sfence.sel $0x180000  }
0x110: {  	[bflag:$0x0] =	sbarrier.arrive $0xFFFF  }
0x111: {  	_ =	strace $0x9000004A  }
0x112: {  	[bflag:$0x2] =	sbarrier.arrive $0xFFFF  }
0x113: {  	p0 =	sne.s32 s1, $0x0;
	s0 =	rddreg [dreg:$0x3]  }
0x114: {  	s0 =	sadd.s32 @!p0 $0x100000, s0  }
0x115: {  	[sflag:s0] =	ssyncadd.tile.s32 @!p0 $0x1;
	_ =	shalt  }
.Lfunc_end2:
_tile_overlayer_lowered:
.L_overlay_start_2:
0x116: {  	(tag) =	ssettag $0x2  }
0x117: {  	s0 =	rddreg [dreg:$0x0];
	s2 =	stileid.u32  }
0x118: {  	s1 =	rddreg [dreg:$0x1];
	p0 =	sne.s32 s2, $0x0  }
0x119: {  	s3 =	rddreg [dreg:$0x2];
	[bflag:$0x3] =	sbarrier.arrive $0xFFFF;
	s2 =	simm.s32 @!p0 $0x1C03  }
0x11a: {  	[timem:s3], [sflag:s2] =	dma.local @!p0 [hbm:s0], s1  }
0x11b: {  	s0 =	simm.s32 @!p0 $0x3  }
0x11c: {  	_ =	swait.ge @!p0 [sflag:s0], s1  }
0x11d: {  	s1 =	ssub.s32 @!p0 $0x0, s1;
	[sflag:s0] =	ssyncset.done @!p0 $0x0  }
0x11e: {  	[sflag:s0] =	ssyncadd.s32 @!p0 s1  }
0x11f: {  	[bflag:$0x3] =	sbarrier.arrive $0xFFFF  }
0x120: {  	_ =	shalt  }

// kernel: kernel.7.cloned.1.call-start
scs
__scs_entry_jumppad:
0x0: {  	(pc) =	sbr.rel $0x88, $3  }
0x1: {  	(tag) =	ssettag $0x0;
	lr =	simm.s32 $0x1  }
0x2: {  	[smem:$0x3F95] =	sst lr;
	_ =	strace $0xD0000000  }
0x3: {  	_ = 	snop  }
0x4: {  	_ = 	snop  }
0x5: {  	_ = 	snop  }
0x6: {  	_ = 	snop  }
0x7: {  	_ = 	snop  }
__scs_overlays_trampoline_lowered:
0x8: {  	[smem:$0x3FA4] =	sst s0  }
0x9: {  	[smem:$0x3FA5] =	sst s1  }
0xa: {  	[smem:$0x3FA6] =	sst s2  }
0xb: {  	[smem:$0x3FA7] =	sst s3  }
0xc: {  	[smem:$0x3FA8] =	sst s4  }
0xd: {  	[smem:$0x3FA9] =	sst s5  }
0xe: {  	[smem:$0x3FAA] =	sst s6  }
0xf: {  	[smem:$0x3FAB] =	sst s7  }
0x10: {  	[smem:$0x3FAC] =	sst s8  }
0x11: {  	[smem:$0x3FAD] =	sst s9;
	s0 =	simm.s32 @!p0 $0x0  }
0x12: {  	s1 =	sld [smem:$0x3F93];
	s0 =	simm.s32 @p0 $0x1  }
0x13: {  	[smem:$0x3FAE] =	sst s0;
	s0 =	simm.s32 @!p1 $0x0  }
0x14: {  	s2 =	sld [smem:$0x3F92];
	s0 =	simm.s32 @p1 $0x1  }
0x15: {  	[smem:$0x3FAF] =	sst s0;
	s0 =	simm.s32 @!p2 $0x0  }
0x16: {  	s3 =	sld [smem:$0x3FDB];
	s0 =	simm.s32 @p2 $0x1  }
0x17: {  	s4 =	simm.s32 $0x1BF5;
	[smem:$0x3FB1] =	sst s0  }
0x18: {  	s0 =	sld [smem:$0x3F94];
	_ =	swait.ge [sflag:s4], $0x0  }
0x19: {  	s7 =	sld [smem:$0x3F95]  }
0x1a: {  	s8 =	sadd.s32 $0xFFFFE003, lr  }
0x1b: {  	s9 =	sadd.s32 $0xFFFFFEF7, lr;
	s5 =	simm.s32 $0xFFFFFFFF;
	p2 =	slt.u32 s8, $0xFFFFF086  }
0x1c: {  	p1 =	slt.u32 s9, $0xF7A;
	s5 =	simm.s32 @!p2 $0x0  }
0x1d: {  	s5 =	simm.s32 @p1 $0x1;
	p0 =	seq.s32 s7, s2  }
0x1e: {  	s7 =	smul.u32 @!p0 $0xF7A, s2;
	p2 =	seq.s32 @!p0 s5, $0x0  }
0x1f: {  	s9 =	smul.u32 $0xF7A, s1;
	s8 =	simm.s32 @!p0 $0x1BF5;
	p2 =	por !p2, p0  }
0x20: {  	[sflag:s8] =	ssyncset.s32 @!p0 $0xFFFFF086;
	s6 =	sadd.s32 @!p0 s3, s7;
	s7 =	simm.s32 @!p0 $0x108  }
0x21: {  	s3 =	sadd.s32 s3, s9;
	s6 =	sadd.s32 @!p0 $0x88, s6;
	s7 =	simm.s32 @p2 $0x1082  }
0x22: {  	[simem:s7], [sflag:s8] =	dma.local @!p0 [hbm:s6], $0xF7A  }
0x23: {  	s9 =	sor.u32 $0xD0000000, s2;
	s6 =	simm.s32 $0x108;
	_ =	swait.ge @!p0 [sflag:s8], $0x0  }
0x24: {  	s3 =	sadd.s32 $0x88, s3;
	s6 =	simm.s32 @!p1 $0x1082;
	[sflag:s4] =	ssyncset.s32 $0xFFFFF086  }
0x25: {  	[simem:s6], [sflag:s4] =	dma.local [hbm:s3], $0xF7A  }
0x26: {  	[smem:$0x3F95] =	sst s1;
	(tag) =	ssettag s2;
	_ =	strace s9  }
0x27: {  	s1 =	sld [smem:$0x3FA5]  }
0x28: {  	s2 =	sld [smem:$0x3FA6]  }
0x29: {  	s4 =	sld [smem:$0x3FA8]  }
0x2a: {  	p0 =	seq.s32 s5, $0x0;
	s5 =	sld [smem:$0x3FA9]  }
0x2b: {  	s6 =	sld [smem:$0x3FAA]  }
0x2c: {  	s7 =	sld [smem:$0x3FAB]  }
0x2d: {  	s3 =	simm.s32 $0x108;
	s8 =	sld [smem:$0x3FAC]  }
0x2e: {  	s3 =	simm.s32 @!p0 $0x1082;
	s9 =	sld [smem:$0x3FAD]  }
0x2f: {  	lr =	sadd.s32 s0, s3;
	s0 =	sld [smem:$0x3FA4]  }
0x30: {  	s3 =	sld [smem:$0x3FA7]  }
0x31: {  	[smem:$0x3FB0] =	sst s10  }
0x32: {  	s10 =	sld [smem:$0x3FAE];
	_ =	sdelay $0x3  }
0x33: {  	p0 =	seq.s32 s10, $0x1;
	s10 =	sld [smem:$0x3FB0];
	_ =	sdelay $0x3  }
0x34: {  	[smem:$0x3FB0] =	sst s10  }
0x35: {  	s10 =	sld [smem:$0x3FAF];
	_ =	sdelay $0x3  }
0x36: {  	p1 =	seq.s32 s10, $0x1;
	s10 =	sld [smem:$0x3FB0];
	_ =	sdelay $0x3  }
0x37: {  	[smem:$0x3FB0] =	sst s10  }
0x38: {  	s10 =	sld [smem:$0x3FB1]  }
0x39: {  	_ = 	snop;
	(pc) =	sbr.ind lr, $3  }
0x3a: {  	_ = 	snop  }
0x3b: {  	_ = 	snop  }
0x3c: {  	p2 =	seq.s32 s10, $0x1;
	s10 =	sld [smem:$0x3FB0]  }
0x3d: {  	_ =	shalt  }
0x3e: {  	_ =	shalt  }
0x3f: {  	_ =	shalt  }
0x40: {  	_ =	shalt  }
0x41: {  	_ =	shalt  }
0x42: {  	_ =	shalt  }
0x43: {  	_ =	shalt  }
0x44: {  	_ =	shalt  }
0x45: {  	_ =	shalt  }
0x46: {  	_ =	shalt  }
0x47: {  	_ =	shalt  }
0x48: {  	_ =	shalt  }
0x49: {  	_ =	shalt  }
0x4a: {  	_ =	shalt  }
0x4b: {  	_ =	shalt  }
0x4c: {  	_ =	shalt  }
0x4d: {  	_ =	shalt  }
0x4e: {  	_ =	shalt  }
0x4f: {  	_ =	shalt  }
0x50: {  	_ =	shalt  }
0x51: {  	_ =	shalt  }
0x52: {  	_ =	shalt  }
0x53: {  	_ =	shalt  }
0x54: {  	_ =	shalt  }
0x55: {  	_ =	shalt  }
0x56: {  	_ =	shalt  }
0x57: {  	_ =	shalt  }
0x58: {  	_ =	shalt  }
0x59: {  	_ =	shalt  }
0x5a: {  	_ =	shalt  }
0x5b: {  	_ =	shalt  }
0x5c: {  	_ =	shalt  }
0x5d: {  	_ =	shalt  }
0x5e: {  	_ =	shalt  }
0x5f: {  	_ =	shalt  }
0x60: {  	_ =	shalt  }
0x61: {  	_ =	shalt  }
0x62: {  	_ =	shalt  }
0x63: {  	_ =	shalt  }
0x64: {  	_ =	shalt  }
0x65: {  	_ =	shalt  }
0x66: {  	_ =	shalt  }
0x67: {  	_ =	shalt  }
0x68: {  	_ =	shalt  }
0x69: {  	_ =	shalt  }
0x6a: {  	_ =	shalt  }
0x6b: {  	_ =	shalt  }
0x6c: {  	_ =	shalt  }
0x6d: {  	_ =	shalt  }
0x6e: {  	_ =	shalt  }
0x6f: {  	_ =	shalt  }
0x70: {  	_ =	shalt  }
0x71: {  	_ =	shalt  }
0x72: {  	_ =	shalt  }
0x73: {  	_ =	shalt  }
0x74: {  	_ =	shalt  }
0x75: {  	_ =	shalt  }
0x76: {  	_ =	shalt  }
0x77: {  	_ =	shalt  }
0x78: {  	_ =	shalt  }
0x79: {  	_ =	shalt  }
0x7a: {  	_ =	shalt  }
0x7b: {  	_ =	shalt  }
0x7c: {  	_ =	shalt  }
0x7d: {  	_ =	shalt  }
0x7e: {  	_ =	shalt  }
0x7f: {  	_ =	shalt  }
0x80: {  	_ =	shalt  }
0x81: {  	_ =	shalt  }
0x82: {  	_ =	shalt  }
0x83: {  	_ =	shalt  }
0x84: {  	_ =	shalt  }
0x85: {  	_ =	shalt  }
0x86: {  	_ =	shalt  }
0x87: {  	_ =	shalt  }
.Lfunc_end0:
.L_simem_size_0:
called_computation_lowered:
.L_overlay_start_0:
0x88: {  	s2 =	sld [smem:$0x3FD9]  }
0x89: {  	s3 =	sld [smem:$0x3FFE];
	_ =	sdelay $0x1  }
0x8a: {  	s1 =	srdreg.scid  }
0x8b: {  	s0 =	sand.u32 $0x1, s1  }
0x8c: {  	s17 =	sshll.u32 s0, $0xA;
	s2 =	sadd.s32 s3, s2  }
0x8d: {  	s2 =	sadd.s32 s2, s17  }
0x8e: {  	[smem:$0x3FBC] =	sst s2  }
0x8f: {  	_ = 	snop  }
0x90: {  	s2 =	sld [smem:$0x3FD0];
	(tm) =	ssettm $0x1  }
0x91: {  	s18 =	sld [smem:$0x3FFB];
	_ =	sdelay $0x3  }
0x92: {  	_ =	strace s18  }
0x93: {  	s3 =	sld [smem:$0x3FFC];
	_ =	sdelay $0x3  }
0x94: {  	_ =	strace s3  }
0x95: {  	s3 =	sld [smem:$0x3FFD];
	_ =	sdelay $0x3  }
0x96: {  	_ =	strace s3  }
0x97: {  	_ =	strace $0x8FFFFFFF  }
0x98: {  	s19 =	sld [smem:$0x3FDB];
	_ =	sdelay $0x1  }
0x99: {  	s4 =	simm.s32 $_scs_section_size  }
0x9a: {  	s5 =	simm.s32 $_size__tile_overlayer_lowered;
	s6 =	simm.s32 $_tile_overlayer_lowered  }
0x9b: {  	s22 =	simm.s32 $0x1BFF;
	s21 =	sshll.u32 s6, $0x1;
	s3 =	sadd.s32 s4, s19  }
0x9c: {  	s7 =	simm.s32 $0x0;
	s20 =	sshll.u32 s5, $0x1;
	s5 =	sadd.s32 s21, s3  }
0x9d: {  	[timem:s7], [sflag:s22] =	dma.local [hbm:s5], s20  }
0x9e: {  	_ =	swait.ge [sflag:s22], s20  }
0x9f: {  	s4 =	ssub.s32 $0x0, s20;
	[sflag:s22] =	ssyncset.done $0x0  }
0xa0: {  	[sflag:s22] =	ssyncadd.s32 s4;
	_ =	sdelay $0x1  }
0xa1: {  	s23 =	simm.s32 $0x1B8B  }
0xa2: {  	_ =	swait.ge [sflag:s23], $0x1  }
0xa3: {  	[sflag:s23] =	ssyncset.done $0x0  }
0xa4: {  	s25 =	simm.s32 $0x1B8E;
	s24 =	sld [smem:$0x3FFE];
	[sflag:s23] =	ssyncadd.s32 $0xFFFFFFFF  }
0xa5: {  	s26 =	simm.s32 $execute0_lowered;
	[smem:$0x3FD2] =	sst s25  }
0xa6: {  	s5 =	sshll.u32 s26, $0x1;
	_ =	strace $0x80000046;
	[dreg:$0x1] =	wrdreg $0xFFFFFFFF  }
0xa7: {  	s28 =	simm.s32 $_size_execute0_lowered;
	s3 =	sadd.s32 s3, s5;
	[dreg:$0x0] =	wrdreg $0x0  }
0xa8: {  	s5 =	sshll.u32 s28, $0x1;
	[dreg:$0x2] =	wrdreg s3  }
0xa9: {  	[dreg:$0x3] =	wrdreg s5  }
0xaa: {  	[dreg:$0x4] =	wrdreg $0xC0  }
0xab: {  	_ =	task [dreg:s7], $0x5FFFF  }
0xac: {  	[dreg:$0x1] =	wrdreg $0xFFFFFFFF  }
0xad: {  	[dreg:$0x0] =	wrdreg $0x60  }
0xae: {  	[dreg:$0x2] =	wrdreg s24  }
0xaf: {  	[dreg:$0x3] =	wrdreg s2  }
0xb0: {  	[dreg:$0x4] =	wrdreg $0x0  }
0xb1: {  	[dreg:$0x5] =	wrdreg $0x9  }
0xb2: {  	_ =	task.clear_ibuf [dreg:s7], $0x6FFFF;
	_ =	strace $0x90000046  }
0xb3: {  	s29 =	simm.s32 $0x9;
	_ =	strace $0x80000048  }
0xb4: {  	_ =	swait.ge [sflag:s29], $0x1  }
0xb5: {  	[sflag:s29] =	ssyncadd.s32 $0xFFFFFFFF  }
0xb6: {  	_ =	strace $0x90000048  }
0xb7: {  	_ =	sfence  }
0xb8: {  	s30 =	sld [smem:$0x0];
	_ =	sdelay $0x2  }
0xb9: {  	s31 =	sshll.u32 s1, $0xD;
	s1 =	sshrl.u32 s1, $0x2  }
0xba: {  	s3 =	sand.u32 $0x4000, s31;
	s1 =	sadd.s32 s1, s30  }
0xbb: {  	s0 =	sor.u32 s3, s0;
	s1 =	sshll.u32 s1, $0x11  }
0xbc: {  	s0 =	sor.u32 s1, s0  }
0xbd: {  	s0 =	sadd.s32 $0x8F2B, s0  }
0xbe: {  	[sflag:s0] =	ssyncadd.remote.s32 $0x1  }
0xbf: {  	_ =	sfence.sel $0xFFFF  }
0xc0: {  	[dreg:$0x0] =	wrdreg $0xFFFFFFFF;
	(pc) =	sbr.abs _section_cstart, $3  }
0xc1: {  	[dreg:$0x1] =	wrdreg $0xFFFFFFFF  }
0xc2: {  	_ =	task.clear_ibuf [dreg:s7], $0x2FFFF;
	_ =	strace $0x9FFFFFFF  }
0xc3: {  	(tm) =	ssettm $0x7FFFFFFF  }
tec
execute0_lowered:
.L_overlay_start_1:
0x0: {  	(tag) =	ssettag $0x1  }
0x1: {  	s6 =	rddreg [dreg:$0x0]  }
0x2: {  	s2 =	rddreg [dreg:$0x1]  }
0x3: {  	s3 =	rddreg [dreg:$0x2]  }
0x4: {  	s5 =	srdreg.scid;
	s1 =	stileid.u32;
	s4 =	simm.s32 $0x0  }
0x5: {  	s13 =	simm.s32 $0x7800;
	s14 =	simm.s32 $0x80;
	s15 =	simm.s32 $0xC800  }
0x6: {  	s16 =	simm.s32 $0xD000;
	s17 =	simm.s32 $0xD800;
	s18 =	simm.s32 $0xE000  }
0x7: {  	s19 =	simm.s32 $0xE800;
	s20 =	simm.s32 $0xF000;
	s21 =	simm.s32 $0xF800  }
0x8: {  	s22 =	simm.s32 $0x10000;
	s23 =	simm.s32 $0x1;
	s26 =	simm.s32 $0x0  }
0x9: {  	s7 =	sand.u32 $0x1, s5;
	s30 =	sshll.u32 s1, $0x1;
	[smem:$0x7FF] =	sst s4  }
0xa: {  	s11 =	smul.u32 $0x2800, s1;
	s31 =	sshll.u32 s1, $0x6;
	s5 =	sor.u32 s7, s30  }
0xb: {  	_ =	strace $0x80000047;
	s9 =	smul.u32 $0x5000, s7;
	s7 =	ssub.s32 $0x2, s7  }
0xc: {  	s8 =	smul.u32 $0xA00, s5;
	s5 =	sadd.s32 $0x2600, s6;
	s10 =	sshrl.u32 s7, $0x1  }
0xd: {  	s12 =	sadd.s32 s11, s3;
	s25 =	sshrl.u32 s11, $0x3;
	s11 =	simm.s32 $0x3  }
0xe: {  	s9 =	sadd.s32 s9, s6;
	s10 =	ssub.s32 s7, s10;
	s8 =	sadd.s32 s8, s6  }
0xf: {  	s6 =	sor.u32 $0x1C03, s31;
	s24 =	sadd.s32 $0x2F600, s9;
	s9 =	smax.u32 s10, $0x1  }
0x10: {  	s10 =	sshrl.u32 s12, $0x3;
	s12 =	simm.s32 $0x2800;
	s7 =	sadd.s32 $0x7600, s8  }
0x11: {  	s8 =	sadd.s32 $0x1B600, s8;
	s24 =	sadd.s32 s25, s24;
	s25 =	simm.s32 $0x2  }
.LBB2_1:
0x12: {  	[spmem:s10], [sflag:s6] =	dma.local [hbm:s2], $0x500  }
0x13: {  	_ =	swait.ge [sflag:s11], $0x500  }
0x14: {  	[sflag:s11] =	ssyncset.done $0x0  }
0x15: {  	[sflag:s11] =	ssyncadd.s32 $0xFFFFFB00  }
0x16: {  	[bflag:$0x0] =	sbarrier.arrive $0xFFFF  }
0x17: {  	[tilespmem:s12], [sflag:$0x3] =	stream.linear.gather [hbm4b:s7+s4], $0x5000, $0x38;
	[tilespmem:$0x10800] =	vst v63  }
0x18: {  	_ =	swait.ge [sflag:s11], $0x5000  }
0x19: {  	[sflag:s11] =	ssyncset.done $0x0  }
0x1a: {  	[sflag:s11] =	ssyncadd.s32 $0xFFFFB000  }
0x1b: {  	[tilespmem:s13], [sflag:$0x3] =	stream.linear.gather [hbm4b:s8+s4], $0x5000, $0x38;
	[tilespmem:$0x10800] =	vst v63  }
0x1c: {  	_ =	swait.ge [sflag:s11], $0x5000  }
0x1d: {  	[sflag:s11] =	ssyncset.done $0x0  }
0x1e: {  	s28 =	simm.s32 $0x2800;
	[sflag:s11] =	ssyncadd.s32 $0xFFFFB000  }
0x1f: {  	[tilespmem:s15], [sflag:$0x1] =	stream.indirect.gather [hbm4b:s5+s14], $0x10, s28, s14, $0xb8;
	[tilespmem:$0x10800] =	vst v63  }
0x20: {  	s28 =	simm.s32 $0x2880  }
0x21: {  	[tilespmem:s16], [sflag:$0x1] =	stream.indirect.gather [hbm4b:s5+s14], $0x10, s28, s14, $0xb8;
	[tilespmem:$0x10800] =	vst v63  }
0x22: {  	s28 =	simm.s32 $0x2900  }
0x23: {  	[tilespmem:s17], [sflag:$0x1] =	stream.indirect.gather [hbm4b:s5+s14], $0x10, s28, s14, $0xb8;
	[tilespmem:$0x10800] =	vst v63  }
0x24: {  	s28 =	simm.s32 $0x2980  }
0x25: {  	[tilespmem:s18], [sflag:$0x1] =	stream.indirect.gather [hbm4b:s5+s14], $0x10, s28, s14, $0xb8;
	[tilespmem:$0x10800] =	vst v63  }
0x26: {  	s28 =	simm.s32 $0x2A00  }
0x27: {  	[tilespmem:s19], [sflag:$0x1] =	stream.indirect.gather [hbm4b:s5+s14], $0x10, s28, s14, $0xb8;
	[tilespmem:$0x10800] =	vst v63  }
0x28: {  	s28 =	simm.s32 $0x2A80  }
0x29: {  	[tilespmem:s20], [sflag:$0x1] =	stream.indirect.gather [hbm4b:s5+s14], $0x10, s28, s14, $0xb8;
	[tilespmem:$0x10800] =	vst v63  }
0x2a: {  	s28 =	simm.s32 $0x2B00  }
0x2b: {  	[tilespmem:s21], [sflag:$0x1] =	stream.indirect.gather [hbm4b:s5+s14], $0x10, s28, s14, $0xb8;
	[tilespmem:$0x10800] =	vst v63  }
0x2c: {  	s28 =	simm.s32 $0x2B80  }
0x2d: {  	[tilespmem:s22], [sflag:$0x1] =	stream.indirect.gather [hbm4b:s5+s14], $0x10, s28, s14, $0xb8;
	[tilespmem:$0x10800] =	vst v63  }
0x2e: {  	_ =	swait.ge [sflag:s23], $0x800  }
0x2f: {  	[sflag:s23] =	ssyncset.done $0x0  }
0x30: {  	[sflag:s23] =	ssyncadd.s32 $0xFFFFF800  }
0x31: {  	_ =	swait.ge [sflag:s23], $0x800  }
0x32: {  	[sflag:s23] =	ssyncset.done $0x0  }
0x33: {  	[sflag:s23] =	ssyncadd.s32 $0xFFFFF800  }
0x34: {  	_ =	swait.ge [sflag:s23], $0x800  }
0x35: {  	[sflag:s23] =	ssyncset.done $0x0  }
0x36: {  	[sflag:s23] =	ssyncadd.s32 $0xFFFFF800  }
0x37: {  	_ =	swait.ge [sflag:s23], $0x800  }
0x38: {  	[sflag:s23] =	ssyncset.done $0x0  }
0x39: {  	[sflag:s23] =	ssyncadd.s32 $0xFFFFF800  }
0x3a: {  	_ =	swait.ge [sflag:s23], $0x800  }
0x3b: {  	[sflag:s23] =	ssyncset.done $0x0  }
0x3c: {  	[sflag:s23] =	ssyncadd.s32 $0xFFFFF800  }
0x3d: {  	_ =	swait.ge [sflag:s23], $0x800  }
0x3e: {  	[sflag:s23] =	ssyncset.done $0x0  }
0x3f: {  	[sflag:s23] =	ssyncadd.s32 $0xFFFFF800  }
0x40: {  	_ =	swait.ge [sflag:s23], $0x800  }
0x41: {  	[sflag:s23] =	ssyncset.done $0x0  }
0x42: {  	[sflag:s23] =	ssyncadd.s32 $0xFFFFF800  }
0x43: {  	_ =	swait.ge [sflag:s23], $0x800  }
0x44: {  	[sflag:s23] =	ssyncset.done $0x0  }
0x45: {  	s28 =	simm.s32 $0x7800;
	[sflag:s23] =	ssyncadd.s32 $0xFFFFF800  }
0x46: {  	[spmem:s3] =	stream.indirect.scatter.add.f32 [tilespmem:s15], [sflag:$0x2], $0x10, s28, s14, $0xb8;
	[tilespmem:$0x10800] =	vst v63  }
0x47: {  	s28 =	simm.s32 $0x7880  }
0x48: {  	[spmem:s3] =	stream.indirect.scatter.add.f32 [tilespmem:s16], [sflag:$0x2], $0x10, s28, s14, $0xb8;
	[tilespmem:$0x10800] =	vst v63  }
0x49: {  	s28 =	simm.s32 $0x7900  }
0x4a: {  	[spmem:s3] =	stream.indirect.scatter.add.f32 [tilespmem:s17], [sflag:$0x2], $0x10, s28, s14, $0xb8;
	[tilespmem:$0x10800] =	vst v63  }
0x4b: {  	s28 =	simm.s32 $0x7980  }
0x4c: {  	[spmem:s3] =	stream.indirect.scatter.add.f32 [tilespmem:s18], [sflag:$0x2], $0x10, s28, s14, $0xb8;
	[tilespmem:$0x10800] =	vst v63  }
0x4d: {  	s28 =	simm.s32 $0x7A00  }
0x4e: {  	[spmem:s3] =	stream.indirect.scatter.add.f32 [tilespmem:s19], [sflag:$0x2], $0x10, s28, s14, $0xb8;
	[tilespmem:$0x10800] =	vst v63  }
0x4f: {  	s28 =	simm.s32 $0x7A80  }
0x50: {  	[spmem:s3] =	stream.indirect.scatter.add.f32 [tilespmem:s20], [sflag:$0x2], $0x10, s28, s14, $0xb8;
	[tilespmem:$0x10800] =	vst v63  }
0x51: {  	s28 =	simm.s32 $0x7B00  }
0x52: {  	[spmem:s3] =	stream.indirect.scatter.add.f32 [tilespmem:s21], [sflag:$0x2], $0x10, s28, s14, $0xb8;
	[tilespmem:$0x10800] =	vst v63  }
0x53: {  	s28 =	simm.s32 $0x7B80  }
0x54: {  	[spmem:s3] =	stream.indirect.scatter.add.f32 [tilespmem:s22], [sflag:$0x2], $0x10, s28, s14, $0xb8;
	[tilespmem:$0x10800] =	vst v63  }
0x55: {  	_ =	swait.ge [sflag:s25], $0x800  }
0x56: {  	[sflag:s25] =	ssyncset.done $0x0  }
0x57: {  	[sflag:s25] =	ssyncadd.s32 $0xFFFFF800  }
0x58: {  	_ =	swait.ge [sflag:s25], $0x800  }
0x59: {  	[sflag:s25] =	ssyncset.done $0x0  }
0x5a: {  	[sflag:s25] =	ssyncadd.s32 $0xFFFFF800  }
0x5b: {  	_ =	swait.ge [sflag:s25], $0x800  }
0x5c: {  	[sflag:s25] =	ssyncset.done $0x0  }
0x5d: {  	[sflag:s25] =	ssyncadd.s32 $0xFFFFF800  }
0x5e: {  	_ =	swait.ge [sflag:s25], $0x800  }
0x5f: {  	[sflag:s25] =	ssyncset.done $0x0  }
0x60: {  	[sflag:s25] =	ssyncadd.s32 $0xFFFFF800  }
0x61: {  	_ =	swait.ge [sflag:s25], $0x800  }
0x62: {  	[sflag:s25] =	ssyncset.done $0x0  }
0x63: {  	[sflag:s25] =	ssyncadd.s32 $0xFFFFF800  }
0x64: {  	_ =	swait.ge [sflag:s25], $0x800  }
0x65: {  	[sflag:s25] =	ssyncset.done $0x0  }
0x66: {  	[sflag:s25] =	ssyncadd.s32 $0xFFFFF800  }
0x67: {  	_ =	swait.ge [sflag:s25], $0x800  }
0x68: {  	[sflag:s25] =	ssyncset.done $0x0  }
0x69: {  	[sflag:s25] =	ssyncadd.s32 $0xFFFFF800  }
0x6a: {  	_ =	swait.ge [sflag:s25], $0x800  }
0x6b: {  	s31 =	simm.s32 $0x2000;
	s28 =	simm.s32 $0x400;
	[sflag:s25] =	ssyncset.done $0x0  }
.LBB2_2:
0x6c: {  	s0 =	sadd.s32 $0x2800, s28  }
0x6d: {  	[sflag:s25] =	ssyncadd.s32 $0xFFFFF800;
	s30 =	smov.u32 s31;
	s29 =	sadd.s32 $0x1000, s31  }
0x6e: {  	[tilespmem:s15], [sflag:$0x1] =	stream.indirect.gather [hbm4b:s5+s14], $0x10, s0, s14, $0xb8;
	[tilespmem:$0x10800] =	vst v63  }
0x6f: {  	p0 =	sne.s32 s31, $0x13000;
	s0 =	sadd.s32 $0x2880, s28  }
0x70: {  	[tilespmem:s16], [sflag:$0x1] =	stream.indirect.gather [hbm4b:s5+s14], $0x10, s0, s14, $0xb8;
	[tilespmem:$0x10800] =	vst v63  }
0x71: {  	s0 =	sadd.s32 $0x2900, s28  }
0x72: {  	[tilespmem:s17], [sflag:$0x1] =	stream.indirect.gather [hbm4b:s5+s14], $0x10, s0, s14, $0xb8;
	[tilespmem:$0x10800] =	vst v63  }
0x73: {  	s0 =	sadd.s32 $0x2980, s28  }
0x74: {  	[tilespmem:s18], [sflag:$0x1] =	stream.indirect.gather [hbm4b:s5+s14], $0x10, s0, s14, $0xb8;
	[tilespmem:$0x10800] =	vst v63  }
0x75: {  	s0 =	sadd.s32 $0x2A00, s28  }
0x76: {  	[tilespmem:s19], [sflag:$0x1] =	stream.indirect.gather [hbm4b:s5+s14], $0x10, s0, s14, $0xb8;
	[tilespmem:$0x10800] =	vst v63  }
0x77: {  	s0 =	sadd.s32 $0x2A80, s28  }
0x78: {  	[tilespmem:s20], [sflag:$0x1] =	stream.indirect.gather [hbm4b:s5+s14], $0x10, s0, s14, $0xb8;
	[tilespmem:$0x10800] =	vst v63  }
0x79: {  	s0 =	sadd.s32 $0x2B00, s28  }
0x7a: {  	[tilespmem:s21], [sflag:$0x1] =	stream.indirect.gather [hbm4b:s5+s14], $0x10, s0, s14, $0xb8;
	[tilespmem:$0x10800] =	vst v63  }
0x7b: {  	s0 =	sadd.s32 $0x2B80, s28  }
0x7c: {  	[tilespmem:s22], [sflag:$0x1] =	stream.indirect.gather [hbm4b:s5+s14], $0x10, s0, s14, $0xb8;
	[tilespmem:$0x10800] =	vst v63  }
0x7d: {  	_ =	swait.ge [sflag:s23], $0x800  }
0x7e: {  	[sflag:s23] =	ssyncset.done $0x0  }
0x7f: {  	[sflag:s23] =	ssyncadd.s32 $0xFFFFF800  }
0x80: {  	_ =	swait.ge [sflag:s23], $0x800  }
0x81: {  	[sflag:s23] =	ssyncset.done $0x0  }
0x82: {  	[sflag:s23] =	ssyncadd.s32 $0xFFFFF800  }
0x83: {  	_ =	swait.ge [sflag:s23], $0x800  }
0x84: {  	[sflag:s23] =	ssyncset.done $0x0  }
0x85: {  	[sflag:s23] =	ssyncadd.s32 $0xFFFFF800  }
0x86: {  	_ =	swait.ge [sflag:s23], $0x800  }
0x87: {  	[sflag:s23] =	ssyncset.done $0x0  }
0x88: {  	[sflag:s23] =	ssyncadd.s32 $0xFFFFF800  }
0x89: {  	_ =	swait.ge [sflag:s23], $0x800  }
0x8a: {  	[sflag:s23] =	ssyncset.done $0x0  }
0x8b: {  	[sflag:s23] =	ssyncadd.s32 $0xFFFFF800  }
0x8c: {  	_ =	swait.ge [sflag:s23], $0x800  }
0x8d: {  	[sflag:s23] =	ssyncset.done $0x0  }
0x8e: {  	[sflag:s23] =	ssyncadd.s32 $0xFFFFF800  }
0x8f: {  	_ =	swait.ge [sflag:s23], $0x800  }
0x90: {  	[sflag:s23] =	ssyncset.done $0x0  }
0x91: {  	[sflag:s23] =	ssyncadd.s32 $0xFFFFF800  }
0x92: {  	_ =	swait.ge [sflag:s23], $0x800  }
0x93: {  	[sflag:s23] =	ssyncset.done $0x0  }
0x94: {  	s0 =	sadd.s32 $0x7800, s28;
	[sflag:s23] =	ssyncadd.s32 $0xFFFFF800  }
0x95: {  	[spmem:s3] =	stream.indirect.scatter.add.f32 [tilespmem:s15], [sflag:$0x2], $0x10, s0, s14, $0xb8;
	[tilespmem:$0x10800] =	vst v63  }
0x96: {  	s0 =	sadd.s32 $0x7880, s28  }
0x97: {  	[spmem:s3] =	stream.indirect.scatter.add.f32 [tilespmem:s16], [sflag:$0x2], $0x10, s0, s14, $0xb8;
	[tilespmem:$0x10800] =	vst v63  }
0x98: {  	s0 =	sadd.s32 $0x7900, s28  }
0x99: {  	[spmem:s3] =	stream.indirect.scatter.add.f32 [tilespmem:s17], [sflag:$0x2], $0x10, s0, s14, $0xb8;
	[tilespmem:$0x10800] =	vst v63  }
0x9a: {  	s0 =	sadd.s32 $0x7980, s28  }
0x9b: {  	[spmem:s3] =	stream.indirect.scatter.add.f32 [tilespmem:s18], [sflag:$0x2], $0x10, s0, s14, $0xb8;
	[tilespmem:$0x10800] =	vst v63  }
0x9c: {  	s0 =	sadd.s32 $0x7A00, s28  }
0x9d: {  	[spmem:s3] =	stream.indirect.scatter.add.f32 [tilespmem:s19], [sflag:$0x2], $0x10, s0, s14, $0xb8;
	[tilespmem:$0x10800] =	vst v63  }
0x9e: {  	s0 =	sadd.s32 $0x7A80, s28  }
0x9f: {  	[spmem:s3] =	stream.indirect.scatter.add.f32 [tilespmem:s20], [sflag:$0x2], $0x10, s0, s14, $0xb8;
	[tilespmem:$0x10800] =	vst v63  }
0xa0: {  	s0 =	sadd.s32 $0x7B00, s28  }
0xa1: {  	[spmem:s3] =	stream.indirect.scatter.add.f32 [tilespmem:s21], [sflag:$0x2], $0x10, s0, s14, $0xb8;
	[tilespmem:$0x10800] =	vst v63  }
0xa2: {  	s0 =	sadd.s32 $0x7B80, s28  }
0xa3: {  	[spmem:s3] =	stream.indirect.scatter.add.f32 [tilespmem:s22], [sflag:$0x2], $0x10, s0, s14, $0xb8;
	[tilespmem:$0x10800] =	vst v63  }
0xa4: {  	_ =	swait.ge [sflag:s25], $0x800  }
0xa5: {  	[sflag:s25] =	ssyncset.done $0x0  }
0xa6: {  	[sflag:s25] =	ssyncadd.s32 $0xFFFFF800  }
0xa7: {  	_ =	swait.ge [sflag:s25], $0x800  }
0xa8: {  	[sflag:s25] =	ssyncset.done $0x0  }
0xa9: {  	[sflag:s25] =	ssyncadd.s32 $0xFFFFF800  }
0xaa: {  	_ =	swait.ge [sflag:s25], $0x800  }
0xab: {  	[sflag:s25] =	ssyncset.done $0x0  }
0xac: {  	[sflag:s25] =	ssyncadd.s32 $0xFFFFF800  }
0xad: {  	_ =	swait.ge [sflag:s25], $0x800  }
0xae: {  	[sflag:s25] =	ssyncset.done $0x0  }
0xaf: {  	[sflag:s25] =	ssyncadd.s32 $0xFFFFF800  }
0xb0: {  	_ =	swait.ge [sflag:s25], $0x800  }
0xb1: {  	[sflag:s25] =	ssyncset.done $0x0  }
0xb2: {  	[sflag:s25] =	ssyncadd.s32 $0xFFFFF800  }
0xb3: {  	_ =	swait.ge [sflag:s25], $0x800  }
0xb4: {  	[sflag:s25] =	ssyncset.done $0x0  }
0xb5: {  	[sflag:s25] =	ssyncadd.s32 $0xFFFFF800  }
.Ltmp0:
0xb6: {  	_ =	swait.ge [sflag:s25], $0x800;
	(pc) =	sbr.rel @p0 .LBB2_2-.Ltmp0, $4  }
0xb7: {  	[sflag:s25] =	ssyncset.done $0x0  }
0xb8: {  	[sflag:s25] =	ssyncadd.s32 $0xFFFFF800  }
0xb9: {  	_ =	swait.ge [sflag:s25], $0x800  }
0xba: {  	s31 =	smov.u32 s29;
	s28 =	sshra.s32 s30, $0x2;
	[sflag:s25] =	ssyncset.done $0x0  }
0xbb: {  	s0 =	sadd.s32 $0x2800, s28;
	[sflag:s25] =	ssyncadd.s32 $0xFFFFF800  }
0xbc: {  	[tilespmem:s15], [sflag:$0x1] =	stream.indirect.gather [hbm4b:s5+s14], $0x10, s0, s14, $0xb8;
	[tilespmem:$0x10800] =	vst v63  }
0xbd: {  	s29 =	sadd.s32 $0x2880, s28  }
0xbe: {  	[tilespmem:s16], [sflag:$0x1] =	stream.indirect.gather [hbm4b:s5+s14], $0x10, s29, s14, $0xb8;
	[tilespmem:$0x10800] =	vst v63  }
0xbf: {  	s30 =	sadd.s32 $0x2900, s28  }
0xc0: {  	[tilespmem:s17], [sflag:$0x1] =	stream.indirect.gather [hbm4b:s5+s14], $0x10, s30, s14, $0xb8;
	[tilespmem:$0x10800] =	vst v63  }
0xc1: {  	s31 =	sadd.s32 $0x2980, s28  }
0xc2: {  	[tilespmem:s18], [sflag:$0x1] =	stream.indirect.gather [hbm4b:s5+s14], $0x10, s31, s14, $0xb8;
	[tilespmem:$0x10800] =	vst v63  }
0xc3: {  	s29 =	sadd.s32 $0x2A00, s28  }
0xc4: {  	[tilespmem:s19], [sflag:$0x1] =	stream.indirect.gather [hbm4b:s5+s14], $0x10, s29, s14, $0xb8;
	[tilespmem:$0x10800] =	vst v63  }
0xc5: {  	s30 =	sadd.s32 $0x2A80, s28  }
0xc6: {  	[tilespmem:s20], [sflag:$0x1] =	stream.indirect.gather [hbm4b:s5+s14], $0x10, s30, s14, $0xb8;
	[tilespmem:$0x10800] =	vst v63  }
0xc7: {  	s31 =	sadd.s32 $0x2B00, s28  }
0xc8: {  	[tilespmem:s21], [sflag:$0x1] =	stream.indirect.gather [hbm4b:s5+s14], $0x10, s31, s14, $0xb8;
	[tilespmem:$0x10800] =	vst v63  }
0xc9: {  	s29 =	sadd.s32 $0x2B80, s28  }
0xca: {  	[tilespmem:s22], [sflag:$0x1] =	stream.indirect.gather [hbm4b:s5+s14], $0x10, s29, s14, $0xb8;
	[tilespmem:$0x10800] =	vst v63  }
0xcb: {  	_ =	swait.ge [sflag:s23], $0x800  }
0xcc: {  	[sflag:s23] =	ssyncset.done $0x0  }
0xcd: {  	[sflag:s23] =	ssyncadd.s32 $0xFFFFF800  }
0xce: {  	_ =	swait.ge [sflag:s23], $0x800  }
0xcf: {  	[sflag:s23] =	ssyncset.done $0x0  }
0xd0: {  	[sflag:s23] =	ssyncadd.s32 $0xFFFFF800  }
0xd1: {  	_ =	swait.ge [sflag:s23], $0x800  }
0xd2: {  	[sflag:s23] =	ssyncset.done $0x0  }
0xd3: {  	[sflag:s23] =	ssyncadd.s32 $0xFFFFF800  }
0xd4: {  	_ =	swait.ge [sflag:s23], $0x800  }
0xd5: {  	[sflag:s23] =	ssyncset.done $0x0  }
0xd6: {  	[sflag:s23] =	ssyncadd.s32 $0xFFFFF800  }
0xd7: {  	_ =	swait.ge [sflag:s23], $0x800  }
0xd8: {  	[sflag:s23] =	ssyncset.done $0x0  }
0xd9: {  	[sflag:s23] =	ssyncadd.s32 $0xFFFFF800  }
0xda: {  	_ =	swait.ge [sflag:s23], $0x800  }
0xdb: {  	[sflag:s23] =	ssyncset.done $0x0  }
0xdc: {  	[sflag:s23] =	ssyncadd.s32 $0xFFFFF800  }
0xdd: {  	_ =	swait.ge [sflag:s23], $0x800  }
0xde: {  	[sflag:s23] =	ssyncset.done $0x0  }
0xdf: {  	[sflag:s23] =	ssyncadd.s32 $0xFFFFF800  }
0xe0: {  	_ =	swait.ge [sflag:s23], $0x800  }
0xe1: {  	[sflag:s23] =	ssyncset.done $0x0  }
0xe2: {  	s30 =	sadd.s32 $0x7800, s28;
	[sflag:s23] =	ssyncadd.s32 $0xFFFFF800  }
0xe3: {  	[spmem:s3] =	stream.indirect.scatter.add.f32 [tilespmem:s15], [sflag:$0x2], $0x10, s30, s14, $0xb8;
	[tilespmem:$0x10800] =	vst v63  }
0xe4: {  	s31 =	sadd.s32 $0x7880, s28  }
0xe5: {  	[spmem:s3] =	stream.indirect.scatter.add.f32 [tilespmem:s16], [sflag:$0x2], $0x10, s31, s14, $0xb8;
	[tilespmem:$0x10800] =	vst v63  }
0xe6: {  	s29 =	sadd.s32 $0x7900, s28  }
0xe7: {  	[spmem:s3] =	stream.indirect.scatter.add.f32 [tilespmem:s17], [sflag:$0x2], $0x10, s29, s14, $0xb8;
	[tilespmem:$0x10800] =	vst v63  }
0xe8: {  	s30 =	sadd.s32 $0x7980, s28  }
0xe9: {  	[spmem:s3] =	stream.indirect.scatter.add.f32 [tilespmem:s18], [sflag:$0x2], $0x10, s30, s14, $0xb8;
	[tilespmem:$0x10800] =	vst v63  }
0xea: {  	s31 =	sadd.s32 $0x7A00, s28  }
0xeb: {  	[spmem:s3] =	stream.indirect.scatter.add.f32 [tilespmem:s19], [sflag:$0x2], $0x10, s31, s14, $0xb8;
	[tilespmem:$0x10800] =	vst v63  }
0xec: {  	s29 =	sadd.s32 $0x7A80, s28  }
0xed: {  	[spmem:s3] =	stream.indirect.scatter.add.f32 [tilespmem:s20], [sflag:$0x2], $0x10, s29, s14, $0xb8;
	[tilespmem:$0x10800] =	vst v63  }
0xee: {  	s30 =	sadd.s32 $0x7B00, s28  }
0xef: {  	[spmem:s3] =	stream.indirect.scatter.add.f32 [tilespmem:s21], [sflag:$0x2], $0x10, s30, s14, $0xb8;
	[tilespmem:$0x10800] =	vst v63  }
0xf0: {  	s31 =	sadd.s32 $0x7B80, s28  }
0xf1: {  	[spmem:s3] =	stream.indirect.scatter.add.f32 [tilespmem:s22], [sflag:$0x2], $0x10, s31, s14, $0xb8;
	[tilespmem:$0x10800] =	vst v63  }
0xf2: {  	_ =	swait.ge [sflag:s25], $0x800  }
0xf3: {  	[sflag:s25] =	ssyncset.done $0x0  }
0xf4: {  	[sflag:s25] =	ssyncadd.s32 $0xFFFFF800  }
0xf5: {  	_ =	swait.ge [sflag:s25], $0x800  }
0xf6: {  	[sflag:s25] =	ssyncset.done $0x0  }
0xf7: {  	[sflag:s25] =	ssyncadd.s32 $0xFFFFF800  }
0xf8: {  	_ =	swait.ge [sflag:s25], $0x800  }
0xf9: {  	[sflag:s25] =	ssyncset.done $0x0  }
0xfa: {  	[sflag:s25] =	ssyncadd.s32 $0xFFFFF800  }
0xfb: {  	_ =	swait.ge [sflag:s25], $0x800  }
0xfc: {  	[sflag:s25] =	ssyncset.done $0x0  }
0xfd: {  	[sflag:s25] =	ssyncadd.s32 $0xFFFFF800  }
0xfe: {  	_ =	swait.ge [sflag:s25], $0x800  }
0xff: {  	[sflag:s25] =	ssyncset.done $0x0  }
0x100: {  	[sflag:s25] =	ssyncadd.s32 $0xFFFFF800  }
0x101: {  	_ =	swait.ge [sflag:s25], $0x800  }
0x102: {  	[sflag:s25] =	ssyncset.done $0x0  }
0x103: {  	[sflag:s25] =	ssyncadd.s32 $0xFFFFF800  }
0x104: {  	_ =	swait.ge [sflag:s25], $0x800  }
0x105: {  	[sflag:s25] =	ssyncset.done $0x0  }
0x106: {  	[sflag:s25] =	ssyncadd.s32 $0xFFFFF800  }
0x107: {  	_ =	swait.ge [sflag:s25], $0x800  }
0x108: {  	s26 =	sadd.s32 $0x1, s26;
	[sflag:s25] =	ssyncset.done $0x0  }
0x109: {  	p0 =	sne.s32 s26, s9;
	[sflag:s25] =	ssyncadd.s32 $0xFFFFF800  }
.Ltmp1:
0x10a: {  	[bflag:$0x0] =	sbarrier.arrive $0xFFFF;
	(pc) =	sbr.rel @p0 .LBB2_1-.Ltmp1, $4  }
0x10b: {  	[hbm:s24], [sflag:s6] =	dma.local [spmem:s10], $0x500  }
0x10c: {  	_ =	swait.ge [sflag:s11], $0x500  }
0x10d: {  	[sflag:s11] =	ssyncset.done $0x0  }
0x10e: {  	[sflag:s11] =	ssyncadd.s32 $0xFFFFFB00  }
0x10f: {  	_ =	sfence.sel $0x180000  }
0x110: {  	[bflag:$0x0] =	sbarrier.arrive $0xFFFF  }
0x111: {  	_ =	strace $0x90000047  }
0x112: {  	[bflag:$0x2] =	sbarrier.arrive $0xFFFF  }
0x113: {  	p0 =	sne.s32 s1, $0x0;
	s0 =	rddreg [dreg:$0x3]  }
0x114: {  	s0 =	sadd.s32 @!p0 $0x100000, s0  }
0x115: {  	[sflag:s0] =	ssyncadd.tile.s32 @!p0 $0x1;
	_ =	shalt  }
.Lfunc_end2:
_tile_overlayer_lowered:
.L_overlay_start_2:
0x116: {  	(tag) =	ssettag $0x2  }
0x117: {  	s0 =	rddreg [dreg:$0x0];
	s2 =	stileid.u32  }
0x118: {  	s1 =	rddreg [dreg:$0x1];
	p0 =	sne.s32 s2, $0x0  }
0x119: {  	s3 =	rddreg [dreg:$0x2];
	[bflag:$0x3] =	sbarrier.arrive $0xFFFF;
	s2 =	simm.s32 @!p0 $0x1C03  }
0x11a: {  	[timem:s3], [sflag:s2] =	dma.local @!p0 [hbm:s0], s1  }
0x11b: {  	s0 =	simm.s32 @!p0 $0x3  }
0x11c: {  	_ =	swait.ge @!p0 [sflag:s0], s1  }
0x11d: {  	s1 =	ssub.s32 @!p0 $0x0, s1;
	[sflag:s0] =	ssyncset.done @!p0 $0x0  }
0x11e: {  	[sflag:s0] =	ssyncadd.s32 @!p0 s1  }
0x11f: {  	[bflag:$0x3] =	sbarrier.arrive $0xFFFF  }
0x120: {  	_ =	shalt  }

</sc_bundles>
